<compile_context>
chip_gen: v7x
topology: tpu7x:2x2x1
jax: 0.10.2.dev20260603
libtpu: 0.0.44.dev20260713+nightly
codegen_flags: <defaults>
</compile_context>

<pallas_src>
import jax
import jax.numpy as jnp
from jax import lax
from jax.experimental import pallas as pl
from jax.experimental.pallas import tpu as pltpu
from jax.experimental.pallas import tpu_sc as plsc

B = 16384
D = 64
TPB = 8
L = 16
NC = 2
NS = 16
NW = NC * NS
B_PER_W = B // NW
CHUNK = 16
N_CHUNKS = B_PER_W // CHUNK
NBUF = 2


def _sc_body(utid_hbm, itid_hbm, uoff_hbm, ioff_hbm,
             utab_hbm, itab_hbm, out_hbm,
             utid_v, itid_v, uoff_v, ioff_v, ub_v, ib_v, out_v, usem, isem):
    wid = lax.axis_index("s") * NC + lax.axis_index("c")

    pltpu.sync_copy(utid_hbm.at[wid], utid_v)
    pltpu.sync_copy(itid_hbm.at[wid], itid_v)
    pltpu.sync_copy(uoff_hbm.at[wid], uoff_v)
    pltpu.sync_copy(ioff_hbm.at[wid], ioff_v)

    def fire(j, buf):
        ut16 = utid_v[pl.ds(j * CHUNK, L)]
        it16 = itid_v[pl.ds(j * CHUNK, L)]
        for k in range(L):
            pltpu.async_copy(utab_hbm.at[ut16[k]], ub_v.at[buf, k], usem)
            pltpu.async_copy(itab_hbm.at[it16[k]], ib_v.at[buf, k], isem)

    def drain(buf):
        pltpu.make_async_copy(
            utab_hbm.at[pl.ds(0, CHUNK)], ub_v.at[buf], usem).wait()
        pltpu.make_async_copy(
            itab_hbm.at[pl.ds(0, CHUNK)], ib_v.at[buf], isem).wait()

    fire(0, 0)

    lane = jnp.arange(L, dtype=jnp.int32)

    def chunk_body(j, _):
        buf = j % NBUF

        @pl.when(j + 1 < N_CHUNKS)
        def _():
            fire(j + 1, (j + 1) % NBUF)

        drain(buf)

        bufv = lane * 0 + buf
        base = j * CHUNK
        uoff = uoff_v[pl.ds(base, L)]
        ioff = ioff_v[pl.ds(base, L)]
        zero = lane * 0
        acc = (plsc.load_gather(ub_v, [bufv, lane, uoff, zero])
               * plsc.load_gather(ib_v, [bufv, lane, ioff, zero]))
        for d in range(1, D):
            col = zero + d
            acc = acc + (plsc.load_gather(ub_v, [bufv, lane, uoff, col])
                         * plsc.load_gather(ib_v, [bufv, lane, ioff, col]))
        out_v[pl.ds(base, L)] = acc
        return 0

    lax.fori_loop(0, N_CHUNKS, chunk_body, 0)

    pltpu.sync_copy(out_v, out_hbm.at[pl.ds(wid * B_PER_W, B_PER_W)])


@jax.jit
def _run(user, item, user_table, item_table):
    mesh = plsc.VectorSubcoreMesh(core_axis_name="c", subcore_axis_name="s")
    kern = pl.kernel(
        _sc_body,
        out_type=jax.ShapeDtypeStruct((B,), jnp.float32),
        mesh=mesh,
        scratch_types=[
            pltpu.VMEM((B_PER_W,), jnp.int32),
            pltpu.VMEM((B_PER_W,), jnp.int32),
            pltpu.VMEM((B_PER_W,), jnp.int32),
            pltpu.VMEM((B_PER_W,), jnp.int32),
            pltpu.VMEM((NBUF, CHUNK, TPB, D), jnp.float32),
            pltpu.VMEM((NBUF, CHUNK, TPB, D), jnp.float32),
            pltpu.VMEM((B_PER_W,), jnp.float32),
            pltpu.SemaphoreType.DMA,
            pltpu.SemaphoreType.DMA,
        ],
        compiler_params=pltpu.CompilerParams(needs_layout_passes=False),
    )
    u = user.astype(jnp.int32)
    i = item.astype(jnp.int32)
    return kern(
        (u >> 3).reshape(NW, B_PER_W),
        (i >> 3).reshape(NW, B_PER_W),
        (u & 7).reshape(NW, B_PER_W),
        (i & 7).reshape(NW, B_PER_W),
        user_table.reshape(1000000 // TPB, TPB, D),
        item_table.reshape(1000000 // TPB, TPB, D),
    )


def kernel(user, item, user_table, item_table):
    return _run(user, item, user_table, item_table)

# --- scband reference (transcript-rebuilt; emitter-appended) ---
"""Pipeline reference for scband-svd-42657615184095 (READ-ONLY COPY).

The authoritative reference and input builder live on the scoring server;
editing this copy changes nothing except your own understanding.
"""

import jax, jax.numpy as jnp
import numpy as np

NUM_USERS = 1000000
NUM_ITEMS = 1000000
LATENT_DIM = 64
BATCH = 16384


def setup_inputs(seed: int = 0) -> dict:
    key = jax.random.key(seed)
    k_user, k_item, k_ut, k_it = jax.random.split(key, 4)
    user = jax.random.randint(k_user, (BATCH,), 0, NUM_USERS, dtype=jnp.int64 if jax.config.read('jax_enable_x64') else jnp.int32)
    item = jax.random.randint(k_item, (BATCH,), 0, NUM_ITEMS, dtype=jnp.int64 if jax.config.read('jax_enable_x64') else jnp.int32)
    user_table = jax.random.normal(k_ut, (NUM_USERS, LATENT_DIM), dtype=jnp.float32)
    item_table = jax.random.normal(k_it, (NUM_ITEMS, LATENT_DIM), dtype=jnp.float32)
    return {"user": user, "item": item, "user_table": user_table, "item_table": item_table}


def reference(user, item, user_table, item_table):
    # user_embed = self.user_embeddings(user)
    user_embed = jnp.take(user_table, user, axis=0)
    # item_embed = self.item_embeddings(item)
    item_embed = jnp.take(item_table, item, axis=0)
    # torch.sum(user_embed * item_embed, dim=1)
    return jnp.sum(user_embed * item_embed, axis=1)

if __name__ == "__main__":
    import jax
    _d = setup_inputs()
    print(jax.jit(kernel)(*tuple(_d.values())))

</pallas_src>

<mosaic_0001>
#map = affine_map<(d0, d1) -> (0, 0)>
#map1 = affine_map<(d0, d1) -> (0, 0, 0)>
#map2 = affine_map<(d0, d1) -> (0)>
module attributes {stable_mosaic.version = 14 : i64} {
  func.func @_sc_body(%arg0: i32, %arg1: i32, %arg2: memref<32x512xi32, #tpu.memory_space<hbm>>, %arg3: memref<32x512xi32, #tpu.memory_space<hbm>>, %arg4: memref<32x512xi32, #tpu.memory_space<hbm>>, %arg5: memref<32x512xi32, #tpu.memory_space<hbm>>, %arg6: memref<125000x8x64xf32, #tpu.memory_space<hbm>>, %arg7: memref<125000x8x64xf32, #tpu.memory_space<hbm>>, %arg8: memref<16384xf32, #tpu.memory_space<hbm>>, %arg9: memref<512xi32, #tpu.memory_space<vmem>>, %arg10: memref<512xi32, #tpu.memory_space<vmem>>, %arg11: memref<512xi32, #tpu.memory_space<vmem>>, %arg12: memref<512xi32, #tpu.memory_space<vmem>>, %arg13: memref<2x16x8x64xf32, #tpu.memory_space<vmem>>, %arg14: memref<2x16x8x64xf32, #tpu.memory_space<vmem>>, %arg15: memref<512xf32, #tpu.memory_space<vmem>>, %arg16: memref<!tpu.dma_semaphore, #tpu.memory_space<semaphore_mem>>, %arg17: memref<!tpu.dma_semaphore, #tpu.memory_space<semaphore_mem>>) attributes {dimension_semantics = [#tpu.dimension_semantics<core_parallel>, #tpu.dimension_semantics<subcore_parallel>], iteration_bounds = array<i64: 2, 16>, scalar_prefetch = 0 : i64, scratch_operands = 9 : i64, tpu.core_type = #tpu.core_type<sc_vector_subcore>, window_params = [{transform_indices = #map}, {transform_indices = #map}, {transform_indices = #map}, {transform_indices = #map}, {transform_indices = #map1}, {transform_indices = #map1}, {transform_indices = #map2}]} {
    %mul3A = arith.constant 2 : i32
    %mul3A_0 = arith.muli %arg1, %mul3A : i32
    %add3A = arith.addi %mul3A_0, %arg0 : i32
    "tpu.region"() ({
      %run_scoped3A = tpu.sem_alloc : memref<!tpu.dma_semaphore, #tpu.memory_space<semaphore_mem>>
      %dma_start3A_649 = arith.constant 0 : i32
      %dma_start3A_650 = tpu.memref_slice %arg2[%add3A, %dma_start3A_649] : memref<32x512xi32, #tpu.memory_space<hbm>> -> memref<1x512xi32, #tpu.memory_space<hbm>>
      %dma_start3A_651 = tpu.memref_squeeze %dma_start3A_650 : memref<1x512xi32, #tpu.memory_space<hbm>> -> memref<512xi32, #tpu.memory_space<hbm>>
      %dma_start3A_652 = arith.constant 0 : i32
      %dma_start3A_653 = tpu.memref_slice %arg2[%add3A, %dma_start3A_652] : memref<32x512xi32, #tpu.memory_space<hbm>> -> memref<1x512xi32, #tpu.memory_space<hbm>>
      %dma_start3A_654 = tpu.memref_squeeze %dma_start3A_653 : memref<1x512xi32, #tpu.memory_space<hbm>> -> memref<512xi32, #tpu.memory_space<hbm>>
      tpu.enqueue_dma source(%dma_start3A_654 : memref<512xi32, #tpu.memory_space<hbm>>) target(%arg9 : memref<512xi32, #tpu.memory_space<vmem>>) target_semaphore(%run_scoped3A : memref<!tpu.dma_semaphore, #tpu.memory_space<semaphore_mem>>)
      %dma_wait3A = arith.constant 0 : i32
      %dma_wait3A_655 = tpu.memref_slice %arg2[%add3A, %dma_wait3A] : memref<32x512xi32, #tpu.memory_space<hbm>> -> memref<1x512xi32, #tpu.memory_space<hbm>>
      %dma_wait3A_656 = tpu.memref_squeeze %dma_wait3A_655 : memref<1x512xi32, #tpu.memory_space<hbm>> -> memref<512xi32, #tpu.memory_space<hbm>>
      %dma_wait3A_657 = arith.constant 0 : i32
      %dma_wait3A_658 = tpu.memref_slice %arg2[%add3A, %dma_wait3A_657] : memref<32x512xi32, #tpu.memory_space<hbm>> -> memref<1x512xi32, #tpu.memory_space<hbm>>
      %dma_wait3A_659 = tpu.memref_squeeze %dma_wait3A_658 : memref<1x512xi32, #tpu.memory_space<hbm>> -> memref<512xi32, #tpu.memory_space<hbm>>
      tpu.wait_dma2 semaphore(%run_scoped3A : memref<!tpu.dma_semaphore, #tpu.memory_space<semaphore_mem>>) src(%dma_wait3A_659 : memref<512xi32, #tpu.memory_space<hbm>>) dst(%arg9 : memref<512xi32, #tpu.memory_space<vmem>>)
      tpu.yield
    }) : () -> ()
    "tpu.region"() ({
      %run_scoped3A = tpu.sem_alloc : memref<!tpu.dma_semaphore, #tpu.memory_space<semaphore_mem>>
      %dma_start3A_649 = arith.constant 0 : i32
      %dma_start3A_650 = tpu.memref_slice %arg3[%add3A, %dma_start3A_649] : memref<32x512xi32, #tpu.memory_space<hbm>> -> memref<1x512xi32, #tpu.memory_space<hbm>>
      %dma_start3A_651 = tpu.memref_squeeze %dma_start3A_650 : memref<1x512xi32, #tpu.memory_space<hbm>> -> memref<512xi32, #tpu.memory_space<hbm>>
      %dma_start3A_652 = arith.constant 0 : i32
      %dma_start3A_653 = tpu.memref_slice %arg3[%add3A, %dma_start3A_652] : memref<32x512xi32, #tpu.memory_space<hbm>> -> memref<1x512xi32, #tpu.memory_space<hbm>>
      %dma_start3A_654 = tpu.memref_squeeze %dma_start3A_653 : memref<1x512xi32, #tpu.memory_space<hbm>> -> memref<512xi32, #tpu.memory_space<hbm>>
      tpu.enqueue_dma source(%dma_start3A_654 : memref<512xi32, #tpu.memory_space<hbm>>) target(%arg10 : memref<512xi32, #tpu.memory_space<vmem>>) target_semaphore(%run_scoped3A : memref<!tpu.dma_semaphore, #tpu.memory_space<semaphore_mem>>)
      %dma_wait3A = arith.constant 0 : i32
      %dma_wait3A_655 = tpu.memref_slice %arg3[%add3A, %dma_wait3A] : memref<32x512xi32, #tpu.memory_space<hbm>> -> memref<1x512xi32, #tpu.memory_space<hbm>>
      %dma_wait3A_656 = tpu.memref_squeeze %dma_wait3A_655 : memref<1x512xi32, #tpu.memory_space<hbm>> -> memref<512xi32, #tpu.memory_space<hbm>>
      %dma_wait3A_657 = arith.constant 0 : i32
      %dma_wait3A_658 = tpu.memref_slice %arg3[%add3A, %dma_wait3A_657] : memref<32x512xi32, #tpu.memory_space<hbm>> -> memref<1x512xi32, #tpu.memory_space<hbm>>
      %dma_wait3A_659 = tpu.memref_squeeze %dma_wait3A_658 : memref<1x512xi32, #tpu.memory_space<hbm>> -> memref<512xi32, #tpu.memory_space<hbm>>
      tpu.wait_dma2 semaphore(%run_scoped3A : memref<!tpu.dma_semaphore, #tpu.memory_space<semaphore_mem>>) src(%dma_wait3A_659 : memref<512xi32, #tpu.memory_space<hbm>>) dst(%arg10 : memref<512xi32, #tpu.memory_space<vmem>>)
      tpu.yield
    }) : () -> ()
    "tpu.region"() ({
      %run_scoped3A = tpu.sem_alloc : memref<!tpu.dma_semaphore, #tpu.memory_space<semaphore_mem>>
      %dma_start3A_649 = arith.constant 0 : i32
      %dma_start3A_650 = tpu.memref_slice %arg4[%add3A, %dma_start3A_649] : memref<32x512xi32, #tpu.memory_space<hbm>> -> memref<1x512xi32, #tpu.memory_space<hbm>>
      %dma_start3A_651 = tpu.memref_squeeze %dma_start3A_650 : memref<1x512xi32, #tpu.memory_space<hbm>> -> memref<512xi32, #tpu.memory_space<hbm>>
      %dma_start3A_652 = arith.constant 0 : i32
      %dma_start3A_653 = tpu.memref_slice %arg4[%add3A, %dma_start3A_652] : memref<32x512xi32, #tpu.memory_space<hbm>> -> memref<1x512xi32, #tpu.memory_space<hbm>>
      %dma_start3A_654 = tpu.memref_squeeze %dma_start3A_653 : memref<1x512xi32, #tpu.memory_space<hbm>> -> memref<512xi32, #tpu.memory_space<hbm>>
      tpu.enqueue_dma source(%dma_start3A_654 : memref<512xi32, #tpu.memory_space<hbm>>) target(%arg11 : memref<512xi32, #tpu.memory_space<vmem>>) target_semaphore(%run_scoped3A : memref<!tpu.dma_semaphore, #tpu.memory_space<semaphore_mem>>)
      %dma_wait3A = arith.constant 0 : i32
      %dma_wait3A_655 = tpu.memref_slice %arg4[%add3A, %dma_wait3A] : memref<32x512xi32, #tpu.memory_space<hbm>> -> memref<1x512xi32, #tpu.memory_space<hbm>>
      %dma_wait3A_656 = tpu.memref_squeeze %dma_wait3A_655 : memref<1x512xi32, #tpu.memory_space<hbm>> -> memref<512xi32, #tpu.memory_space<hbm>>
      %dma_wait3A_657 = arith.constant 0 : i32
      %dma_wait3A_658 = tpu.memref_slice %arg4[%add3A, %dma_wait3A_657] : memref<32x512xi32, #tpu.memory_space<hbm>> -> memref<1x512xi32, #tpu.memory_space<hbm>>
      %dma_wait3A_659 = tpu.memref_squeeze %dma_wait3A_658 : memref<1x512xi32, #tpu.memory_space<hbm>> -> memref<512xi32, #tpu.memory_space<hbm>>
      tpu.wait_dma2 semaphore(%run_scoped3A : memref<!tpu.dma_semaphore, #tpu.memory_space<semaphore_mem>>) src(%dma_wait3A_659 : memref<512xi32, #tpu.memory_space<hbm>>) dst(%arg11 : memref<512xi32, #tpu.memory_space<vmem>>)
      tpu.yield
    }) : () -> ()
    "tpu.region"() ({
      %run_scoped3A = tpu.sem_alloc : memref<!tpu.dma_semaphore, #tpu.memory_space<semaphore_mem>>
      %dma_start3A_649 = arith.constant 0 : i32
      %dma_start3A_650 = tpu.memref_slice %arg5[%add3A, %dma_start3A_649] : memref<32x512xi32, #tpu.memory_space<hbm>> -> memref<1x512xi32, #tpu.memory_space<hbm>>
      %dma_start3A_651 = tpu.memref_squeeze %dma_start3A_650 : memref<1x512xi32, #tpu.memory_space<hbm>> -> memref<512xi32, #tpu.memory_space<hbm>>
      %dma_start3A_652 = arith.constant 0 : i32
      %dma_start3A_653 = tpu.memref_slice %arg5[%add3A, %dma_start3A_652] : memref<32x512xi32, #tpu.memory_space<hbm>> -> memref<1x512xi32, #tpu.memory_space<hbm>>
      %dma_start3A_654 = tpu.memref_squeeze %dma_start3A_653 : memref<1x512xi32, #tpu.memory_space<hbm>> -> memref<512xi32, #tpu.memory_space<hbm>>
      tpu.enqueue_dma source(%dma_start3A_654 : memref<512xi32, #tpu.memory_space<hbm>>) target(%arg12 : memref<512xi32, #tpu.memory_space<vmem>>) target_semaphore(%run_scoped3A : memref<!tpu.dma_semaphore, #tpu.memory_space<semaphore_mem>>)
      %dma_wait3A = arith.constant 0 : i32
      %dma_wait3A_655 = tpu.memref_slice %arg5[%add3A, %dma_wait3A] : memref<32x512xi32, #tpu.memory_space<hbm>> -> memref<1x512xi32, #tpu.memory_space<hbm>>
      %dma_wait3A_656 = tpu.memref_squeeze %dma_wait3A_655 : memref<1x512xi32, #tpu.memory_space<hbm>> -> memref<512xi32, #tpu.memory_space<hbm>>
      %dma_wait3A_657 = arith.constant 0 : i32
      %dma_wait3A_658 = tpu.memref_slice %arg5[%add3A, %dma_wait3A_657] : memref<32x512xi32, #tpu.memory_space<hbm>> -> memref<1x512xi32, #tpu.memory_space<hbm>>
      %dma_wait3A_659 = tpu.memref_squeeze %dma_wait3A_658 : memref<1x512xi32, #tpu.memory_space<hbm>> -> memref<512xi32, #tpu.memory_space<hbm>>
      tpu.wait_dma2 semaphore(%run_scoped3A : memref<!tpu.dma_semaphore, #tpu.memory_space<semaphore_mem>>) src(%dma_wait3A_659 : memref<512xi32, #tpu.memory_space<hbm>>) dst(%arg12 : memref<512xi32, #tpu.memory_space<vmem>>)
      tpu.yield
    }) : () -> ()
    %get3A = arith.constant 0 : index
    %get3A_1 = tpu.vector_load %arg9[%get3A] {strides = array<i32>} : memref<512xi32, #tpu.memory_space<vmem>>, vector<16xi32>,
    %get3A_2 = arith.constant 0 : index
    %get3A_3 = tpu.vector_load %arg10[%get3A_2] {strides = array<i32>} : memref<512xi32, #tpu.memory_space<vmem>>, vector<16xi32>,
    %slice3A = vector.extract_strided_slice %get3A_1 {offsets = [0], sizes = [1], strides = [1]} : vector<16xi32> to vector<1xi32>
    %squeeze3A = vector.extract %slice3A[0] : i32 from vector<1xi32>
    %dma_start3A = arith.constant 0 : i32
    %dma_start3A_4 = arith.constant 0 : i32
    %dma_start3A_5 = arith.constant 0 : i32
    %dma_start3A_6 = arith.constant 0 : i32
    %dma_start3A_7 = tpu.memref_slice %arg13[%dma_start3A, %dma_start3A_4, %dma_start3A_5, %dma_start3A_6] : memref<2x16x8x64xf32, #tpu.memory_space<vmem>> -> memref<1x1x8x64xf32, #tpu.memory_space<vmem>>
    %dma_start3A_8 = tpu.memref_squeeze %dma_start3A_7 : memref<1x1x8x64xf32, #tpu.memory_space<vmem>> -> memref<8x64xf32, #tpu.memory_space<vmem>>
    %dma_start3A_9 = arith.constant 0 : i32
    %dma_start3A_10 = arith.constant 0 : i32
    %dma_start3A_11 = tpu.memref_slice %arg6[%squeeze3A, %dma_start3A_9, %dma_start3A_10] : memref<125000x8x64xf32, #tpu.memory_space<hbm>> -> memref<1x8x64xf32, #tpu.memory_space<hbm>>
    %dma_start3A_12 = tpu.memref_squeeze %dma_start3A_11 : memref<1x8x64xf32, #tpu.memory_space<hbm>> -> memref<8x64xf32, #tpu.memory_space<hbm>>
    %dma_start3A_13 = arith.constant 0 : i32
    %dma_start3A_14 = arith.constant 0 : i32
    %dma_start3A_15 = tpu.memref_slice %arg13[%dma_start3A, %dma_start3A_4, %dma_start3A_13, %dma_start3A_14] : memref<2x16x8x64xf32, #tpu.memory_space<vmem>> -> memref<1x1x8x64xf32, #tpu.memory_space<vmem>>
    %dma_start3A_16 = tpu.memref_squeeze %dma_start3A_15 : memref<1x1x8x64xf32, #tpu.memory_space<vmem>> -> memref<8x64xf32, #tpu.memory_space<vmem>>
    %dma_start3A_17 = arith.constant 0 : i32
    %dma_start3A_18 = arith.constant 0 : i32
    %dma_start3A_19 = tpu.memref_slice %arg6[%squeeze3A, %dma_start3A_17, %dma_start3A_18] : memref<125000x8x64xf32, #tpu.memory_space<hbm>> -> memref<1x8x64xf32, #tpu.memory_space<hbm>>
    %dma_start3A_20 = tpu.memref_squeeze %dma_start3A_19 : memref<1x8x64xf32, #tpu.memory_space<hbm>> -> memref<8x64xf32, #tpu.memory_space<hbm>>
    tpu.enqueue_dma source(%dma_start3A_20 : memref<8x64xf32, #tpu.memory_space<hbm>>) target(%dma_start3A_16 : memref<8x64xf32, #tpu.memory_space<vmem>>) target_semaphore(%arg16 : memref<!tpu.dma_semaphore, #tpu.memory_space<semaphore_mem>>)
    %slice3A_21 = vector.extract_strided_slice %get3A_3 {offsets = [0], sizes = [1], strides = [1]} : vector<16xi32> to vector<1xi32>
    %squeeze3A_22 = vector.extract %slice3A_21[0] : i32 from vector<1xi32>
    %dma_start3A_23 = arith.constant 0 : i32
    %dma_start3A_24 = arith.constant 0 : i32
    %dma_start3A_25 = arith.constant 0 : i32
    %dma_start3A_26 = arith.constant 0 : i32
    %dma_start3A_27 = tpu.memref_slice %arg14[%dma_start3A_23, %dma_start3A_24, %dma_start3A_25, %dma_start3A_26] : memref<2x16x8x64xf32, #tpu.memory_space<vmem>> -> memref<1x1x8x64xf32, #tpu.memory_space<vmem>>
    %dma_start3A_28 = tpu.memref_squeeze %dma_start3A_27 : memref<1x1x8x64xf32, #tpu.memory_space<vmem>> -> memref<8x64xf32, #tpu.memory_space<vmem>>
    %dma_start3A_29 = arith.constant 0 : i32
    %dma_start3A_30 = arith.constant 0 : i32
    %dma_start3A_31 = tpu.memref_slice %arg7[%squeeze3A_22, %dma_start3A_29, %dma_start3A_30] : memref<125000x8x64xf32, #tpu.memory_space<hbm>> -> memref<1x8x64xf32, #tpu.memory_space<hbm>>
    %dma_start3A_32 = tpu.memref_squeeze %dma_start3A_31 : memref<1x8x64xf32, #tpu.memory_space<hbm>> -> memref<8x64xf32, #tpu.memory_space<hbm>>
    %dma_start3A_33 = arith.constant 0 : i32
    %dma_start3A_34 = arith.constant 0 : i32
    %dma_start3A_35 = tpu.memref_slice %arg14[%dma_start3A_23, %dma_start3A_24, %dma_start3A_33, %dma_start3A_34] : memref<2x16x8x64xf32, #tpu.memory_space<vmem>> -> memref<1x1x8x64xf32, #tpu.memory_space<vmem>>
    %dma_start3A_36 = tpu.memref_squeeze %dma_start3A_35 : memref<1x1x8x64xf32, #tpu.memory_space<vmem>> -> memref<8x64xf32, #tpu.memory_space<vmem>>
    %dma_start3A_37 = arith.constant 0 : i32
    %dma_start3A_38 = arith.constant 0 : i32
    %dma_start3A_39 = tpu.memref_slice %arg7[%squeeze3A_22, %dma_start3A_37, %dma_start3A_38] : memref<125000x8x64xf32, #tpu.memory_space<hbm>> -> memref<1x8x64xf32, #tpu.memory_space<hbm>>
    %dma_start3A_40 = tpu.memref_squeeze %dma_start3A_39 : memref<1x8x64xf32, #tpu.memory_space<hbm>> -> memref<8x64xf32, #tpu.memory_space<hbm>>
    tpu.enqueue_dma source(%dma_start3A_40 : memref<8x64xf32, #tpu.memory_space<hbm>>) target(%dma_start3A_36 : memref<8x64xf32, #tpu.memory_space<vmem>>) target_semaphore(%arg17 : memref<!tpu.dma_semaphore, #tpu.memory_space<semaphore_mem>>)
    %slice3A_41 = vector.extract_strided_slice %get3A_1 {offsets = [1], sizes = [1], strides = [1]} : vector<16xi32> to vector<1xi32>
    %squeeze3A_42 = vector.extract %slice3A_41[0] : i32 from vector<1xi32>
    %dma_start3A_43 = arith.constant 0 : i32
    %dma_start3A_44 = arith.constant 1 : i32
    %dma_start3A_45 = arith.constant 0 : i32
    %dma_start3A_46 = arith.constant 0 : i32
    %dma_start3A_47 = tpu.memref_slice %arg13[%dma_start3A_43, %dma_start3A_44, %dma_start3A_45, %dma_start3A_46] : memref<2x16x8x64xf32, #tpu.memory_space<vmem>> -> memref<1x1x8x64xf32, #tpu.memory_space<vmem>>
    %dma_start3A_48 = tpu.memref_squeeze %dma_start3A_47 : memref<1x1x8x64xf32, #tpu.memory_space<vmem>> -> memref<8x64xf32, #tpu.memory_space<vmem>>
    %dma_start3A_49 = arith.constant 0 : i32
    %dma_start3A_50 = arith.constant 0 : i32
    %dma_start3A_51 = tpu.memref_slice %arg6[%squeeze3A_42, %dma_start3A_49, %dma_start3A_50] : memref<125000x8x64xf32, #tpu.memory_space<hbm>> -> memref<1x8x64xf32, #tpu.memory_space<hbm>>
    %dma_start3A_52 = tpu.memref_squeeze %dma_start3A_51 : memref<1x8x64xf32, #tpu.memory_space<hbm>> -> memref<8x64xf32, #tpu.memory_space<hbm>>
    %dma_start3A_53 = arith.constant 0 : i32
    %dma_start3A_54 = arith.constant 0 : i32
    %dma_start3A_55 = tpu.memref_slice %arg13[%dma_start3A_43, %dma_start3A_44, %dma_start3A_53, %dma_start3A_54] : memref<2x16x8x64xf32, #tpu.memory_space<vmem>> -> memref<1x1x8x64xf32, #tpu.memory_space<vmem>>
    %dma_start3A_56 = tpu.memref_squeeze %dma_start3A_55 : memref<1x1x8x64xf32, #tpu.memory_space<vmem>> -> memref<8x64xf32, #tpu.memory_space<vmem>>
    %dma_start3A_57 = arith.constant 0 : i32
    %dma_start3A_58 = arith.constant 0 : i32
    %dma_start3A_59 = tpu.memref_slice %arg6[%squeeze3A_42, %dma_start3A_57, %dma_start3A_58] : memref<125000x8x64xf32, #tpu.memory_space<hbm>> -> memref<1x8x64xf32, #tpu.memory_space<hbm>>
    %dma_start3A_60 = tpu.memref_squeeze %dma_start3A_59 : memref<1x8x64xf32, #tpu.memory_space<hbm>> -> memref<8x64xf32, #tpu.memory_space<hbm>>
    tpu.enqueue_dma source(%dma_start3A_60 : memref<8x64xf32, #tpu.memory_space<hbm>>) target(%dma_start3A_56 : memref<8x64xf32, #tpu.memory_space<vmem>>) target_semaphore(%arg16 : memref<!tpu.dma_semaphore, #tpu.memory_space<semaphore_mem>>)
    %slice3A_61 = vector.extract_strided_slice %get3A_3 {offsets = [1], sizes = [1], strides = [1]} : vector<16xi32> to vector<1xi32>
    %squeeze3A_62 = vector.extract %slice3A_61[0] : i32 from vector<1xi32>
    %dma_start3A_63 = arith.constant 0 : i32
    %dma_start3A_64 = arith.constant 1 : i32
    %dma_start3A_65 = arith.constant 0 : i32
    %dma_start3A_66 = arith.constant 0 : i32
    %dma_start3A_67 = tpu.memref_slice %arg14[%dma_start3A_63, %dma_start3A_64, %dma_start3A_65, %dma_start3A_66] : memref<2x16x8x64xf32, #tpu.memory_space<vmem>> -> memref<1x1x8x64xf32, #tpu.memory_space<vmem>>
    %dma_start3A_68 = tpu.memref_squeeze %dma_start3A_67 : memref<1x1x8x64xf32, #tpu.memory_space<vmem>> -> memref<8x64xf32, #tpu.memory_space<vmem>>
    %dma_start3A_69 = arith.constant 0 : i32
    %dma_start3A_70 = arith.constant 0 : i32
    %dma_start3A_71 = tpu.memref_slice %arg7[%squeeze3A_62, %dma_start3A_69, %dma_start3A_70] : memref<125000x8x64xf32, #tpu.memory_space<hbm>> -> memref<1x8x64xf32, #tpu.memory_space<hbm>>
    %dma_start3A_72 = tpu.memref_squeeze %dma_start3A_71 : memref<1x8x64xf32, #tpu.memory_space<hbm>> -> memref<8x64xf32, #tpu.memory_space<hbm>>
    %dma_start3A_73 = arith.constant 0 : i32
    %dma_start3A_74 = arith.constant 0 : i32
    %dma_start3A_75 = tpu.memref_slice %arg14[%dma_start3A_63, %dma_start3A_64, %dma_start3A_73, %dma_start3A_74] : memref<2x16x8x64xf32, #tpu.memory_space<vmem>> -> memref<1x1x8x64xf32, #tpu.memory_space<vmem>>
    %dma_start3A_76 = tpu.memref_squeeze %dma_start3A_75 : memref<1x1x8x64xf32, #tpu.memory_space<vmem>> -> memref<8x64xf32, #tpu.memory_space<vmem>>
    %dma_start3A_77 = arith.constant 0 : i32
    %dma_start3A_78 = arith.constant 0 : i32
    %dma_start3A_79 = tpu.memref_slice %arg7[%squeeze3A_62, %dma_start3A_77, %dma_start3A_78] : memref<125000x8x64xf32, #tpu.memory_space<hbm>> -> memref<1x8x64xf32, #tpu.memory_space<hbm>>
    %dma_start3A_80 = tpu.memref_squeeze %dma_start3A_79 : memref<1x8x64xf32, #tpu.memory_space<hbm>> -> memref<8x64xf32, #tpu.memory_space<hbm>>
    tpu.enqueue_dma source(%dma_start3A_80 : memref<8x64xf32, #tpu.memory_space<hbm>>) target(%dma_start3A_76 : memref<8x64xf32, #tpu.memory_space<vmem>>) target_semaphore(%arg17 : memref<!tpu.dma_semaphore, #tpu.memory_space<semaphore_mem>>)
    %slice3A_81 = vector.extract_strided_slice %get3A_1 {offsets = [2], sizes = [1], strides = [1]} : vector<16xi32> to vector<1xi32>
    %squeeze3A_82 = vector.extract %slice3A_81[0] : i32 from vector<1xi32>
    %dma_start3A_83 = arith.constant 0 : i32
    %dma_start3A_84 = arith.constant 2 : i32
    %dma_start3A_85 = arith.constant 0 : i32
    %dma_start3A_86 = arith.constant 0 : i32
    %dma_start3A_87 = tpu.memref_slice %arg13[%dma_start3A_83, %dma_start3A_84, %dma_start3A_85, %dma_start3A_86] : memref<2x16x8x64xf32, #tpu.memory_space<vmem>> -> memref<1x1x8x64xf32, #tpu.memory_space<vmem>>
    %dma_start3A_88 = tpu.memref_squeeze %dma_start3A_87 : memref<1x1x8x64xf32, #tpu.memory_space<vmem>> -> memref<8x64xf32, #tpu.memory_space<vmem>>
    %dma_start3A_89 = arith.constant 0 : i32
    %dma_start3A_90 = arith.constant 0 : i32
    %dma_start3A_91 = tpu.memref_slice %arg6[%squeeze3A_82, %dma_start3A_89, %dma_start3A_90] : memref<125000x8x64xf32, #tpu.memory_space<hbm>> -> memref<1x8x64xf32, #tpu.memory_space<hbm>>
    %dma_start3A_92 = tpu.memref_squeeze %dma_start3A_91 : memref<1x8x64xf32, #tpu.memory_space<hbm>> -> memref<8x64xf32, #tpu.memory_space<hbm>>
    %dma_start3A_93 = arith.constant 0 : i32
    %dma_start3A_94 = arith.constant 0 : i32
    %dma_start3A_95 = tpu.memref_slice %arg13[%dma_start3A_83, %dma_start3A_84, %dma_start3A_93, %dma_start3A_94] : memref<2x16x8x64xf32, #tpu.memory_space<vmem>> -> memref<1x1x8x64xf32, #tpu.memory_space<vmem>>
    %dma_start3A_96 = tpu.memref_squeeze %dma_start3A_95 : memref<1x1x8x64xf32, #tpu.memory_space<vmem>> -> memref<8x64xf32, #tpu.memory_space<vmem>>
    %dma_start3A_97 = arith.constant 0 : i32
    %dma_start3A_98 = arith.constant 0 : i32
    %dma_start3A_99 = tpu.memref_slice %arg6[%squeeze3A_82, %dma_start3A_97, %dma_start3A_98] : memref<125000x8x64xf32, #tpu.memory_space<hbm>> -> memref<1x8x64xf32, #tpu.memory_space<hbm>>
    %dma_start3A_100 = tpu.memref_squeeze %dma_start3A_99 : memref<1x8x64xf32, #tpu.memory_space<hbm>> -> memref<8x64xf32, #tpu.memory_space<hbm>>
    tpu.enqueue_dma source(%dma_start3A_100 : memref<8x64xf32, #tpu.memory_space<hbm>>) target(%dma_start3A_96 : memref<8x64xf32, #tpu.memory_space<vmem>>) target_semaphore(%arg16 : memref<!tpu.dma_semaphore, #tpu.memory_space<semaphore_mem>>)
    %slice3A_101 = vector.extract_strided_slice %get3A_3 {offsets = [2], sizes = [1], strides = [1]} : vector<16xi32> to vector<1xi32>
    %squeeze3A_102 = vector.extract %slice3A_101[0] : i32 from vector<1xi32>
    %dma_start3A_103 = arith.constant 0 : i32
    %dma_start3A_104 = arith.constant 2 : i32
    %dma_start3A_105 = arith.constant 0 : i32
    %dma_start3A_106 = arith.constant 0 : i32
    %dma_start3A_107 = tpu.memref_slice %arg14[%dma_start3A_103, %dma_start3A_104, %dma_start3A_105, %dma_start3A_106] : memref<2x16x8x64xf32, #tpu.memory_space<vmem>> -> memref<1x1x8x64xf32, #tpu.memory_space<vmem>>
    %dma_start3A_108 = tpu.memref_squeeze %dma_start3A_107 : memref<1x1x8x64xf32, #tpu.memory_space<vmem>> -> memref<8x64xf32, #tpu.memory_space<vmem>>
    %dma_start3A_109 = arith.constant 0 : i32
    %dma_start3A_110 = arith.constant 0 : i32
    %dma_start3A_111 = tpu.memref_slice %arg7[%squeeze3A_102, %dma_start3A_109, %dma_start3A_110] : memref<125000x8x64xf32, #tpu.memory_space<hbm>> -> memref<1x8x64xf32, #tpu.memory_space<hbm>>
    %dma_start3A_112 = tpu.memref_squeeze %dma_start3A_111 : memref<1x8x64xf32, #tpu.memory_space<hbm>> -> memref<8x64xf32, #tpu.memory_space<hbm>>
    %dma_start3A_113 = arith.constant 0 : i32
    %dma_start3A_114 = arith.constant 0 : i32
    %dma_start3A_115 = tpu.memref_slice %arg14[%dma_start3A_103, %dma_start3A_104, %dma_start3A_113, %dma_start3A_114] : memref<2x16x8x64xf32, #tpu.memory_space<vmem>> -> memref<1x1x8x64xf32, #tpu.memory_space<vmem>>
    %dma_start3A_116 = tpu.memref_squeeze %dma_start3A_115 : memref<1x1x8x64xf32, #tpu.memory_space<vmem>> -> memref<8x64xf32, #tpu.memory_space<vmem>>
    %dma_start3A_117 = arith.constant 0 : i32
    %dma_start3A_118 = arith.constant 0 : i32
    %dma_start3A_119 = tpu.memref_slice %arg7[%squeeze3A_102, %dma_start3A_117, %dma_start3A_118] : memref<125000x8x64xf32, #tpu.memory_space<hbm>> -> memref<1x8x64xf32, #tpu.memory_space<hbm>>
    %dma_start3A_120 = tpu.memref_squeeze %dma_start3A_119 : memref<1x8x64xf32, #tpu.memory_space<hbm>> -> memref<8x64xf32, #tpu.memory_space<hbm>>
    tpu.enqueue_dma source(%dma_start3A_120 : memref<8x64xf32, #tpu.memory_space<hbm>>) target(%dma_start3A_116 : memref<8x64xf32, #tpu.memory_space<vmem>>) target_semaphore(%arg17 : memref<!tpu.dma_semaphore, #tpu.memory_space<semaphore_mem>>)
    %slice3A_121 = vector.extract_strided_slice %get3A_1 {offsets = [3], sizes = [1], strides = [1]} : vector<16xi32> to vector<1xi32>
    %squeeze3A_122 = vector.extract %slice3A_121[0] : i32 from vector<1xi32>
    %dma_start3A_123 = arith.constant 0 : i32
    %dma_start3A_124 = arith.constant 3 : i32
    %dma_start3A_125 = arith.constant 0 : i32
    %dma_start3A_126 = arith.constant 0 : i32
    %dma_start3A_127 = tpu.memref_slice %arg13[%dma_start3A_123, %dma_start3A_124, %dma_start3A_125, %dma_start3A_126] : memref<2x16x8x64xf32, #tpu.memory_space<vmem>> -> memref<1x1x8x64xf32, #tpu.memory_space<vmem>>
    %dma_start3A_128 = tpu.memref_squeeze %dma_start3A_127 : memref<1x1x8x64xf32, #tpu.memory_space<vmem>> -> memref<8x64xf32, #tpu.memory_space<vmem>>
    %dma_start3A_129 = arith.constant 0 : i32
    %dma_start3A_130 = arith.constant 0 : i32
    %dma_start3A_131 = tpu.memref_slice %arg6[%squeeze3A_122, %dma_start3A_129, %dma_start3A_130] : memref<125000x8x64xf32, #tpu.memory_space<hbm>> -> memref<1x8x64xf32, #tpu.memory_space<hbm>>
    %dma_start3A_132 = tpu.memref_squeeze %dma_start3A_131 : memref<1x8x64xf32, #tpu.memory_space<hbm>> -> memref<8x64xf32, #tpu.memory_space<hbm>>
    %dma_start3A_133 = arith.constant 0 : i32
    %dma_start3A_134 = arith.constant 0 : i32
    %dma_start3A_135 = tpu.memref_slice %arg13[%dma_start3A_123, %dma_start3A_124, %dma_start3A_133, %dma_start3A_134] : memref<2x16x8x64xf32, #tpu.memory_space<vmem>> -> memref<1x1x8x64xf32, #tpu.memory_space<vmem>>
    %dma_start3A_136 = tpu.memref_squeeze %dma_start3A_135 : memref<1x1x8x64xf32, #tpu.memory_space<vmem>> -> memref<8x64xf32, #tpu.memory_space<vmem>>
    %dma_start3A_137 = arith.constant 0 : i32
    %dma_start3A_138 = arith.constant 0 : i32
    %dma_start3A_139 = tpu.memref_slice %arg6[%squeeze3A_122, %dma_start3A_137, %dma_start3A_138] : memref<125000x8x64xf32, #tpu.memory_space<hbm>> -> memref<1x8x64xf32, #tpu.memory_space<hbm>>
    %dma_start3A_140 = tpu.memref_squeeze %dma_start3A_139 : memref<1x8x64xf32, #tpu.memory_space<hbm>> -> memref<8x64xf32, #tpu.memory_space<hbm>>
    tpu.enqueue_dma source(%dma_start3A_140 : memref<8x64xf32, #tpu.memory_space<hbm>>) target(%dma_start3A_136 : memref<8x64xf32, #tpu.memory_space<vmem>>) target_semaphore(%arg16 : memref<!tpu.dma_semaphore, #tpu.memory_space<semaphore_mem>>)
    %slice3A_141 = vector.extract_strided_slice %get3A_3 {offsets = [3], sizes = [1], strides = [1]} : vector<16xi32> to vector<1xi32>
    %squeeze3A_142 = vector.extract %slice3A_141[0] : i32 from vector<1xi32>
    %dma_start3A_143 = arith.constant 0 : i32
    %dma_start3A_144 = arith.constant 3 : i32
    %dma_start3A_145 = arith.constant 0 : i32
    %dma_start3A_146 = arith.constant 0 : i32
    %dma_start3A_147 = tpu.memref_slice %arg14[%dma_start3A_143, %dma_start3A_144, %dma_start3A_145, %dma_start3A_146] : memref<2x16x8x64xf32, #tpu.memory_space<vmem>> -> memref<1x1x8x64xf32, #tpu.memory_space<vmem>>
    %dma_start3A_148 = tpu.memref_squeeze %dma_start3A_147 : memref<1x1x8x64xf32, #tpu.memory_space<vmem>> -> memref<8x64xf32, #tpu.memory_space<vmem>>
    %dma_start3A_149 = arith.constant 0 : i32
    %dma_start3A_150 = arith.constant 0 : i32
    %dma_start3A_151 = tpu.memref_slice %arg7[%squeeze3A_142, %dma_start3A_149, %dma_start3A_150] : memref<125000x8x64xf32, #tpu.memory_space<hbm>> -> memref<1x8x64xf32, #tpu.memory_space<hbm>>
    %dma_start3A_152 = tpu.memref_squeeze %dma_start3A_151 : memref<1x8x64xf32, #tpu.memory_space<hbm>> -> memref<8x64xf32, #tpu.memory_space<hbm>>
    %dma_start3A_153 = arith.constant 0 : i32
    %dma_start3A_154 = arith.constant 0 : i32
    %dma_start3A_155 = tpu.memref_slice %arg14[%dma_start3A_143, %dma_start3A_144, %dma_start3A_153, %dma_start3A_154] : memref<2x16x8x64xf32, #tpu.memory_space<vmem>> -> memref<1x1x8x64xf32, #tpu.memory_space<vmem>>
    %dma_start3A_156 = tpu.memref_squeeze %dma_start3A_155 : memref<1x1x8x64xf32, #tpu.memory_space<vmem>> -> memref<8x64xf32, #tpu.memory_space<vmem>>
    %dma_start3A_157 = arith.constant 0 : i32
    %dma_start3A_158 = arith.constant 0 : i32
    %dma_start3A_159 = tpu.memref_slice %arg7[%squeeze3A_142, %dma_start3A_157, %dma_start3A_158] : memref<125000x8x64xf32, #tpu.memory_space<hbm>> -> memref<1x8x64xf32, #tpu.memory_space<hbm>>
    %dma_start3A_160 = tpu.memref_squeeze %dma_start3A_159 : memref<1x8x64xf32, #tpu.memory_space<hbm>> -> memref<8x64xf32, #tpu.memory_space<hbm>>
    tpu.enqueue_dma source(%dma_start3A_160 : memref<8x64xf32, #tpu.memory_space<hbm>>) target(%dma_start3A_156 : memref<8x64xf32, #tpu.memory_space<vmem>>) target_semaphore(%arg17 : memref<!tpu.dma_semaphore, #tpu.memory_space<semaphore_mem>>)
    %slice3A_161 = vector.extract_strided_slice %get3A_1 {offsets = [4], sizes = [1], strides = [1]} : vector<16xi32> to vector<1xi32>
    %squeeze3A_162 = vector.extract %slice3A_161[0] : i32 from vector<1xi32>
    %dma_start3A_163 = arith.constant 0 : i32
    %dma_start3A_164 = arith.constant 4 : i32
    %dma_start3A_165 = arith.constant 0 : i32
    %dma_start3A_166 = arith.constant 0 : i32
    %dma_start3A_167 = tpu.memref_slice %arg13[%dma_start3A_163, %dma_start3A_164, %dma_start3A_165, %dma_start3A_166] : memref<2x16x8x64xf32, #tpu.memory_space<vmem>> -> memref<1x1x8x64xf32, #tpu.memory_space<vmem>>
    %dma_start3A_168 = tpu.memref_squeeze %dma_start3A_167 : memref<1x1x8x64xf32, #tpu.memory_space<vmem>> -> memref<8x64xf32, #tpu.memory_space<vmem>>
    %dma_start3A_169 = arith.constant 0 : i32
    %dma_start3A_170 = arith.constant 0 : i32
    %dma_start3A_171 = tpu.memref_slice %arg6[%squeeze3A_162, %dma_start3A_169, %dma_start3A_170] : memref<125000x8x64xf32, #tpu.memory_space<hbm>> -> memref<1x8x64xf32, #tpu.memory_space<hbm>>
    %dma_start3A_172 = tpu.memref_squeeze %dma_start3A_171 : memref<1x8x64xf32, #tpu.memory_space<hbm>> -> memref<8x64xf32, #tpu.memory_space<hbm>>
    %dma_start3A_173 = arith.constant 0 : i32
    %dma_start3A_174 = arith.constant 0 : i32
    %dma_start3A_175 = tpu.memref_slice %arg13[%dma_start3A_163, %dma_start3A_164, %dma_start3A_173, %dma_start3A_174] : memref<2x16x8x64xf32, #tpu.memory_space<vmem>> -> memref<1x1x8x64xf32, #tpu.memory_space<vmem>>
    %dma_start3A_176 = tpu.memref_squeeze %dma_start3A_175 : memref<1x1x8x64xf32, #tpu.memory_space<vmem>> -> memref<8x64xf32, #tpu.memory_space<vmem>>
    %dma_start3A_177 = arith.constant 0 : i32
    %dma_start3A_178 = arith.constant 0 : i32
    %dma_start3A_179 = tpu.memref_slice %arg6[%squeeze3A_162, %dma_start3A_177, %dma_start3A_178] : memref<125000x8x64xf32, #tpu.memory_space<hbm>> -> memref<1x8x64xf32, #tpu.memory_space<hbm>>
    %dma_start3A_180 = tpu.memref_squeeze %dma_start3A_179 : memref<1x8x64xf32, #tpu.memory_space<hbm>> -> memref<8x64xf32, #tpu.memory_space<hbm>>
    tpu.enqueue_dma source(%dma_start3A_180 : memref<8x64xf32, #tpu.memory_space<hbm>>) target(%dma_start3A_176 : memref<8x64xf32, #tpu.memory_space<vmem>>) target_semaphore(%arg16 : memref<!tpu.dma_semaphore, #tpu.memory_space<semaphore_mem>>)
    %slice3A_181 = vector.extract_strided_slice %get3A_3 {offsets = [4], sizes = [1], strides = [1]} : vector<16xi32> to vector<1xi32>
    %squeeze3A_182 = vector.extract %slice3A_181[0] : i32 from vector<1xi32>
    %dma_start3A_183 = arith.constant 0 : i32
    %dma_start3A_184 = arith.constant 4 : i32
    %dma_start3A_185 = arith.constant 0 : i32
    %dma_start3A_186 = arith.constant 0 : i32
    %dma_start3A_187 = tpu.memref_slice %arg14[%dma_start3A_183, %dma_start3A_184, %dma_start3A_185, %dma_start3A_186] : memref<2x16x8x64xf32, #tpu.memory_space<vmem>> -> memref<1x1x8x64xf32, #tpu.memory_space<vmem>>
    %dma_start3A_188 = tpu.memref_squeeze %dma_start3A_187 : memref<1x1x8x64xf32, #tpu.memory_space<vmem>> -> memref<8x64xf32, #tpu.memory_space<vmem>>
    %dma_start3A_189 = arith.constant 0 : i32
    %dma_start3A_190 = arith.constant 0 : i32
    %dma_start3A_191 = tpu.memref_slice %arg7[%squeeze3A_182, %dma_start3A_189, %dma_start3A_190] : memref<125000x8x64xf32, #tpu.memory_space<hbm>> -> memref<1x8x64xf32, #tpu.memory_space<hbm>>
    %dma_start3A_192 = tpu.memref_squeeze %dma_start3A_191 : memref<1x8x64xf32, #tpu.memory_space<hbm>> -> memref<8x64xf32, #tpu.memory_space<hbm>>
    %dma_start3A_193 = arith.constant 0 : i32
    %dma_start3A_194 = arith.constant 0 : i32
    %dma_start3A_195 = tpu.memref_slice %arg14[%dma_start3A_183, %dma_start3A_184, %dma_start3A_193, %dma_start3A_194] : memref<2x16x8x64xf32, #tpu.memory_space<vmem>> -> memref<1x1x8x64xf32, #tpu.memory_space<vmem>>
    %dma_start3A_196 = tpu.memref_squeeze %dma_start3A_195 : memref<1x1x8x64xf32, #tpu.memory_space<vmem>> -> memref<8x64xf32, #tpu.memory_space<vmem>>
    %dma_start3A_197 = arith.constant 0 : i32
    %dma_start3A_198 = arith.constant 0 : i32
    %dma_start3A_199 = tpu.memref_slice %arg7[%squeeze3A_182, %dma_start3A_197, %dma_start3A_198] : memref<125000x8x64xf32, #tpu.memory_space<hbm>> -> memref<1x8x64xf32, #tpu.memory_space<hbm>>
    %dma_start3A_200 = tpu.memref_squeeze %dma_start3A_199 : memref<1x8x64xf32, #tpu.memory_space<hbm>> -> memref<8x64xf32, #tpu.memory_space<hbm>>
    tpu.enqueue_dma source(%dma_start3A_200 : memref<8x64xf32, #tpu.memory_space<hbm>>) target(%dma_start3A_196 : memref<8x64xf32, #tpu.memory_space<vmem>>) target_semaphore(%arg17 : memref<!tpu.dma_semaphore, #tpu.memory_space<semaphore_mem>>)
    %slice3A_201 = vector.extract_strided_slice %get3A_1 {offsets = [5], sizes = [1], strides = [1]} : vector<16xi32> to vector<1xi32>
    %squeeze3A_202 = vector.extract %slice3A_201[0] : i32 from vector<1xi32>
    %dma_start3A_203 = arith.constant 0 : i32
    %dma_start3A_204 = arith.constant 5 : i32
    %dma_start3A_205 = arith.constant 0 : i32
    %dma_start3A_206 = arith.constant 0 : i32
    %dma_start3A_207 = tpu.memref_slice %arg13[%dma_start3A_203, %dma_start3A_204, %dma_start3A_205, %dma_start3A_206] : memref<2x16x8x64xf32, #tpu.memory_space<vmem>> -> memref<1x1x8x64xf32, #tpu.memory_space<vmem>>
    %dma_start3A_208 = tpu.memref_squeeze %dma_start3A_207 : memref<1x1x8x64xf32, #tpu.memory_space<vmem>> -> memref<8x64xf32, #tpu.memory_space<vmem>>
    %dma_start3A_209 = arith.constant 0 : i32
    %dma_start3A_210 = arith.constant 0 : i32
    %dma_start3A_211 = tpu.memref_slice %arg6[%squeeze3A_202, %dma_start3A_209, %dma_start3A_210] : memref<125000x8x64xf32, #tpu.memory_space<hbm>> -> memref<1x8x64xf32, #tpu.memory_space<hbm>>
    %dma_start3A_212 = tpu.memref_squeeze %dma_start3A_211 : memref<1x8x64xf32, #tpu.memory_space<hbm>> -> memref<8x64xf32, #tpu.memory_space<hbm>>
    %dma_start3A_213 = arith.constant 0 : i32
    %dma_start3A_214 = arith.constant 0 : i32
    %dma_start3A_215 = tpu.memref_slice %arg13[%dma_start3A_203, %dma_start3A_204, %dma_start3A_213, %dma_start3A_214] : memref<2x16x8x64xf32, #tpu.memory_space<vmem>> -> memref<1x1x8x64xf32, #tpu.memory_space<vmem>>
    %dma_start3A_216 = tpu.memref_squeeze %dma_start3A_215 : memref<1x1x8x64xf32, #tpu.memory_space<vmem>> -> memref<8x64xf32, #tpu.memory_space<vmem>>
    %dma_start3A_217 = arith.constant 0 : i32
    %dma_start3A_218 = arith.constant 0 : i32
    %dma_start3A_219 = tpu.memref_slice %arg6[%squeeze3A_202, %dma_start3A_217, %dma_start3A_218] : memref<125000x8x64xf32, #tpu.memory_space<hbm>> -> memref<1x8x64xf32, #tpu.memory_space<hbm>>
    %dma_start3A_220 = tpu.memref_squeeze %dma_start3A_219 : memref<1x8x64xf32, #tpu.memory_space<hbm>> -> memref<8x64xf32, #tpu.memory_space<hbm>>
    tpu.enqueue_dma source(%dma_start3A_220 : memref<8x64xf32, #tpu.memory_space<hbm>>) target(%dma_start3A_216 : memref<8x64xf32, #tpu.memory_space<vmem>>) target_semaphore(%arg16 : memref<!tpu.dma_semaphore, #tpu.memory_space<semaphore_mem>>)
    %slice3A_221 = vector.extract_strided_slice %get3A_3 {offsets = [5], sizes = [1], strides = [1]} : vector<16xi32> to vector<1xi32>
    %squeeze3A_222 = vector.extract %slice3A_221[0] : i32 from vector<1xi32>
    %dma_start3A_223 = arith.constant 0 : i32
    %dma_start3A_224 = arith.constant 5 : i32
    %dma_start3A_225 = arith.constant 0 : i32
    %dma_start3A_226 = arith.constant 0 : i32
    %dma_start3A_227 = tpu.memref_slice %arg14[%dma_start3A_223, %dma_start3A_224, %dma_start3A_225, %dma_start3A_226] : memref<2x16x8x64xf32, #tpu.memory_space<vmem>> -> memref<1x1x8x64xf32, #tpu.memory_space<vmem>>
    %dma_start3A_228 = tpu.memref_squeeze %dma_start3A_227 : memref<1x1x8x64xf32, #tpu.memory_space<vmem>> -> memref<8x64xf32, #tpu.memory_space<vmem>>
    %dma_start3A_229 = arith.constant 0 : i32
    %dma_start3A_230 = arith.constant 0 : i32
    %dma_start3A_231 = tpu.memref_slice %arg7[%squeeze3A_222, %dma_start3A_229, %dma_start3A_230] : memref<125000x8x64xf32, #tpu.memory_space<hbm>> -> memref<1x8x64xf32, #tpu.memory_space<hbm>>
    %dma_start3A_232 = tpu.memref_squeeze %dma_start3A_231 : memref<1x8x64xf32, #tpu.memory_space<hbm>> -> memref<8x64xf32, #tpu.memory_space<hbm>>
    %dma_start3A_233 = arith.constant 0 : i32
    %dma_start3A_234 = arith.constant 0 : i32
    %dma_start3A_235 = tpu.memref_slice %arg14[%dma_start3A_223, %dma_start3A_224, %dma_start3A_233, %dma_start3A_234] : memref<2x16x8x64xf32, #tpu.memory_space<vmem>> -> memref<1x1x8x64xf32, #tpu.memory_space<vmem>>
    %dma_start3A_236 = tpu.memref_squeeze %dma_start3A_235 : memref<1x1x8x64xf32, #tpu.memory_space<vmem>> -> memref<8x64xf32, #tpu.memory_space<vmem>>
    %dma_start3A_237 = arith.constant 0 : i32
    %dma_start3A_238 = arith.constant 0 : i32
    %dma_start3A_239 = tpu.memref_slice %arg7[%squeeze3A_222, %dma_start3A_237, %dma_start3A_238] : memref<125000x8x64xf32, #tpu.memory_space<hbm>> -> memref<1x8x64xf32, #tpu.memory_space<hbm>>
    %dma_start3A_240 = tpu.memref_squeeze %dma_start3A_239 : memref<1x8x64xf32, #tpu.memory_space<hbm>> -> memref<8x64xf32, #tpu.memory_space<hbm>>
    tpu.enqueue_dma source(%dma_start3A_240 : memref<8x64xf32, #tpu.memory_space<hbm>>) target(%dma_start3A_236 : memref<8x64xf32, #tpu.memory_space<vmem>>) target_semaphore(%arg17 : memref<!tpu.dma_semaphore, #tpu.memory_space<semaphore_mem>>)
    %slice3A_241 = vector.extract_strided_slice %get3A_1 {offsets = [6], sizes = [1], strides = [1]} : vector<16xi32> to vector<1xi32>
    %squeeze3A_242 = vector.extract %slice3A_241[0] : i32 from vector<1xi32>
    %dma_start3A_243 = arith.constant 0 : i32
    %dma_start3A_244 = arith.constant 6 : i32
    %dma_start3A_245 = arith.constant 0 : i32
    %dma_start3A_246 = arith.constant 0 : i32
    %dma_start3A_247 = tpu.memref_slice %arg13[%dma_start3A_243, %dma_start3A_244, %dma_start3A_245, %dma_start3A_246] : memref<2x16x8x64xf32, #tpu.memory_space<vmem>> -> memref<1x1x8x64xf32, #tpu.memory_space<vmem>>
    %dma_start3A_248 = tpu.memref_squeeze %dma_start3A_247 : memref<1x1x8x64xf32, #tpu.memory_space<vmem>> -> memref<8x64xf32, #tpu.memory_space<vmem>>
    %dma_start3A_249 = arith.constant 0 : i32
    %dma_start3A_250 = arith.constant 0 : i32
    %dma_start3A_251 = tpu.memref_slice %arg6[%squeeze3A_242, %dma_start3A_249, %dma_start3A_250] : memref<125000x8x64xf32, #tpu.memory_space<hbm>> -> memref<1x8x64xf32, #tpu.memory_space<hbm>>
    %dma_start3A_252 = tpu.memref_squeeze %dma_start3A_251 : memref<1x8x64xf32, #tpu.memory_space<hbm>> -> memref<8x64xf32, #tpu.memory_space<hbm>>
    %dma_start3A_253 = arith.constant 0 : i32
    %dma_start3A_254 = arith.constant 0 : i32
    %dma_start3A_255 = tpu.memref_slice %arg13[%dma_start3A_243, %dma_start3A_244, %dma_start3A_253, %dma_start3A_254] : memref<2x16x8x64xf32, #tpu.memory_space<vmem>> -> memref<1x1x8x64xf32, #tpu.memory_space<vmem>>
    %dma_start3A_256 = tpu.memref_squeeze %dma_start3A_255 : memref<1x1x8x64xf32, #tpu.memory_space<vmem>> -> memref<8x64xf32, #tpu.memory_space<vmem>>
    %dma_start3A_257 = arith.constant 0 : i32
    %dma_start3A_258 = arith.constant 0 : i32
    %dma_start3A_259 = tpu.memref_slice %arg6[%squeeze3A_242, %dma_start3A_257, %dma_start3A_258] : memref<125000x8x64xf32, #tpu.memory_space<hbm>> -> memref<1x8x64xf32, #tpu.memory_space<hbm>>
    %dma_start3A_260 = tpu.memref_squeeze %dma_start3A_259 : memref<1x8x64xf32, #tpu.memory_space<hbm>> -> memref<8x64xf32, #tpu.memory_space<hbm>>
    tpu.enqueue_dma source(%dma_start3A_260 : memref<8x64xf32, #tpu.memory_space<hbm>>) target(%dma_start3A_256 : memref<8x64xf32, #tpu.memory_space<vmem>>) target_semaphore(%arg16 : memref<!tpu.dma_semaphore, #tpu.memory_space<semaphore_mem>>)
    %slice3A_261 = vector.extract_strided_slice %get3A_3 {offsets = [6], sizes = [1], strides = [1]} : vector<16xi32> to vector<1xi32>
    %squeeze3A_262 = vector.extract %slice3A_261[0] : i32 from vector<1xi32>
    %dma_start3A_263 = arith.constant 0 : i32
    %dma_start3A_264 = arith.constant 6 : i32
    %dma_start3A_265 = arith.constant 0 : i32
    %dma_start3A_266 = arith.constant 0 : i32
    %dma_start3A_267 = tpu.memref_slice %arg14[%dma_start3A_263, %dma_start3A_264, %dma_start3A_265, %dma_start3A_266] : memref<2x16x8x64xf32, #tpu.memory_space<vmem>> -> memref<1x1x8x64xf32, #tpu.memory_space<vmem>>
    %dma_start3A_268 = tpu.memref_squeeze %dma_start3A_267 : memref<1x1x8x64xf32, #tpu.memory_space<vmem>> -> memref<8x64xf32, #tpu.memory_space<vmem>>
    %dma_start3A_269 = arith.constant 0 : i32
    %dma_start3A_270 = arith.constant 0 : i32
    %dma_start3A_271 = tpu.memref_slice %arg7[%squeeze3A_262, %dma_start3A_269, %dma_start3A_270] : memref<125000x8x64xf32, #tpu.memory_space<hbm>> -> memref<1x8x64xf32, #tpu.memory_space<hbm>>
    %dma_start3A_272 = tpu.memref_squeeze %dma_start3A_271 : memref<1x8x64xf32, #tpu.memory_space<hbm>> -> memref<8x64xf32, #tpu.memory_space<hbm>>
    %dma_start3A_273 = arith.constant 0 : i32
    %dma_start3A_274 = arith.constant 0 : i32
    %dma_start3A_275 = tpu.memref_slice %arg14[%dma_start3A_263, %dma_start3A_264, %dma_start3A_273, %dma_start3A_274] : memref<2x16x8x64xf32, #tpu.memory_space<vmem>> -> memref<1x1x8x64xf32, #tpu.memory_space<vmem>>
    %dma_start3A_276 = tpu.memref_squeeze %dma_start3A_275 : memref<1x1x8x64xf32, #tpu.memory_space<vmem>> -> memref<8x64xf32, #tpu.memory_space<vmem>>
    %dma_start3A_277 = arith.constant 0 : i32
    %dma_start3A_278 = arith.constant 0 : i32
    %dma_start3A_279 = tpu.memref_slice %arg7[%squeeze3A_262, %dma_start3A_277, %dma_start3A_278] : memref<125000x8x64xf32, #tpu.memory_space<hbm>> -> memref<1x8x64xf32, #tpu.memory_space<hbm>>
    %dma_start3A_280 = tpu.memref_squeeze %dma_start3A_279 : memref<1x8x64xf32, #tpu.memory_space<hbm>> -> memref<8x64xf32, #tpu.memory_space<hbm>>
    tpu.enqueue_dma source(%dma_start3A_280 : memref<8x64xf32, #tpu.memory_space<hbm>>) target(%dma_start3A_276 : memref<8x64xf32, #tpu.memory_space<vmem>>) target_semaphore(%arg17 : memref<!tpu.dma_semaphore, #tpu.memory_space<semaphore_mem>>)
    %slice3A_281 = vector.extract_strided_slice %get3A_1 {offsets = [7], sizes = [1], strides = [1]} : vector<16xi32> to vector<1xi32>
    %squeeze3A_282 = vector.extract %slice3A_281[0] : i32 from vector<1xi32>
    %dma_start3A_283 = arith.constant 0 : i32
    %dma_start3A_284 = arith.constant 7 : i32
    %dma_start3A_285 = arith.constant 0 : i32
    %dma_start3A_286 = arith.constant 0 : i32
    %dma_start3A_287 = tpu.memref_slice %arg13[%dma_start3A_283, %dma_start3A_284, %dma_start3A_285, %dma_start3A_286] : memref<2x16x8x64xf32, #tpu.memory_space<vmem>> -> memref<1x1x8x64xf32, #tpu.memory_space<vmem>>
    %dma_start3A_288 = tpu.memref_squeeze %dma_start3A_287 : memref<1x1x8x64xf32, #tpu.memory_space<vmem>> -> memref<8x64xf32, #tpu.memory_space<vmem>>
    %dma_start3A_289 = arith.constant 0 : i32
    %dma_start3A_290 = arith.constant 0 : i32
    %dma_start3A_291 = tpu.memref_slice %arg6[%squeeze3A_282, %dma_start3A_289, %dma_start3A_290] : memref<125000x8x64xf32, #tpu.memory_space<hbm>> -> memref<1x8x64xf32, #tpu.memory_space<hbm>>
    %dma_start3A_292 = tpu.memref_squeeze %dma_start3A_291 : memref<1x8x64xf32, #tpu.memory_space<hbm>> -> memref<8x64xf32, #tpu.memory_space<hbm>>
    %dma_start3A_293 = arith.constant 0 : i32
    %dma_start3A_294 = arith.constant 0 : i32
    %dma_start3A_295 = tpu.memref_slice %arg13[%dma_start3A_283, %dma_start3A_284, %dma_start3A_293, %dma_start3A_294] : memref<2x16x8x64xf32, #tpu.memory_space<vmem>> -> memref<1x1x8x64xf32, #tpu.memory_space<vmem>>
    %dma_start3A_296 = tpu.memref_squeeze %dma_start3A_295 : memref<1x1x8x64xf32, #tpu.memory_space<vmem>> -> memref<8x64xf32, #tpu.memory_space<vmem>>
    %dma_start3A_297 = arith.constant 0 : i32
    %dma_start3A_298 = arith.constant 0 : i32
    %dma_start3A_299 = tpu.memref_slice %arg6[%squeeze3A_282, %dma_start3A_297, %dma_start3A_298] : memref<125000x8x64xf32, #tpu.memory_space<hbm>> -> memref<1x8x64xf32, #tpu.memory_space<hbm>>
    %dma_start3A_300 = tpu.memref_squeeze %dma_start3A_299 : memref<1x8x64xf32, #tpu.memory_space<hbm>> -> memref<8x64xf32, #tpu.memory_space<hbm>>
    tpu.enqueue_dma source(%dma_start3A_300 : memref<8x64xf32, #tpu.memory_space<hbm>>) target(%dma_start3A_296 : memref<8x64xf32, #tpu.memory_space<vmem>>) target_semaphore(%arg16 : memref<!tpu.dma_semaphore, #tpu.memory_space<semaphore_mem>>)
    %slice3A_301 = vector.extract_strided_slice %get3A_3 {offsets = [7], sizes = [1], strides = [1]} : vector<16xi32> to vector<1xi32>
    %squeeze3A_302 = vector.extract %slice3A_301[0] : i32 from vector<1xi32>
    %dma_start3A_303 = arith.constant 0 : i32
    %dma_start3A_304 = arith.constant 7 : i32
    %dma_start3A_305 = arith.constant 0 : i32
    %dma_start3A_306 = arith.constant 0 : i32
    %dma_start3A_307 = tpu.memref_slice %arg14[%dma_start3A_303, %dma_start3A_304, %dma_start3A_305, %dma_start3A_306] : memref<2x16x8x64xf32, #tpu.memory_space<vmem>> -> memref<1x1x8x64xf32, #tpu.memory_space<vmem>>
    %dma_start3A_308 = tpu.memref_squeeze %dma_start3A_307 : memref<1x1x8x64xf32, #tpu.memory_space<vmem>> -> memref<8x64xf32, #tpu.memory_space<vmem>>
    %dma_start3A_309 = arith.constant 0 : i32
    %dma_start3A_310 = arith.constant 0 : i32
    %dma_start3A_311 = tpu.memref_slice %arg7[%squeeze3A_302, %dma_start3A_309, %dma_start3A_310] : memref<125000x8x64xf32, #tpu.memory_space<hbm>> -> memref<1x8x64xf32, #tpu.memory_space<hbm>>
    %dma_start3A_312 = tpu.memref_squeeze %dma_start3A_311 : memref<1x8x64xf32, #tpu.memory_space<hbm>> -> memref<8x64xf32, #tpu.memory_space<hbm>>
    %dma_start3A_313 = arith.constant 0 : i32
    %dma_start3A_314 = arith.constant 0 : i32
    %dma_start3A_315 = tpu.memref_slice %arg14[%dma_start3A_303, %dma_start3A_304, %dma_start3A_313, %dma_start3A_314] : memref<2x16x8x64xf32, #tpu.memory_space<vmem>> -> memref<1x1x8x64xf32, #tpu.memory_space<vmem>>
    %dma_start3A_316 = tpu.memref_squeeze %dma_start3A_315 : memref<1x1x8x64xf32, #tpu.memory_space<vmem>> -> memref<8x64xf32, #tpu.memory_space<vmem>>
    %dma_start3A_317 = arith.constant 0 : i32
    %dma_start3A_318 = arith.constant 0 : i32
    %dma_start3A_319 = tpu.memref_slice %arg7[%squeeze3A_302, %dma_start3A_317, %dma_start3A_318] : memref<125000x8x64xf32, #tpu.memory_space<hbm>> -> memref<1x8x64xf32, #tpu.memory_space<hbm>>
    %dma_start3A_320 = tpu.memref_squeeze %dma_start3A_319 : memref<1x8x64xf32, #tpu.memory_space<hbm>> -> memref<8x64xf32, #tpu.memory_space<hbm>>
    tpu.enqueue_dma source(%dma_start3A_320 : memref<8x64xf32, #tpu.memory_space<hbm>>) target(%dma_start3A_316 : memref<8x64xf32, #tpu.memory_space<vmem>>) target_semaphore(%arg17 : memref<!tpu.dma_semaphore, #tpu.memory_space<semaphore_mem>>)
    %slice3A_321 = vector.extract_strided_slice %get3A_1 {offsets = [8], sizes = [1], strides = [1]} : vector<16xi32> to vector<1xi32>
    %squeeze3A_322 = vector.extract %slice3A_321[0] : i32 from vector<1xi32>
    %dma_start3A_323 = arith.constant 0 : i32
    %dma_start3A_324 = arith.constant 8 : i32
    %dma_start3A_325 = arith.constant 0 : i32
    %dma_start3A_326 = arith.constant 0 : i32
    %dma_start3A_327 = tpu.memref_slice %arg13[%dma_start3A_323, %dma_start3A_324, %dma_start3A_325, %dma_start3A_326] : memref<2x16x8x64xf32, #tpu.memory_space<vmem>> -> memref<1x1x8x64xf32, #tpu.memory_space<vmem>>
    %dma_start3A_328 = tpu.memref_squeeze %dma_start3A_327 : memref<1x1x8x64xf32, #tpu.memory_space<vmem>> -> memref<8x64xf32, #tpu.memory_space<vmem>>
    %dma_start3A_329 = arith.constant 0 : i32
    %dma_start3A_330 = arith.constant 0 : i32
    %dma_start3A_331 = tpu.memref_slice %arg6[%squeeze3A_322, %dma_start3A_329, %dma_start3A_330] : memref<125000x8x64xf32, #tpu.memory_space<hbm>> -> memref<1x8x64xf32, #tpu.memory_space<hbm>>
    %dma_start3A_332 = tpu.memref_squeeze %dma_start3A_331 : memref<1x8x64xf32, #tpu.memory_space<hbm>> -> memref<8x64xf32, #tpu.memory_space<hbm>>
    %dma_start3A_333 = arith.constant 0 : i32
    %dma_start3A_334 = arith.constant 0 : i32
    %dma_start3A_335 = tpu.memref_slice %arg13[%dma_start3A_323, %dma_start3A_324, %dma_start3A_333, %dma_start3A_334] : memref<2x16x8x64xf32, #tpu.memory_space<vmem>> -> memref<1x1x8x64xf32, #tpu.memory_space<vmem>>
    %dma_start3A_336 = tpu.memref_squeeze %dma_start3A_335 : memref<1x1x8x64xf32, #tpu.memory_space<vmem>> -> memref<8x64xf32, #tpu.memory_space<vmem>>
    %dma_start3A_337 = arith.constant 0 : i32
    %dma_start3A_338 = arith.constant 0 : i32
    %dma_start3A_339 = tpu.memref_slice %arg6[%squeeze3A_322, %dma_start3A_337, %dma_start3A_338] : memref<125000x8x64xf32, #tpu.memory_space<hbm>> -> memref<1x8x64xf32, #tpu.memory_space<hbm>>
    %dma_start3A_340 = tpu.memref_squeeze %dma_start3A_339 : memref<1x8x64xf32, #tpu.memory_space<hbm>> -> memref<8x64xf32, #tpu.memory_space<hbm>>
    tpu.enqueue_dma source(%dma_start3A_340 : memref<8x64xf32, #tpu.memory_space<hbm>>) target(%dma_start3A_336 : memref<8x64xf32, #tpu.memory_space<vmem>>) target_semaphore(%arg16 : memref<!tpu.dma_semaphore, #tpu.memory_space<semaphore_mem>>)
    %slice3A_341 = vector.extract_strided_slice %get3A_3 {offsets = [8], sizes = [1], strides = [1]} : vector<16xi32> to vector<1xi32>
    %squeeze3A_342 = vector.extract %slice3A_341[0] : i32 from vector<1xi32>
    %dma_start3A_343 = arith.constant 0 : i32
    %dma_start3A_344 = arith.constant 8 : i32
    %dma_start3A_345 = arith.constant 0 : i32
    %dma_start3A_346 = arith.constant 0 : i32
    %dma_start3A_347 = tpu.memref_slice %arg14[%dma_start3A_343, %dma_start3A_344, %dma_start3A_345, %dma_start3A_346] : memref<2x16x8x64xf32, #tpu.memory_space<vmem>> -> memref<1x1x8x64xf32, #tpu.memory_space<vmem>>
    %dma_start3A_348 = tpu.memref_squeeze %dma_start3A_347 : memref<1x1x8x64xf32, #tpu.memory_space<vmem>> -> memref<8x64xf32, #tpu.memory_space<vmem>>
    %dma_start3A_349 = arith.constant 0 : i32
    %dma_start3A_350 = arith.constant 0 : i32
    %dma_start3A_351 = tpu.memref_slice %arg7[%squeeze3A_342, %dma_start3A_349, %dma_start3A_350] : memref<125000x8x64xf32, #tpu.memory_space<hbm>> -> memref<1x8x64xf32, #tpu.memory_space<hbm>>
    %dma_start3A_352 = tpu.memref_squeeze %dma_start3A_351 : memref<1x8x64xf32, #tpu.memory_space<hbm>> -> memref<8x64xf32, #tpu.memory_space<hbm>>
    %dma_start3A_353 = arith.constant 0 : i32
    %dma_start3A_354 = arith.constant 0 : i32
    %dma_start3A_355 = tpu.memref_slice %arg14[%dma_start3A_343, %dma_start3A_344, %dma_start3A_353, %dma_start3A_354] : memref<2x16x8x64xf32, #tpu.memory_space<vmem>> -> memref<1x1x8x64xf32, #tpu.memory_space<vmem>>
    %dma_start3A_356 = tpu.memref_squeeze %dma_start3A_355 : memref<1x1x8x64xf32, #tpu.memory_space<vmem>> -> memref<8x64xf32, #tpu.memory_space<vmem>>
    %dma_start3A_357 = arith.constant 0 : i32
    %dma_start3A_358 = arith.constant 0 : i32
    %dma_start3A_359 = tpu.memref_slice %arg7[%squeeze3A_342, %dma_start3A_357, %dma_start3A_358] : memref<125000x8x64xf32, #tpu.memory_space<hbm>> -> memref<1x8x64xf32, #tpu.memory_space<hbm>>
    %dma_start3A_360 = tpu.memref_squeeze %dma_start3A_359 : memref<1x8x64xf32, #tpu.memory_space<hbm>> -> memref<8x64xf32, #tpu.memory_space<hbm>>
    tpu.enqueue_dma source(%dma_start3A_360 : memref<8x64xf32, #tpu.memory_space<hbm>>) target(%dma_start3A_356 : memref<8x64xf32, #tpu.memory_space<vmem>>) target_semaphore(%arg17 : memref<!tpu.dma_semaphore, #tpu.memory_space<semaphore_mem>>)
    %slice3A_361 = vector.extract_strided_slice %get3A_1 {offsets = [9], sizes = [1], strides = [1]} : vector<16xi32> to vector<1xi32>
    %squeeze3A_362 = vector.extract %slice3A_361[0] : i32 from vector<1xi32>
    %dma_start3A_363 = arith.constant 0 : i32
    %dma_start3A_364 = arith.constant 9 : i32
    %dma_start3A_365 = arith.constant 0 : i32
    %dma_start3A_366 = arith.constant 0 : i32
    %dma_start3A_367 = tpu.memref_slice %arg13[%dma_start3A_363, %dma_start3A_364, %dma_start3A_365, %dma_start3A_366] : memref<2x16x8x64xf32, #tpu.memory_space<vmem>> -> memref<1x1x8x64xf32, #tpu.memory_space<vmem>>
    %dma_start3A_368 = tpu.memref_squeeze %dma_start3A_367 : memref<1x1x8x64xf32, #tpu.memory_space<vmem>> -> memref<8x64xf32, #tpu.memory_space<vmem>>
    %dma_start3A_369 = arith.constant 0 : i32
    %dma_start3A_370 = arith.constant 0 : i32
    %dma_start3A_371 = tpu.memref_slice %arg6[%squeeze3A_362, %dma_start3A_369, %dma_start3A_370] : memref<125000x8x64xf32, #tpu.memory_space<hbm>> -> memref<1x8x64xf32, #tpu.memory_space<hbm>>
    %dma_start3A_372 = tpu.memref_squeeze %dma_start3A_371 : memref<1x8x64xf32, #tpu.memory_space<hbm>> -> memref<8x64xf32, #tpu.memory_space<hbm>>
    %dma_start3A_373 = arith.constant 0 : i32
    %dma_start3A_374 = arith.constant 0 : i32
    %dma_start3A_375 = tpu.memref_slice %arg13[%dma_start3A_363, %dma_start3A_364, %dma_start3A_373, %dma_start3A_374] : memref<2x16x8x64xf32, #tpu.memory_space<vmem>> -> memref<1x1x8x64xf32, #tpu.memory_space<vmem>>
    %dma_start3A_376 = tpu.memref_squeeze %dma_start3A_375 : memref<1x1x8x64xf32, #tpu.memory_space<vmem>> -> memref<8x64xf32, #tpu.memory_space<vmem>>
    %dma_start3A_377 = arith.constant 0 : i32
    %dma_start3A_378 = arith.constant 0 : i32
    %dma_start3A_379 = tpu.memref_slice %arg6[%squeeze3A_362, %dma_start3A_377, %dma_start3A_378] : memref<125000x8x64xf32, #tpu.memory_space<hbm>> -> memref<1x8x64xf32, #tpu.memory_space<hbm>>
    %dma_start3A_380 = tpu.memref_squeeze %dma_start3A_379 : memref<1x8x64xf32, #tpu.memory_space<hbm>> -> memref<8x64xf32, #tpu.memory_space<hbm>>
    tpu.enqueue_dma source(%dma_start3A_380 : memref<8x64xf32, #tpu.memory_space<hbm>>) target(%dma_start3A_376 : memref<8x64xf32, #tpu.memory_space<vmem>>) target_semaphore(%arg16 : memref<!tpu.dma_semaphore, #tpu.memory_space<semaphore_mem>>)
    %slice3A_381 = vector.extract_strided_slice %get3A_3 {offsets = [9], sizes = [1], strides = [1]} : vector<16xi32> to vector<1xi32>
    %squeeze3A_382 = vector.extract %slice3A_381[0] : i32 from vector<1xi32>
    %dma_start3A_383 = arith.constant 0 : i32
    %dma_start3A_384 = arith.constant 9 : i32
    %dma_start3A_385 = arith.constant 0 : i32
    %dma_start3A_386 = arith.constant 0 : i32
    %dma_start3A_387 = tpu.memref_slice %arg14[%dma_start3A_383, %dma_start3A_384, %dma_start3A_385, %dma_start3A_386] : memref<2x16x8x64xf32, #tpu.memory_space<vmem>> -> memref<1x1x8x64xf32, #tpu.memory_space<vmem>>
    %dma_start3A_388 = tpu.memref_squeeze %dma_start3A_387 : memref<1x1x8x64xf32, #tpu.memory_space<vmem>> -> memref<8x64xf32, #tpu.memory_space<vmem>>
    %dma_start3A_389 = arith.constant 0 : i32
    %dma_start3A_390 = arith.constant 0 : i32
    %dma_start3A_391 = tpu.memref_slice %arg7[%squeeze3A_382, %dma_start3A_389, %dma_start3A_390] : memref<125000x8x64xf32, #tpu.memory_space<hbm>> -> memref<1x8x64xf32, #tpu.memory_space<hbm>>
    %dma_start3A_392 = tpu.memref_squeeze %dma_start3A_391 : memref<1x8x64xf32, #tpu.memory_space<hbm>> -> memref<8x64xf32, #tpu.memory_space<hbm>>
    %dma_start3A_393 = arith.constant 0 : i32
    %dma_start3A_394 = arith.constant 0 : i32
    %dma_start3A_395 = tpu.memref_slice %arg14[%dma_start3A_383, %dma_start3A_384, %dma_start3A_393, %dma_start3A_394] : memref<2x16x8x64xf32, #tpu.memory_space<vmem>> -> memref<1x1x8x64xf32, #tpu.memory_space<vmem>>
    %dma_start3A_396 = tpu.memref_squeeze %dma_start3A_395 : memref<1x1x8x64xf32, #tpu.memory_space<vmem>> -> memref<8x64xf32, #tpu.memory_space<vmem>>
    %dma_start3A_397 = arith.constant 0 : i32
    %dma_start3A_398 = arith.constant 0 : i32
    %dma_start3A_399 = tpu.memref_slice %arg7[%squeeze3A_382, %dma_start3A_397, %dma_start3A_398] : memref<125000x8x64xf32, #tpu.memory_space<hbm>> -> memref<1x8x64xf32, #tpu.memory_space<hbm>>
    %dma_start3A_400 = tpu.memref_squeeze %dma_start3A_399 : memref<1x8x64xf32, #tpu.memory_space<hbm>> -> memref<8x64xf32, #tpu.memory_space<hbm>>
    tpu.enqueue_dma source(%dma_start3A_400 : memref<8x64xf32, #tpu.memory_space<hbm>>) target(%dma_start3A_396 : memref<8x64xf32, #tpu.memory_space<vmem>>) target_semaphore(%arg17 : memref<!tpu.dma_semaphore, #tpu.memory_space<semaphore_mem>>)
    %slice3A_401 = vector.extract_strided_slice %get3A_1 {offsets = [10], sizes = [1], strides = [1]} : vector<16xi32> to vector<1xi32>
    %squeeze3A_402 = vector.extract %slice3A_401[0] : i32 from vector<1xi32>
    %dma_start3A_403 = arith.constant 0 : i32
    %dma_start3A_404 = arith.constant 10 : i32
    %dma_start3A_405 = arith.constant 0 : i32
    %dma_start3A_406 = arith.constant 0 : i32
    %dma_start3A_407 = tpu.memref_slice %arg13[%dma_start3A_403, %dma_start3A_404, %dma_start3A_405, %dma_start3A_406] : memref<2x16x8x64xf32, #tpu.memory_space<vmem>> -> memref<1x1x8x64xf32, #tpu.memory_space<vmem>>
    %dma_start3A_408 = tpu.memref_squeeze %dma_start3A_407 : memref<1x1x8x64xf32, #tpu.memory_space<vmem>> -> memref<8x64xf32, #tpu.memory_space<vmem>>
    %dma_start3A_409 = arith.constant 0 : i32
    %dma_start3A_410 = arith.constant 0 : i32
    %dma_start3A_411 = tpu.memref_slice %arg6[%squeeze3A_402, %dma_start3A_409, %dma_start3A_410] : memref<125000x8x64xf32, #tpu.memory_space<hbm>> -> memref<1x8x64xf32, #tpu.memory_space<hbm>>
    %dma_start3A_412 = tpu.memref_squeeze %dma_start3A_411 : memref<1x8x64xf32, #tpu.memory_space<hbm>> -> memref<8x64xf32, #tpu.memory_space<hbm>>
    %dma_start3A_413 = arith.constant 0 : i32
    %dma_start3A_414 = arith.constant 0 : i32
    %dma_start3A_415 = tpu.memref_slice %arg13[%dma_start3A_403, %dma_start3A_404, %dma_start3A_413, %dma_start3A_414] : memref<2x16x8x64xf32, #tpu.memory_space<vmem>> -> memref<1x1x8x64xf32, #tpu.memory_space<vmem>>
    %dma_start3A_416 = tpu.memref_squeeze %dma_start3A_415 : memref<1x1x8x64xf32, #tpu.memory_space<vmem>> -> memref<8x64xf32, #tpu.memory_space<vmem>>
    %dma_start3A_417 = arith.constant 0 : i32
    %dma_start3A_418 = arith.constant 0 : i32
    %dma_start3A_419 = tpu.memref_slice %arg6[%squeeze3A_402, %dma_start3A_417, %dma_start3A_418] : memref<125000x8x64xf32, #tpu.memory_space<hbm>> -> memref<1x8x64xf32, #tpu.memory_space<hbm>>
    %dma_start3A_420 = tpu.memref_squeeze %dma_start3A_419 : memref<1x8x64xf32, #tpu.memory_space<hbm>> -> memref<8x64xf32, #tpu.memory_space<hbm>>
    tpu.enqueue_dma source(%dma_start3A_420 : memref<8x64xf32, #tpu.memory_space<hbm>>) target(%dma_start3A_416 : memref<8x64xf32, #tpu.memory_space<vmem>>) target_semaphore(%arg16 : memref<!tpu.dma_semaphore, #tpu.memory_space<semaphore_mem>>)
    %slice3A_421 = vector.extract_strided_slice %get3A_3 {offsets = [10], sizes = [1], strides = [1]} : vector<16xi32> to vector<1xi32>
    %squeeze3A_422 = vector.extract %slice3A_421[0] : i32 from vector<1xi32>
    %dma_start3A_423 = arith.constant 0 : i32
    %dma_start3A_424 = arith.constant 10 : i32
    %dma_start3A_425 = arith.constant 0 : i32
    %dma_start3A_426 = arith.constant 0 : i32
    %dma_start3A_427 = tpu.memref_slice %arg14[%dma_start3A_423, %dma_start3A_424, %dma_start3A_425, %dma_start3A_426] : memref<2x16x8x64xf32, #tpu.memory_space<vmem>> -> memref<1x1x8x64xf32, #tpu.memory_space<vmem>>
    %dma_start3A_428 = tpu.memref_squeeze %dma_start3A_427 : memref<1x1x8x64xf32, #tpu.memory_space<vmem>> -> memref<8x64xf32, #tpu.memory_space<vmem>>
    %dma_start3A_429 = arith.constant 0 : i32
    %dma_start3A_430 = arith.constant 0 : i32
    %dma_start3A_431 = tpu.memref_slice %arg7[%squeeze3A_422, %dma_start3A_429, %dma_start3A_430] : memref<125000x8x64xf32, #tpu.memory_space<hbm>> -> memref<1x8x64xf32, #tpu.memory_space<hbm>>
    %dma_start3A_432 = tpu.memref_squeeze %dma_start3A_431 : memref<1x8x64xf32, #tpu.memory_space<hbm>> -> memref<8x64xf32, #tpu.memory_space<hbm>>
    %dma_start3A_433 = arith.constant 0 : i32
    %dma_start3A_434 = arith.constant 0 : i32
    %dma_start3A_435 = tpu.memref_slice %arg14[%dma_start3A_423, %dma_start3A_424, %dma_start3A_433, %dma_start3A_434] : memref<2x16x8x64xf32, #tpu.memory_space<vmem>> -> memref<1x1x8x64xf32, #tpu.memory_space<vmem>>
    %dma_start3A_436 = tpu.memref_squeeze %dma_start3A_435 : memref<1x1x8x64xf32, #tpu.memory_space<vmem>> -> memref<8x64xf32, #tpu.memory_space<vmem>>
    %dma_start3A_437 = arith.constant 0 : i32
    %dma_start3A_438 = arith.constant 0 : i32
    %dma_start3A_439 = tpu.memref_slice %arg7[%squeeze3A_422, %dma_start3A_437, %dma_start3A_438] : memref<125000x8x64xf32, #tpu.memory_space<hbm>> -> memref<1x8x64xf32, #tpu.memory_space<hbm>>
    %dma_start3A_440 = tpu.memref_squeeze %dma_start3A_439 : memref<1x8x64xf32, #tpu.memory_space<hbm>> -> memref<8x64xf32, #tpu.memory_space<hbm>>
    tpu.enqueue_dma source(%dma_start3A_440 : memref<8x64xf32, #tpu.memory_space<hbm>>) target(%dma_start3A_436 : memref<8x64xf32, #tpu.memory_space<vmem>>) target_semaphore(%arg17 : memref<!tpu.dma_semaphore, #tpu.memory_space<semaphore_mem>>)
    %slice3A_441 = vector.extract_strided_slice %get3A_1 {offsets = [11], sizes = [1], strides = [1]} : vector<16xi32> to vector<1xi32>
    %squeeze3A_442 = vector.extract %slice3A_441[0] : i32 from vector<1xi32>
    %dma_start3A_443 = arith.constant 0 : i32
    %dma_start3A_444 = arith.constant 11 : i32
    %dma_start3A_445 = arith.constant 0 : i32
    %dma_start3A_446 = arith.constant 0 : i32
    %dma_start3A_447 = tpu.memref_slice %arg13[%dma_start3A_443, %dma_start3A_444, %dma_start3A_445, %dma_start3A_446] : memref<2x16x8x64xf32, #tpu.memory_space<vmem>> -> memref<1x1x8x64xf32, #tpu.memory_space<vmem>>
    %dma_start3A_448 = tpu.memref_squeeze %dma_start3A_447 : memref<1x1x8x64xf32, #tpu.memory_space<vmem>> -> memref<8x64xf32, #tpu.memory_space<vmem>>
    %dma_start3A_449 = arith.constant 0 : i32
    %dma_start3A_450 = arith.constant 0 : i32
    %dma_start3A_451 = tpu.memref_slice %arg6[%squeeze3A_442, %dma_start3A_449, %dma_start3A_450] : memref<125000x8x64xf32, #tpu.memory_space<hbm>> -> memref<1x8x64xf32, #tpu.memory_space<hbm>>
    %dma_start3A_452 = tpu.memref_squeeze %dma_start3A_451 : memref<1x8x64xf32, #tpu.memory_space<hbm>> -> memref<8x64xf32, #tpu.memory_space<hbm>>
    %dma_start3A_453 = arith.constant 0 : i32
    %dma_start3A_454 = arith.constant 0 : i32
    %dma_start3A_455 = tpu.memref_slice %arg13[%dma_start3A_443, %dma_start3A_444, %dma_start3A_453, %dma_start3A_454] : memref<2x16x8x64xf32, #tpu.memory_space<vmem>> -> memref<1x1x8x64xf32, #tpu.memory_space<vmem>>
    %dma_start3A_456 = tpu.memref_squeeze %dma_start3A_455 : memref<1x1x8x64xf32, #tpu.memory_space<vmem>> -> memref<8x64xf32, #tpu.memory_space<vmem>>
    %dma_start3A_457 = arith.constant 0 : i32
    %dma_start3A_458 = arith.constant 0 : i32
    %dma_start3A_459 = tpu.memref_slice %arg6[%squeeze3A_442, %dma_start3A_457, %dma_start3A_458] : memref<125000x8x64xf32, #tpu.memory_space<hbm>> -> memref<1x8x64xf32, #tpu.memory_space<hbm>>
    %dma_start3A_460 = tpu.memref_squeeze %dma_start3A_459 : memref<1x8x64xf32, #tpu.memory_space<hbm>> -> memref<8x64xf32, #tpu.memory_space<hbm>>
    tpu.enqueue_dma source(%dma_start3A_460 : memref<8x64xf32, #tpu.memory_space<hbm>>) target(%dma_start3A_456 : memref<8x64xf32, #tpu.memory_space<vmem>>) target_semaphore(%arg16 : memref<!tpu.dma_semaphore, #tpu.memory_space<semaphore_mem>>)
    %slice3A_461 = vector.extract_strided_slice %get3A_3 {offsets = [11], sizes = [1], strides = [1]} : vector<16xi32> to vector<1xi32>
    %squeeze3A_462 = vector.extract %slice3A_461[0] : i32 from vector<1xi32>
    %dma_start3A_463 = arith.constant 0 : i32
    %dma_start3A_464 = arith.constant 11 : i32
    %dma_start3A_465 = arith.constant 0 : i32
    %dma_start3A_466 = arith.constant 0 : i32
    %dma_start3A_467 = tpu.memref_slice %arg14[%dma_start3A_463, %dma_start3A_464, %dma_start3A_465, %dma_start3A_466] : memref<2x16x8x64xf32, #tpu.memory_space<vmem>> -> memref<1x1x8x64xf32, #tpu.memory_space<vmem>>
    %dma_start3A_468 = tpu.memref_squeeze %dma_start3A_467 : memref<1x1x8x64xf32, #tpu.memory_space<vmem>> -> memref<8x64xf32, #tpu.memory_space<vmem>>
    %dma_start3A_469 = arith.constant 0 : i32
    %dma_start3A_470 = arith.constant 0 : i32
    %dma_start3A_471 = tpu.memref_slice %arg7[%squeeze3A_462, %dma_start3A_469, %dma_start3A_470] : memref<125000x8x64xf32, #tpu.memory_space<hbm>> -> memref<1x8x64xf32, #tpu.memory_space<hbm>>
    %dma_start3A_472 = tpu.memref_squeeze %dma_start3A_471 : memref<1x8x64xf32, #tpu.memory_space<hbm>> -> memref<8x64xf32, #tpu.memory_space<hbm>>
    %dma_start3A_473 = arith.constant 0 : i32
    %dma_start3A_474 = arith.constant 0 : i32
    %dma_start3A_475 = tpu.memref_slice %arg14[%dma_start3A_463, %dma_start3A_464, %dma_start3A_473, %dma_start3A_474] : memref<2x16x8x64xf32, #tpu.memory_space<vmem>> -> memref<1x1x8x64xf32, #tpu.memory_space<vmem>>
    %dma_start3A_476 = tpu.memref_squeeze %dma_start3A_475 : memref<1x1x8x64xf32, #tpu.memory_space<vmem>> -> memref<8x64xf32, #tpu.memory_space<vmem>>
    %dma_start3A_477 = arith.constant 0 : i32
    %dma_start3A_478 = arith.constant 0 : i32
    %dma_start3A_479 = tpu.memref_slice %arg7[%squeeze3A_462, %dma_start3A_477, %dma_start3A_478] : memref<125000x8x64xf32, #tpu.memory_space<hbm>> -> memref<1x8x64xf32, #tpu.memory_space<hbm>>
    %dma_start3A_480 = tpu.memref_squeeze %dma_start3A_479 : memref<1x8x64xf32, #tpu.memory_space<hbm>> -> memref<8x64xf32, #tpu.memory_space<hbm>>
    tpu.enqueue_dma source(%dma_start3A_480 : memref<8x64xf32, #tpu.memory_space<hbm>>) target(%dma_start3A_476 : memref<8x64xf32, #tpu.memory_space<vmem>>) target_semaphore(%arg17 : memref<!tpu.dma_semaphore, #tpu.memory_space<semaphore_mem>>)
    %slice3A_481 = vector.extract_strided_slice %get3A_1 {offsets = [12], sizes = [1], strides = [1]} : vector<16xi32> to vector<1xi32>
    %squeeze3A_482 = vector.extract %slice3A_481[0] : i32 from vector<1xi32>
    %dma_start3A_483 = arith.constant 0 : i32
    %dma_start3A_484 = arith.constant 12 : i32
    %dma_start3A_485 = arith.constant 0 : i32
    %dma_start3A_486 = arith.constant 0 : i32
    %dma_start3A_487 = tpu.memref_slice %arg13[%dma_start3A_483, %dma_start3A_484, %dma_start3A_485, %dma_start3A_486] : memref<2x16x8x64xf32, #tpu.memory_space<vmem>> -> memref<1x1x8x64xf32, #tpu.memory_space<vmem>>
    %dma_start3A_488 = tpu.memref_squeeze %dma_start3A_487 : memref<1x1x8x64xf32, #tpu.memory_space<vmem>> -> memref<8x64xf32, #tpu.memory_space<vmem>>
    %dma_start3A_489 = arith.constant 0 : i32
    %dma_start3A_490 = arith.constant 0 : i32
    %dma_start3A_491 = tpu.memref_slice %arg6[%squeeze3A_482, %dma_start3A_489, %dma_start3A_490] : memref<125000x8x64xf32, #tpu.memory_space<hbm>> -> memref<1x8x64xf32, #tpu.memory_space<hbm>>
    %dma_start3A_492 = tpu.memref_squeeze %dma_start3A_491 : memref<1x8x64xf32, #tpu.memory_space<hbm>> -> memref<8x64xf32, #tpu.memory_space<hbm>>
    %dma_start3A_493 = arith.constant 0 : i32
    %dma_start3A_494 = arith.constant 0 : i32
    %dma_start3A_495 = tpu.memref_slice %arg13[%dma_start3A_483, %dma_start3A_484, %dma_start3A_493, %dma_start3A_494] : memref<2x16x8x64xf32, #tpu.memory_space<vmem>> -> memref<1x1x8x64xf32, #tpu.memory_space<vmem>>
    %dma_start3A_496 = tpu.memref_squeeze %dma_start3A_495 : memref<1x1x8x64xf32, #tpu.memory_space<vmem>> -> memref<8x64xf32, #tpu.memory_space<vmem>>
    %dma_start3A_497 = arith.constant 0 : i32
    %dma_start3A_498 = arith.constant 0 : i32
    %dma_start3A_499 = tpu.memref_slice %arg6[%squeeze3A_482, %dma_start3A_497, %dma_start3A_498] : memref<125000x8x64xf32, #tpu.memory_space<hbm>> -> memref<1x8x64xf32, #tpu.memory_space<hbm>>
    %dma_start3A_500 = tpu.memref_squeeze %dma_start3A_499 : memref<1x8x64xf32, #tpu.memory_space<hbm>> -> memref<8x64xf32, #tpu.memory_space<hbm>>
    tpu.enqueue_dma source(%dma_start3A_500 : memref<8x64xf32, #tpu.memory_space<hbm>>) target(%dma_start3A_496 : memref<8x64xf32, #tpu.memory_space<vmem>>) target_semaphore(%arg16 : memref<!tpu.dma_semaphore, #tpu.memory_space<semaphore_mem>>)
    %slice3A_501 = vector.extract_strided_slice %get3A_3 {offsets = [12], sizes = [1], strides = [1]} : vector<16xi32> to vector<1xi32>
    %squeeze3A_502 = vector.extract %slice3A_501[0] : i32 from vector<1xi32>
    %dma_start3A_503 = arith.constant 0 : i32
    %dma_start3A_504 = arith.constant 12 : i32
    %dma_start3A_505 = arith.constant 0 : i32
    %dma_start3A_506 = arith.constant 0 : i32
    %dma_start3A_507 = tpu.memref_slice %arg14[%dma_start3A_503, %dma_start3A_504, %dma_start3A_505, %dma_start3A_506] : memref<2x16x8x64xf32, #tpu.memory_space<vmem>> -> memref<1x1x8x64xf32, #tpu.memory_space<vmem>>
    %dma_start3A_508 = tpu.memref_squeeze %dma_start3A_507 : memref<1x1x8x64xf32, #tpu.memory_space<vmem>> -> memref<8x64xf32, #tpu.memory_space<vmem>>
    %dma_start3A_509 = arith.constant 0 : i32
    %dma_start3A_510 = arith.constant 0 : i32
    %dma_start3A_511 = tpu.memref_slice %arg7[%squeeze3A_502, %dma_start3A_509, %dma_start3A_510] : memref<125000x8x64xf32, #tpu.memory_space<hbm>> -> memref<1x8x64xf32, #tpu.memory_space<hbm>>
    %dma_start3A_512 = tpu.memref_squeeze %dma_start3A_511 : memref<1x8x64xf32, #tpu.memory_space<hbm>> -> memref<8x64xf32, #tpu.memory_space<hbm>>
    %dma_start3A_513 = arith.constant 0 : i32
    %dma_start3A_514 = arith.constant 0 : i32
    %dma_start3A_515 = tpu.memref_slice %arg14[%dma_start3A_503, %dma_start3A_504, %dma_start3A_513, %dma_start3A_514] : memref<2x16x8x64xf32, #tpu.memory_space<vmem>> -> memref<1x1x8x64xf32, #tpu.memory_space<vmem>>
    %dma_start3A_516 = tpu.memref_squeeze %dma_start3A_515 : memref<1x1x8x64xf32, #tpu.memory_space<vmem>> -> memref<8x64xf32, #tpu.memory_space<vmem>>
    %dma_start3A_517 = arith.constant 0 : i32
    %dma_start3A_518 = arith.constant 0 : i32
    %dma_start3A_519 = tpu.memref_slice %arg7[%squeeze3A_502, %dma_start3A_517, %dma_start3A_518] : memref<125000x8x64xf32, #tpu.memory_space<hbm>> -> memref<1x8x64xf32, #tpu.memory_space<hbm>>
    %dma_start3A_520 = tpu.memref_squeeze %dma_start3A_519 : memref<1x8x64xf32, #tpu.memory_space<hbm>> -> memref<8x64xf32, #tpu.memory_space<hbm>>
    tpu.enqueue_dma source(%dma_start3A_520 : memref<8x64xf32, #tpu.memory_space<hbm>>) target(%dma_start3A_516 : memref<8x64xf32, #tpu.memory_space<vmem>>) target_semaphore(%arg17 : memref<!tpu.dma_semaphore, #tpu.memory_space<semaphore_mem>>)
    %slice3A_521 = vector.extract_strided_slice %get3A_1 {offsets = [13], sizes = [1], strides = [1]} : vector<16xi32> to vector<1xi32>
    %squeeze3A_522 = vector.extract %slice3A_521[0] : i32 from vector<1xi32>
    %dma_start3A_523 = arith.constant 0 : i32
    %dma_start3A_524 = arith.constant 13 : i32
    %dma_start3A_525 = arith.constant 0 : i32
    %dma_start3A_526 = arith.constant 0 : i32
    %dma_start3A_527 = tpu.memref_slice %arg13[%dma_start3A_523, %dma_start3A_524, %dma_start3A_525, %dma_start3A_526] : memref<2x16x8x64xf32, #tpu.memory_space<vmem>> -> memref<1x1x8x64xf32, #tpu.memory_space<vmem>>
    %dma_start3A_528 = tpu.memref_squeeze %dma_start3A_527 : memref<1x1x8x64xf32, #tpu.memory_space<vmem>> -> memref<8x64xf32, #tpu.memory_space<vmem>>
    %dma_start3A_529 = arith.constant 0 : i32
    %dma_start3A_530 = arith.constant 0 : i32
    %dma_start3A_531 = tpu.memref_slice %arg6[%squeeze3A_522, %dma_start3A_529, %dma_start3A_530] : memref<125000x8x64xf32, #tpu.memory_space<hbm>> -> memref<1x8x64xf32, #tpu.memory_space<hbm>>
    %dma_start3A_532 = tpu.memref_squeeze %dma_start3A_531 : memref<1x8x64xf32, #tpu.memory_space<hbm>> -> memref<8x64xf32, #tpu.memory_space<hbm>>
    %dma_start3A_533 = arith.constant 0 : i32
    %dma_start3A_534 = arith.constant 0 : i32
    %dma_start3A_535 = tpu.memref_slice %arg13[%dma_start3A_523, %dma_start3A_524, %dma_start3A_533, %dma_start3A_534] : memref<2x16x8x64xf32, #tpu.memory_space<vmem>> -> memref<1x1x8x64xf32, #tpu.memory_space<vmem>>
    %dma_start3A_536 = tpu.memref_squeeze %dma_start3A_535 : memref<1x1x8x64xf32, #tpu.memory_space<vmem>> -> memref<8x64xf32, #tpu.memory_space<vmem>>
    %dma_start3A_537 = arith.constant 0 : i32
    %dma_start3A_538 = arith.constant 0 : i32
    %dma_start3A_539 = tpu.memref_slice %arg6[%squeeze3A_522, %dma_start3A_537, %dma_start3A_538] : memref<125000x8x64xf32, #tpu.memory_space<hbm>> -> memref<1x8x64xf32, #tpu.memory_space<hbm>>
    %dma_start3A_540 = tpu.memref_squeeze %dma_start3A_539 : memref<1x8x64xf32, #tpu.memory_space<hbm>> -> memref<8x64xf32, #tpu.memory_space<hbm>>
    tpu.enqueue_dma source(%dma_start3A_540 : memref<8x64xf32, #tpu.memory_space<hbm>>) target(%dma_start3A_536 : memref<8x64xf32, #tpu.memory_space<vmem>>) target_semaphore(%arg16 : memref<!tpu.dma_semaphore, #tpu.memory_space<semaphore_mem>>)
    %slice3A_541 = vector.extract_strided_slice %get3A_3 {offsets = [13], sizes = [1], strides = [1]} : vector<16xi32> to vector<1xi32>
    %squeeze3A_542 = vector.extract %slice3A_541[0] : i32 from vector<1xi32>
    %dma_start3A_543 = arith.constant 0 : i32
    %dma_start3A_544 = arith.constant 13 : i32
    %dma_start3A_545 = arith.constant 0 : i32
    %dma_start3A_546 = arith.constant 0 : i32
    %dma_start3A_547 = tpu.memref_slice %arg14[%dma_start3A_543, %dma_start3A_544, %dma_start3A_545, %dma_start3A_546] : memref<2x16x8x64xf32, #tpu.memory_space<vmem>> -> memref<1x1x8x64xf32, #tpu.memory_space<vmem>>
    %dma_start3A_548 = tpu.memref_squeeze %dma_start3A_547 : memref<1x1x8x64xf32, #tpu.memory_space<vmem>> -> memref<8x64xf32, #tpu.memory_space<vmem>>
    %dma_start3A_549 = arith.constant 0 : i32
    %dma_start3A_550 = arith.constant 0 : i32
    %dma_start3A_551 = tpu.memref_slice %arg7[%squeeze3A_542, %dma_start3A_549, %dma_start3A_550] : memref<125000x8x64xf32, #tpu.memory_space<hbm>> -> memref<1x8x64xf32, #tpu.memory_space<hbm>>
    %dma_start3A_552 = tpu.memref_squeeze %dma_start3A_551 : memref<1x8x64xf32, #tpu.memory_space<hbm>> -> memref<8x64xf32, #tpu.memory_space<hbm>>
    %dma_start3A_553 = arith.constant 0 : i32
    %dma_start3A_554 = arith.constant 0 : i32
    %dma_start3A_555 = tpu.memref_slice %arg14[%dma_start3A_543, %dma_start3A_544, %dma_start3A_553, %dma_start3A_554] : memref<2x16x8x64xf32, #tpu.memory_space<vmem>> -> memref<1x1x8x64xf32, #tpu.memory_space<vmem>>
    %dma_start3A_556 = tpu.memref_squeeze %dma_start3A_555 : memref<1x1x8x64xf32, #tpu.memory_space<vmem>> -> memref<8x64xf32, #tpu.memory_space<vmem>>
    %dma_start3A_557 = arith.constant 0 : i32
    %dma_start3A_558 = arith.constant 0 : i32
    %dma_start3A_559 = tpu.memref_slice %arg7[%squeeze3A_542, %dma_start3A_557, %dma_start3A_558] : memref<125000x8x64xf32, #tpu.memory_space<hbm>> -> memref<1x8x64xf32, #tpu.memory_space<hbm>>
    %dma_start3A_560 = tpu.memref_squeeze %dma_start3A_559 : memref<1x8x64xf32, #tpu.memory_space<hbm>> -> memref<8x64xf32, #tpu.memory_space<hbm>>
    tpu.enqueue_dma source(%dma_start3A_560 : memref<8x64xf32, #tpu.memory_space<hbm>>) target(%dma_start3A_556 : memref<8x64xf32, #tpu.memory_space<vmem>>) target_semaphore(%arg17 : memref<!tpu.dma_semaphore, #tpu.memory_space<semaphore_mem>>)
    %slice3A_561 = vector.extract_strided_slice %get3A_1 {offsets = [14], sizes = [1], strides = [1]} : vector<16xi32> to vector<1xi32>
    %squeeze3A_562 = vector.extract %slice3A_561[0] : i32 from vector<1xi32>
    %dma_start3A_563 = arith.constant 0 : i32
    %dma_start3A_564 = arith.constant 14 : i32
    %dma_start3A_565 = arith.constant 0 : i32
    %dma_start3A_566 = arith.constant 0 : i32
    %dma_start3A_567 = tpu.memref_slice %arg13[%dma_start3A_563, %dma_start3A_564, %dma_start3A_565, %dma_start3A_566] : memref<2x16x8x64xf32, #tpu.memory_space<vmem>> -> memref<1x1x8x64xf32, #tpu.memory_space<vmem>>
    %dma_start3A_568 = tpu.memref_squeeze %dma_start3A_567 : memref<1x1x8x64xf32, #tpu.memory_space<vmem>> -> memref<8x64xf32, #tpu.memory_space<vmem>>
    %dma_start3A_569 = arith.constant 0 : i32
    %dma_start3A_570 = arith.constant 0 : i32
    %dma_start3A_571 = tpu.memref_slice %arg6[%squeeze3A_562, %dma_start3A_569, %dma_start3A_570] : memref<125000x8x64xf32, #tpu.memory_space<hbm>> -> memref<1x8x64xf32, #tpu.memory_space<hbm>>
    %dma_start3A_572 = tpu.memref_squeeze %dma_start3A_571 : memref<1x8x64xf32, #tpu.memory_space<hbm>> -> memref<8x64xf32, #tpu.memory_space<hbm>>
    %dma_start3A_573 = arith.constant 0 : i32
    %dma_start3A_574 = arith.constant 0 : i32
    %dma_start3A_575 = tpu.memref_slice %arg13[%dma_start3A_563, %dma_start3A_564, %dma_start3A_573, %dma_start3A_574] : memref<2x16x8x64xf32, #tpu.memory_space<vmem>> -> memref<1x1x8x64xf32, #tpu.memory_space<vmem>>
    %dma_start3A_576 = tpu.memref_squeeze %dma_start3A_575 : memref<1x1x8x64xf32, #tpu.memory_space<vmem>> -> memref<8x64xf32, #tpu.memory_space<vmem>>
    %dma_start3A_577 = arith.constant 0 : i32
    %dma_start3A_578 = arith.constant 0 : i32
    %dma_start3A_579 = tpu.memref_slice %arg6[%squeeze3A_562, %dma_start3A_577, %dma_start3A_578] : memref<125000x8x64xf32, #tpu.memory_space<hbm>> -> memref<1x8x64xf32, #tpu.memory_space<hbm>>
    %dma_start3A_580 = tpu.memref_squeeze %dma_start3A_579 : memref<1x8x64xf32, #tpu.memory_space<hbm>> -> memref<8x64xf32, #tpu.memory_space<hbm>>
    tpu.enqueue_dma source(%dma_start3A_580 : memref<8x64xf32, #tpu.memory_space<hbm>>) target(%dma_start3A_576 : memref<8x64xf32, #tpu.memory_space<vmem>>) target_semaphore(%arg16 : memref<!tpu.dma_semaphore, #tpu.memory_space<semaphore_mem>>)
    %slice3A_581 = vector.extract_strided_slice %get3A_3 {offsets = [14], sizes = [1], strides = [1]} : vector<16xi32> to vector<1xi32>
    %squeeze3A_582 = vector.extract %slice3A_581[0] : i32 from vector<1xi32>
    %dma_start3A_583 = arith.constant 0 : i32
    %dma_start3A_584 = arith.constant 14 : i32
    %dma_start3A_585 = arith.constant 0 : i32
    %dma_start3A_586 = arith.constant 0 : i32
    %dma_start3A_587 = tpu.memref_slice %arg14[%dma_start3A_583, %dma_start3A_584, %dma_start3A_585, %dma_start3A_586] : memref<2x16x8x64xf32, #tpu.memory_space<vmem>> -> memref<1x1x8x64xf32, #tpu.memory_space<vmem>>
    %dma_start3A_588 = tpu.memref_squeeze %dma_start3A_587 : memref<1x1x8x64xf32, #tpu.memory_space<vmem>> -> memref<8x64xf32, #tpu.memory_space<vmem>>
    %dma_start3A_589 = arith.constant 0 : i32
    %dma_start3A_590 = arith.constant 0 : i32
    %dma_start3A_591 = tpu.memref_slice %arg7[%squeeze3A_582, %dma_start3A_589, %dma_start3A_590] : memref<125000x8x64xf32, #tpu.memory_space<hbm>> -> memref<1x8x64xf32, #tpu.memory_space<hbm>>
    %dma_start3A_592 = tpu.memref_squeeze %dma_start3A_591 : memref<1x8x64xf32, #tpu.memory_space<hbm>> -> memref<8x64xf32, #tpu.memory_space<hbm>>
    %dma_start3A_593 = arith.constant 0 : i32
    %dma_start3A_594 = arith.constant 0 : i32
    %dma_start3A_595 = tpu.memref_slice %arg14[%dma_start3A_583, %dma_start3A_584, %dma_start3A_593, %dma_start3A_594] : memref<2x16x8x64xf32, #tpu.memory_space<vmem>> -> memref<1x1x8x64xf32, #tpu.memory_space<vmem>>
    %dma_start3A_596 = tpu.memref_squeeze %dma_start3A_595 : memref<1x1x8x64xf32, #tpu.memory_space<vmem>> -> memref<8x64xf32, #tpu.memory_space<vmem>>
    %dma_start3A_597 = arith.constant 0 : i32
    %dma_start3A_598 = arith.constant 0 : i32
    %dma_start3A_599 = tpu.memref_slice %arg7[%squeeze3A_582, %dma_start3A_597, %dma_start3A_598] : memref<125000x8x64xf32, #tpu.memory_space<hbm>> -> memref<1x8x64xf32, #tpu.memory_space<hbm>>
    %dma_start3A_600 = tpu.memref_squeeze %dma_start3A_599 : memref<1x8x64xf32, #tpu.memory_space<hbm>> -> memref<8x64xf32, #tpu.memory_space<hbm>>
    tpu.enqueue_dma source(%dma_start3A_600 : memref<8x64xf32, #tpu.memory_space<hbm>>) target(%dma_start3A_596 : memref<8x64xf32, #tpu.memory_space<vmem>>) target_semaphore(%arg17 : memref<!tpu.dma_semaphore, #tpu.memory_space<semaphore_mem>>)
    %slice3A_601 = vector.extract_strided_slice %get3A_1 {offsets = [15], sizes = [1], strides = [1]} : vector<16xi32> to vector<1xi32>
    %squeeze3A_602 = vector.extract %slice3A_601[0] : i32 from vector<1xi32>
    %dma_start3A_603 = arith.constant 0 : i32
    %dma_start3A_604 = arith.constant 15 : i32
    %dma_start3A_605 = arith.constant 0 : i32
    %dma_start3A_606 = arith.constant 0 : i32
    %dma_start3A_607 = tpu.memref_slice %arg13[%dma_start3A_603, %dma_start3A_604, %dma_start3A_605, %dma_start3A_606] : memref<2x16x8x64xf32, #tpu.memory_space<vmem>> -> memref<1x1x8x64xf32, #tpu.memory_space<vmem>>
    %dma_start3A_608 = tpu.memref_squeeze %dma_start3A_607 : memref<1x1x8x64xf32, #tpu.memory_space<vmem>> -> memref<8x64xf32, #tpu.memory_space<vmem>>
    %dma_start3A_609 = arith.constant 0 : i32
    %dma_start3A_610 = arith.constant 0 : i32
    %dma_start3A_611 = tpu.memref_slice %arg6[%squeeze3A_602, %dma_start3A_609, %dma_start3A_610] : memref<125000x8x64xf32, #tpu.memory_space<hbm>> -> memref<1x8x64xf32, #tpu.memory_space<hbm>>
    %dma_start3A_612 = tpu.memref_squeeze %dma_start3A_611 : memref<1x8x64xf32, #tpu.memory_space<hbm>> -> memref<8x64xf32, #tpu.memory_space<hbm>>
    %dma_start3A_613 = arith.constant 0 : i32
    %dma_start3A_614 = arith.constant 0 : i32
    %dma_start3A_615 = tpu.memref_slice %arg13[%dma_start3A_603, %dma_start3A_604, %dma_start3A_613, %dma_start3A_614] : memref<2x16x8x64xf32, #tpu.memory_space<vmem>> -> memref<1x1x8x64xf32, #tpu.memory_space<vmem>>
    %dma_start3A_616 = tpu.memref_squeeze %dma_start3A_615 : memref<1x1x8x64xf32, #tpu.memory_space<vmem>> -> memref<8x64xf32, #tpu.memory_space<vmem>>
    %dma_start3A_617 = arith.constant 0 : i32
    %dma_start3A_618 = arith.constant 0 : i32
    %dma_start3A_619 = tpu.memref_slice %arg6[%squeeze3A_602, %dma_start3A_617, %dma_start3A_618] : memref<125000x8x64xf32, #tpu.memory_space<hbm>> -> memref<1x8x64xf32, #tpu.memory_space<hbm>>
    %dma_start3A_620 = tpu.memref_squeeze %dma_start3A_619 : memref<1x8x64xf32, #tpu.memory_space<hbm>> -> memref<8x64xf32, #tpu.memory_space<hbm>>
    tpu.enqueue_dma source(%dma_start3A_620 : memref<8x64xf32, #tpu.memory_space<hbm>>) target(%dma_start3A_616 : memref<8x64xf32, #tpu.memory_space<vmem>>) target_semaphore(%arg16 : memref<!tpu.dma_semaphore, #tpu.memory_space<semaphore_mem>>)
    %slice3A_621 = vector.extract_strided_slice %get3A_3 {offsets = [15], sizes = [1], strides = [1]} : vector<16xi32> to vector<1xi32>
    %squeeze3A_622 = vector.extract %slice3A_621[0] : i32 from vector<1xi32>
    %dma_start3A_623 = arith.constant 0 : i32
    %dma_start3A_624 = arith.constant 15 : i32
    %dma_start3A_625 = arith.constant 0 : i32
    %dma_start3A_626 = arith.constant 0 : i32
    %dma_start3A_627 = tpu.memref_slice %arg14[%dma_start3A_623, %dma_start3A_624, %dma_start3A_625, %dma_start3A_626] : memref<2x16x8x64xf32, #tpu.memory_space<vmem>> -> memref<1x1x8x64xf32, #tpu.memory_space<vmem>>
    %dma_start3A_628 = tpu.memref_squeeze %dma_start3A_627 : memref<1x1x8x64xf32, #tpu.memory_space<vmem>> -> memref<8x64xf32, #tpu.memory_space<vmem>>
    %dma_start3A_629 = arith.constant 0 : i32
    %dma_start3A_630 = arith.constant 0 : i32
    %dma_start3A_631 = tpu.memref_slice %arg7[%squeeze3A_622, %dma_start3A_629, %dma_start3A_630] : memref<125000x8x64xf32, #tpu.memory_space<hbm>> -> memref<1x8x64xf32, #tpu.memory_space<hbm>>
    %dma_start3A_632 = tpu.memref_squeeze %dma_start3A_631 : memref<1x8x64xf32, #tpu.memory_space<hbm>> -> memref<8x64xf32, #tpu.memory_space<hbm>>
    %dma_start3A_633 = arith.constant 0 : i32
    %dma_start3A_634 = arith.constant 0 : i32
    %dma_start3A_635 = tpu.memref_slice %arg14[%dma_start3A_623, %dma_start3A_624, %dma_start3A_633, %dma_start3A_634] : memref<2x16x8x64xf32, #tpu.memory_space<vmem>> -> memref<1x1x8x64xf32, #tpu.memory_space<vmem>>
    %dma_start3A_636 = tpu.memref_squeeze %dma_start3A_635 : memref<1x1x8x64xf32, #tpu.memory_space<vmem>> -> memref<8x64xf32, #tpu.memory_space<vmem>>
    %dma_start3A_637 = arith.constant 0 : i32
    %dma_start3A_638 = arith.constant 0 : i32
    %dma_start3A_639 = tpu.memref_slice %arg7[%squeeze3A_622, %dma_start3A_637, %dma_start3A_638] : memref<125000x8x64xf32, #tpu.memory_space<hbm>> -> memref<1x8x64xf32, #tpu.memory_space<hbm>>
    %dma_start3A_640 = tpu.memref_squeeze %dma_start3A_639 : memref<1x8x64xf32, #tpu.memory_space<hbm>> -> memref<8x64xf32, #tpu.memory_space<hbm>>
    tpu.enqueue_dma source(%dma_start3A_640 : memref<8x64xf32, #tpu.memory_space<hbm>>) target(%dma_start3A_636 : memref<8x64xf32, #tpu.memory_space<vmem>>) target_semaphore(%arg17 : memref<!tpu.dma_semaphore, #tpu.memory_space<semaphore_mem>>)
    %iota3A = tpu.iota {dimensions = array<i32: 0>} : vector<16xi32>
    %scan3A = arith.constant 0 : i32
    %scan3A_641 = arith.constant 0 : i32
    %scan3A_642 = arith.constant 32 : i32
    %scan3A_643 = arith.addi %scan3A_641, %scan3A_642 : i32
    %scan3A_644 = arith.constant 1 : i32
    %scan3A_645 = scf.for %scan3A_649 = %scan3A_641 to %scan3A_643 step %scan3A_644 iter_args(%scan3A_650 = %scan3A) -> (i32)  : i32 {
      %jit3A = arith.constant 2 : i32
      %eq3A = arith.constant 0 : i32
      %eq3A_651 = arith.cmpi eq, %jit3A, %eq3A : i32
      %jit3A_652 = arith.constant 1 : i32
      %select_n3A = arith.select %eq3A_651, %jit3A_652, %jit3A : i32
      %rem3A = arith.remsi %scan3A_649, %select_n3A : i32
      %ne3A = arith.constant 0 : i32
      %ne3A_653 = arith.cmpi ne, %rem3A, %ne3A : i32
      %lt3A = arith.constant 0 : i32
      %lt3A_654 = arith.cmpi slt, %rem3A, %lt3A : i32
      %lt3A_655 = arith.constant 0 : i32
      %lt3A_656 = arith.cmpi slt, %select_n3A, %lt3A_655 : i32
      %ne3A_657 = arith.xori %lt3A_654, %lt3A_656 : i1
      %and3A = arith.andi %ne3A_657, %ne3A_653 : i1
      %add3A_658 = arith.addi %rem3A, %select_n3A : i32
      %select_n3A_659 = arith.select %and3A, %add3A_658, %rem3A : i32
      %add3A_660 = arith.constant 1 : i32
      %add3A_661 = arith.addi %scan3A_649, %add3A_660 : i32
      %lt3A_662 = arith.constant 32 : i32
      %lt3A_663 = arith.cmpi slt, %add3A_661, %lt3A_662 : i32
      %convert_element_type3A = arith.extui %lt3A_663 : i1 to i32
      %cond3A = arith.constant 0 : i32
      %cond3A_664 = arith.cmpi ne, %convert_element_type3A, %cond3A : i32
      scf.if %cond3A_664 {
        %add3A_1159 = arith.constant 1 : i32
        %add3A_1160 = arith.addi %scan3A_649, %add3A_1159 : i32
        %add3A_1161 = arith.constant 1 : i32
        %add3A_1162 = arith.addi %scan3A_649, %add3A_1161 : i32
        %jit3A_1163 = arith.constant 2 : i32
        %eq3A_1164 = arith.constant 0 : i32
        %eq3A_1165 = arith.cmpi eq, %jit3A_1163, %eq3A_1164 : i32
        %jit3A_1166 = arith.constant 1 : i32
        %select_n3A_1167 = arith.select %eq3A_1165, %jit3A_1166, %jit3A_1163 : i32
        %rem3A_1168 = arith.remsi %add3A_1162, %select_n3A_1167 : i32
        %ne3A_1169 = arith.constant 0 : i32
        %ne3A_1170 = arith.cmpi ne, %rem3A_1168, %ne3A_1169 : i32
        %lt3A_1171 = arith.constant 0 : i32
        %lt3A_1172 = arith.cmpi slt, %rem3A_1168, %lt3A_1171 : i32
        %lt3A_1173 = arith.constant 0 : i32
        %lt3A_1174 = arith.cmpi slt, %select_n3A_1167, %lt3A_1173 : i32
        %ne3A_1175 = arith.xori %lt3A_1172, %lt3A_1174 : i1
        %and3A_1176 = arith.andi %ne3A_1175, %ne3A_1170 : i1
        %add3A_1177 = arith.addi %rem3A_1168, %select_n3A_1167 : i32
        %select_n3A_1178 = arith.select %and3A_1176, %add3A_1177, %rem3A_1168 : i32
        %mul3A_1179 = arith.constant 16 : i32
        %mul3A_1180 = arith.muli %add3A_1160, %mul3A_1179 : i32
        %get3A_1181 = arith.index_cast %mul3A_1180 : i32 to index
        %get3A_1182 = tpu.vector_load %arg9[%get3A_1181] {strides = array<i32>} : memref<512xi32, #tpu.memory_space<vmem>>, vector<16xi32>,
        %mul3A_1183 = arith.constant 16 : i32
        %mul3A_1184 = arith.muli %add3A_1160, %mul3A_1183 : i32
        %get3A_1185 = arith.index_cast %mul3A_1184 : i32 to index
        %get3A_1186 = tpu.vector_load %arg10[%get3A_1185] {strides = array<i32>} : memref<512xi32, #tpu.memory_space<vmem>>, vector<16xi32>,
        %slice3A_1187 = vector.extract_strided_slice %get3A_1182 {offsets = [0], sizes = [1], strides = [1]} : vector<16xi32> to vector<1xi32>
        %squeeze3A_1188 = vector.extract %slice3A_1187[0] : i32 from vector<1xi32>
        %dma_start3A_1189 = arith.constant 0 : i32
        %dma_start3A_1190 = arith.constant 0 : i32
        %dma_start3A_1191 = arith.constant 0 : i32
        %dma_start3A_1192 = tpu.memref_slice %arg13[%select_n3A_1178, %dma_start3A_1189, %dma_start3A_1190, %dma_start3A_1191] : memref<2x16x8x64xf32, #tpu.memory_space<vmem>> -> memref<1x1x8x64xf32, #tpu.memory_space<vmem>>
        %dma_start3A_1193 = tpu.memref_squeeze %dma_start3A_1192 : memref<1x1x8x64xf32, #tpu.memory_space<vmem>> -> memref<8x64xf32, #tpu.memory_space<vmem>>
        %dma_start3A_1194 = arith.constant 0 : i32
        %dma_start3A_1195 = arith.constant 0 : i32
        %dma_start3A_1196 = tpu.memref_slice %arg6[%squeeze3A_1188, %dma_start3A_1194, %dma_start3A_1195] : memref<125000x8x64xf32, #tpu.memory_space<hbm>> -> memref<1x8x64xf32, #tpu.memory_space<hbm>>
        %dma_start3A_1197 = tpu.memref_squeeze %dma_start3A_1196 : memref<1x8x64xf32, #tpu.memory_space<hbm>> -> memref<8x64xf32, #tpu.memory_space<hbm>>
        %dma_start3A_1198 = arith.constant 0 : i32
        %dma_start3A_1199 = arith.constant 0 : i32
        %dma_start3A_1200 = tpu.memref_slice %arg13[%select_n3A_1178, %dma_start3A_1189, %dma_start3A_1198, %dma_start3A_1199] : memref<2x16x8x64xf32, #tpu.memory_space<vmem>> -> memref<1x1x8x64xf32, #tpu.memory_space<vmem>>
        %dma_start3A_1201 = tpu.memref_squeeze %dma_start3A_1200 : memref<1x1x8x64xf32, #tpu.memory_space<vmem>> -> memref<8x64xf32, #tpu.memory_space<vmem>>
        %dma_start3A_1202 = arith.constant 0 : i32
        %dma_start3A_1203 = arith.constant 0 : i32
        %dma_start3A_1204 = tpu.memref_slice %arg6[%squeeze3A_1188, %dma_start3A_1202, %dma_start3A_1203] : memref<125000x8x64xf32, #tpu.memory_space<hbm>> -> memref<1x8x64xf32, #tpu.memory_space<hbm>>
        %dma_start3A_1205 = tpu.memref_squeeze %dma_start3A_1204 : memref<1x8x64xf32, #tpu.memory_space<hbm>> -> memref<8x64xf32, #tpu.memory_space<hbm>>
        tpu.enqueue_dma source(%dma_start3A_1205 : memref<8x64xf32, #tpu.memory_space<hbm>>) target(%dma_start3A_1201 : memref<8x64xf32, #tpu.memory_space<vmem>>) target_semaphore(%arg16 : memref<!tpu.dma_semaphore, #tpu.memory_space<semaphore_mem>>)
        %slice3A_1206 = vector.extract_strided_slice %get3A_1186 {offsets = [0], sizes = [1], strides = [1]} : vector<16xi32> to vector<1xi32>
        %squeeze3A_1207 = vector.extract %slice3A_1206[0] : i32 from vector<1xi32>
        %dma_start3A_1208 = arith.constant 0 : i32
        %dma_start3A_1209 = arith.constant 0 : i32
        %dma_start3A_1210 = arith.constant 0 : i32
        %dma_start3A_1211 = tpu.memref_slice %arg14[%select_n3A_1178, %dma_start3A_1208, %dma_start3A_1209, %dma_start3A_1210] : memref<2x16x8x64xf32, #tpu.memory_space<vmem>> -> memref<1x1x8x64xf32, #tpu.memory_space<vmem>>
        %dma_start3A_1212 = tpu.memref_squeeze %dma_start3A_1211 : memref<1x1x8x64xf32, #tpu.memory_space<vmem>> -> memref<8x64xf32, #tpu.memory_space<vmem>>
        %dma_start3A_1213 = arith.constant 0 : i32
        %dma_start3A_1214 = arith.constant 0 : i32
        %dma_start3A_1215 = tpu.memref_slice %arg7[%squeeze3A_1207, %dma_start3A_1213, %dma_start3A_1214] : memref<125000x8x64xf32, #tpu.memory_space<hbm>> -> memref<1x8x64xf32, #tpu.memory_space<hbm>>
        %dma_start3A_1216 = tpu.memref_squeeze %dma_start3A_1215 : memref<1x8x64xf32, #tpu.memory_space<hbm>> -> memref<8x64xf32, #tpu.memory_space<hbm>>
        %dma_start3A_1217 = arith.constant 0 : i32
        %dma_start3A_1218 = arith.constant 0 : i32
        %dma_start3A_1219 = tpu.memref_slice %arg14[%select_n3A_1178, %dma_start3A_1208, %dma_start3A_1217, %dma_start3A_1218] : memref<2x16x8x64xf32, #tpu.memory_space<vmem>> -> memref<1x1x8x64xf32, #tpu.memory_space<vmem>>
        %dma_start3A_1220 = tpu.memref_squeeze %dma_start3A_1219 : memref<1x1x8x64xf32, #tpu.memory_space<vmem>> -> memref<8x64xf32, #tpu.memory_space<vmem>>
        %dma_start3A_1221 = arith.constant 0 : i32
        %dma_start3A_1222 = arith.constant 0 : i32
        %dma_start3A_1223 = tpu.memref_slice %arg7[%squeeze3A_1207, %dma_start3A_1221, %dma_start3A_1222] : memref<125000x8x64xf32, #tpu.memory_space<hbm>> -> memref<1x8x64xf32, #tpu.memory_space<hbm>>
        %dma_start3A_1224 = tpu.memref_squeeze %dma_start3A_1223 : memref<1x8x64xf32, #tpu.memory_space<hbm>> -> memref<8x64xf32, #tpu.memory_space<hbm>>
        tpu.enqueue_dma source(%dma_start3A_1224 : memref<8x64xf32, #tpu.memory_space<hbm>>) target(%dma_start3A_1220 : memref<8x64xf32, #tpu.memory_space<vmem>>) target_semaphore(%arg17 : memref<!tpu.dma_semaphore, #tpu.memory_space<semaphore_mem>>)
        %slice3A_1225 = vector.extract_strided_slice %get3A_1182 {offsets = [1], sizes = [1], strides = [1]} : vector<16xi32> to vector<1xi32>
        %squeeze3A_1226 = vector.extract %slice3A_1225[0] : i32 from vector<1xi32>
        %dma_start3A_1227 = arith.constant 1 : i32
        %dma_start3A_1228 = arith.constant 0 : i32
        %dma_start3A_1229 = arith.constant 0 : i32
        %dma_start3A_1230 = tpu.memref_slice %arg13[%select_n3A_1178, %dma_start3A_1227, %dma_start3A_1228, %dma_start3A_1229] : memref<2x16x8x64xf32, #tpu.memory_space<vmem>> -> memref<1x1x8x64xf32, #tpu.memory_space<vmem>>
        %dma_start3A_1231 = tpu.memref_squeeze %dma_start3A_1230 : memref<1x1x8x64xf32, #tpu.memory_space<vmem>> -> memref<8x64xf32, #tpu.memory_space<vmem>>
        %dma_start3A_1232 = arith.constant 0 : i32
        %dma_start3A_1233 = arith.constant 0 : i32
        %dma_start3A_1234 = tpu.memref_slice %arg6[%squeeze3A_1226, %dma_start3A_1232, %dma_start3A_1233] : memref<125000x8x64xf32, #tpu.memory_space<hbm>> -> memref<1x8x64xf32, #tpu.memory_space<hbm>>
        %dma_start3A_1235 = tpu.memref_squeeze %dma_start3A_1234 : memref<1x8x64xf32, #tpu.memory_space<hbm>> -> memref<8x64xf32, #tpu.memory_space<hbm>>
        %dma_start3A_1236 = arith.constant 0 : i32
        %dma_start3A_1237 = arith.constant 0 : i32
        %dma_start3A_1238 = tpu.memref_slice %arg13[%select_n3A_1178, %dma_start3A_1227, %dma_start3A_1236, %dma_start3A_1237] : memref<2x16x8x64xf32, #tpu.memory_space<vmem>> -> memref<1x1x8x64xf32, #tpu.memory_space<vmem>>
        %dma_start3A_1239 = tpu.memref_squeeze %dma_start3A_1238 : memref<1x1x8x64xf32, #tpu.memory_space<vmem>> -> memref<8x64xf32, #tpu.memory_space<vmem>>
        %dma_start3A_1240 = arith.constant 0 : i32
        %dma_start3A_1241 = arith.constant 0 : i32
        %dma_start3A_1242 = tpu.memref_slice %arg6[%squeeze3A_1226, %dma_start3A_1240, %dma_start3A_1241] : memref<125000x8x64xf32, #tpu.memory_space<hbm>> -> memref<1x8x64xf32, #tpu.memory_space<hbm>>
        %dma_start3A_1243 = tpu.memref_squeeze %dma_start3A_1242 : memref<1x8x64xf32, #tpu.memory_space<hbm>> -> memref<8x64xf32, #tpu.memory_space<hbm>>
        tpu.enqueue_dma source(%dma_start3A_1243 : memref<8x64xf32, #tpu.memory_space<hbm>>) target(%dma_start3A_1239 : memref<8x64xf32, #tpu.memory_space<vmem>>) target_semaphore(%arg16 : memref<!tpu.dma_semaphore, #tpu.memory_space<semaphore_mem>>)
        %slice3A_1244 = vector.extract_strided_slice %get3A_1186 {offsets = [1], sizes = [1], strides = [1]} : vector<16xi32> to vector<1xi32>
        %squeeze3A_1245 = vector.extract %slice3A_1244[0] : i32 from vector<1xi32>
        %dma_start3A_1246 = arith.constant 1 : i32
        %dma_start3A_1247 = arith.constant 0 : i32
        %dma_start3A_1248 = arith.constant 0 : i32
        %dma_start3A_1249 = tpu.memref_slice %arg14[%select_n3A_1178, %dma_start3A_1246, %dma_start3A_1247, %dma_start3A_1248] : memref<2x16x8x64xf32, #tpu.memory_space<vmem>> -> memref<1x1x8x64xf32, #tpu.memory_space<vmem>>
        %dma_start3A_1250 = tpu.memref_squeeze %dma_start3A_1249 : memref<1x1x8x64xf32, #tpu.memory_space<vmem>> -> memref<8x64xf32, #tpu.memory_space<vmem>>
        %dma_start3A_1251 = arith.constant 0 : i32
        %dma_start3A_1252 = arith.constant 0 : i32
        %dma_start3A_1253 = tpu.memref_slice %arg7[%squeeze3A_1245, %dma_start3A_1251, %dma_start3A_1252] : memref<125000x8x64xf32, #tpu.memory_space<hbm>> -> memref<1x8x64xf32, #tpu.memory_space<hbm>>
        %dma_start3A_1254 = tpu.memref_squeeze %dma_start3A_1253 : memref<1x8x64xf32, #tpu.memory_space<hbm>> -> memref<8x64xf32, #tpu.memory_space<hbm>>
        %dma_start3A_1255 = arith.constant 0 : i32
        %dma_start3A_1256 = arith.constant 0 : i32
        %dma_start3A_1257 = tpu.memref_slice %arg14[%select_n3A_1178, %dma_start3A_1246, %dma_start3A_1255, %dma_start3A_1256] : memref<2x16x8x64xf32, #tpu.memory_space<vmem>> -> memref<1x1x8x64xf32, #tpu.memory_space<vmem>>
        %dma_start3A_1258 = tpu.memref_squeeze %dma_start3A_1257 : memref<1x1x8x64xf32, #tpu.memory_space<vmem>> -> memref<8x64xf32, #tpu.memory_space<vmem>>
        %dma_start3A_1259 = arith.constant 0 : i32
        %dma_start3A_1260 = arith.constant 0 : i32
        %dma_start3A_1261 = tpu.memref_slice %arg7[%squeeze3A_1245, %dma_start3A_1259, %dma_start3A_1260] : memref<125000x8x64xf32, #tpu.memory_space<hbm>> -> memref<1x8x64xf32, #tpu.memory_space<hbm>>
        %dma_start3A_1262 = tpu.memref_squeeze %dma_start3A_1261 : memref<1x8x64xf32, #tpu.memory_space<hbm>> -> memref<8x64xf32, #tpu.memory_space<hbm>>
        tpu.enqueue_dma source(%dma_start3A_1262 : memref<8x64xf32, #tpu.memory_space<hbm>>) target(%dma_start3A_1258 : memref<8x64xf32, #tpu.memory_space<vmem>>) target_semaphore(%arg17 : memref<!tpu.dma_semaphore, #tpu.memory_space<semaphore_mem>>)
        %slice3A_1263 = vector.extract_strided_slice %get3A_1182 {offsets = [2], sizes = [1], strides = [1]} : vector<16xi32> to vector<1xi32>
        %squeeze3A_1264 = vector.extract %slice3A_1263[0] : i32 from vector<1xi32>
        %dma_start3A_1265 = arith.constant 2 : i32
        %dma_start3A_1266 = arith.constant 0 : i32
        %dma_start3A_1267 = arith.constant 0 : i32
        %dma_start3A_1268 = tpu.memref_slice %arg13[%select_n3A_1178, %dma_start3A_1265, %dma_start3A_1266, %dma_start3A_1267] : memref<2x16x8x64xf32, #tpu.memory_space<vmem>> -> memref<1x1x8x64xf32, #tpu.memory_space<vmem>>
        %dma_start3A_1269 = tpu.memref_squeeze %dma_start3A_1268 : memref<1x1x8x64xf32, #tpu.memory_space<vmem>> -> memref<8x64xf32, #tpu.memory_space<vmem>>
        %dma_start3A_1270 = arith.constant 0 : i32
        %dma_start3A_1271 = arith.constant 0 : i32
        %dma_start3A_1272 = tpu.memref_slice %arg6[%squeeze3A_1264, %dma_start3A_1270, %dma_start3A_1271] : memref<125000x8x64xf32, #tpu.memory_space<hbm>> -> memref<1x8x64xf32, #tpu.memory_space<hbm>>
        %dma_start3A_1273 = tpu.memref_squeeze %dma_start3A_1272 : memref<1x8x64xf32, #tpu.memory_space<hbm>> -> memref<8x64xf32, #tpu.memory_space<hbm>>
        %dma_start3A_1274 = arith.constant 0 : i32
        %dma_start3A_1275 = arith.constant 0 : i32
        %dma_start3A_1276 = tpu.memref_slice %arg13[%select_n3A_1178, %dma_start3A_1265, %dma_start3A_1274, %dma_start3A_1275] : memref<2x16x8x64xf32, #tpu.memory_space<vmem>> -> memref<1x1x8x64xf32, #tpu.memory_space<vmem>>
        %dma_start3A_1277 = tpu.memref_squeeze %dma_start3A_1276 : memref<1x1x8x64xf32, #tpu.memory_space<vmem>> -> memref<8x64xf32, #tpu.memory_space<vmem>>
        %dma_start3A_1278 = arith.constant 0 : i32
        %dma_start3A_1279 = arith.constant 0 : i32
        %dma_start3A_1280 = tpu.memref_slice %arg6[%squeeze3A_1264, %dma_start3A_1278, %dma_start3A_1279] : memref<125000x8x64xf32, #tpu.memory_space<hbm>> -> memref<1x8x64xf32, #tpu.memory_space<hbm>>
        %dma_start3A_1281 = tpu.memref_squeeze %dma_start3A_1280 : memref<1x8x64xf32, #tpu.memory_space<hbm>> -> memref<8x64xf32, #tpu.memory_space<hbm>>
        tpu.enqueue_dma source(%dma_start3A_1281 : memref<8x64xf32, #tpu.memory_space<hbm>>) target(%dma_start3A_1277 : memref<8x64xf32, #tpu.memory_space<vmem>>) target_semaphore(%arg16 : memref<!tpu.dma_semaphore, #tpu.memory_space<semaphore_mem>>)
        %slice3A_1282 = vector.extract_strided_slice %get3A_1186 {offsets = [2], sizes = [1], strides = [1]} : vector<16xi32> to vector<1xi32>
        %squeeze3A_1283 = vector.extract %slice3A_1282[0] : i32 from vector<1xi32>
        %dma_start3A_1284 = arith.constant 2 : i32
        %dma_start3A_1285 = arith.constant 0 : i32
        %dma_start3A_1286 = arith.constant 0 : i32
        %dma_start3A_1287 = tpu.memref_slice %arg14[%select_n3A_1178, %dma_start3A_1284, %dma_start3A_1285, %dma_start3A_1286] : memref<2x16x8x64xf32, #tpu.memory_space<vmem>> -> memref<1x1x8x64xf32, #tpu.memory_space<vmem>>
        %dma_start3A_1288 = tpu.memref_squeeze %dma_start3A_1287 : memref<1x1x8x64xf32, #tpu.memory_space<vmem>> -> memref<8x64xf32, #tpu.memory_space<vmem>>
        %dma_start3A_1289 = arith.constant 0 : i32
        %dma_start3A_1290 = arith.constant 0 : i32
        %dma_start3A_1291 = tpu.memref_slice %arg7[%squeeze3A_1283, %dma_start3A_1289, %dma_start3A_1290] : memref<125000x8x64xf32, #tpu.memory_space<hbm>> -> memref<1x8x64xf32, #tpu.memory_space<hbm>>
        %dma_start3A_1292 = tpu.memref_squeeze %dma_start3A_1291 : memref<1x8x64xf32, #tpu.memory_space<hbm>> -> memref<8x64xf32, #tpu.memory_space<hbm>>
        %dma_start3A_1293 = arith.constant 0 : i32
        %dma_start3A_1294 = arith.constant 0 : i32
        %dma_start3A_1295 = tpu.memref_slice %arg14[%select_n3A_1178, %dma_start3A_1284, %dma_start3A_1293, %dma_start3A_1294] : memref<2x16x8x64xf32, #tpu.memory_space<vmem>> -> memref<1x1x8x64xf32, #tpu.memory_space<vmem>>
        %dma_start3A_1296 = tpu.memref_squeeze %dma_start3A_1295 : memref<1x1x8x64xf32, #tpu.memory_space<vmem>> -> memref<8x64xf32, #tpu.memory_space<vmem>>
        %dma_start3A_1297 = arith.constant 0 : i32
        %dma_start3A_1298 = arith.constant 0 : i32
        %dma_start3A_1299 = tpu.memref_slice %arg7[%squeeze3A_1283, %dma_start3A_1297, %dma_start3A_1298] : memref<125000x8x64xf32, #tpu.memory_space<hbm>> -> memref<1x8x64xf32, #tpu.memory_space<hbm>>
        %dma_start3A_1300 = tpu.memref_squeeze %dma_start3A_1299 : memref<1x8x64xf32, #tpu.memory_space<hbm>> -> memref<8x64xf32, #tpu.memory_space<hbm>>
        tpu.enqueue_dma source(%dma_start3A_1300 : memref<8x64xf32, #tpu.memory_space<hbm>>) target(%dma_start3A_1296 : memref<8x64xf32, #tpu.memory_space<vmem>>) target_semaphore(%arg17 : memref<!tpu.dma_semaphore, #tpu.memory_space<semaphore_mem>>)
        %slice3A_1301 = vector.extract_strided_slice %get3A_1182 {offsets = [3], sizes = [1], strides = [1]} : vector<16xi32> to vector<1xi32>
        %squeeze3A_1302 = vector.extract %slice3A_1301[0] : i32 from vector<1xi32>
        %dma_start3A_1303 = arith.constant 3 : i32
        %dma_start3A_1304 = arith.constant 0 : i32
        %dma_start3A_1305 = arith.constant 0 : i32
        %dma_start3A_1306 = tpu.memref_slice %arg13[%select_n3A_1178, %dma_start3A_1303, %dma_start3A_1304, %dma_start3A_1305] : memref<2x16x8x64xf32, #tpu.memory_space<vmem>> -> memref<1x1x8x64xf32, #tpu.memory_space<vmem>>
        %dma_start3A_1307 = tpu.memref_squeeze %dma_start3A_1306 : memref<1x1x8x64xf32, #tpu.memory_space<vmem>> -> memref<8x64xf32, #tpu.memory_space<vmem>>
        %dma_start3A_1308 = arith.constant 0 : i32
        %dma_start3A_1309 = arith.constant 0 : i32
        %dma_start3A_1310 = tpu.memref_slice %arg6[%squeeze3A_1302, %dma_start3A_1308, %dma_start3A_1309] : memref<125000x8x64xf32, #tpu.memory_space<hbm>> -> memref<1x8x64xf32, #tpu.memory_space<hbm>>
        %dma_start3A_1311 = tpu.memref_squeeze %dma_start3A_1310 : memref<1x8x64xf32, #tpu.memory_space<hbm>> -> memref<8x64xf32, #tpu.memory_space<hbm>>
        %dma_start3A_1312 = arith.constant 0 : i32
        %dma_start3A_1313 = arith.constant 0 : i32
        %dma_start3A_1314 = tpu.memref_slice %arg13[%select_n3A_1178, %dma_start3A_1303, %dma_start3A_1312, %dma_start3A_1313] : memref<2x16x8x64xf32, #tpu.memory_space<vmem>> -> memref<1x1x8x64xf32, #tpu.memory_space<vmem>>
        %dma_start3A_1315 = tpu.memref_squeeze %dma_start3A_1314 : memref<1x1x8x64xf32, #tpu.memory_space<vmem>> -> memref<8x64xf32, #tpu.memory_space<vmem>>
        %dma_start3A_1316 = arith.constant 0 : i32
        %dma_start3A_1317 = arith.constant 0 : i32
        %dma_start3A_1318 = tpu.memref_slice %arg6[%squeeze3A_1302, %dma_start3A_1316, %dma_start3A_1317] : memref<125000x8x64xf32, #tpu.memory_space<hbm>> -> memref<1x8x64xf32, #tpu.memory_space<hbm>>
        %dma_start3A_1319 = tpu.memref_squeeze %dma_start3A_1318 : memref<1x8x64xf32, #tpu.memory_space<hbm>> -> memref<8x64xf32, #tpu.memory_space<hbm>>
        tpu.enqueue_dma source(%dma_start3A_1319 : memref<8x64xf32, #tpu.memory_space<hbm>>) target(%dma_start3A_1315 : memref<8x64xf32, #tpu.memory_space<vmem>>) target_semaphore(%arg16 : memref<!tpu.dma_semaphore, #tpu.memory_space<semaphore_mem>>)
        %slice3A_1320 = vector.extract_strided_slice %get3A_1186 {offsets = [3], sizes = [1], strides = [1]} : vector<16xi32> to vector<1xi32>
        %squeeze3A_1321 = vector.extract %slice3A_1320[0] : i32 from vector<1xi32>
        %dma_start3A_1322 = arith.constant 3 : i32
        %dma_start3A_1323 = arith.constant 0 : i32
        %dma_start3A_1324 = arith.constant 0 : i32
        %dma_start3A_1325 = tpu.memref_slice %arg14[%select_n3A_1178, %dma_start3A_1322, %dma_start3A_1323, %dma_start3A_1324] : memref<2x16x8x64xf32, #tpu.memory_space<vmem>> -> memref<1x1x8x64xf32, #tpu.memory_space<vmem>>
        %dma_start3A_1326 = tpu.memref_squeeze %dma_start3A_1325 : memref<1x1x8x64xf32, #tpu.memory_space<vmem>> -> memref<8x64xf32, #tpu.memory_space<vmem>>
        %dma_start3A_1327 = arith.constant 0 : i32
        %dma_start3A_1328 = arith.constant 0 : i32
        %dma_start3A_1329 = tpu.memref_slice %arg7[%squeeze3A_1321, %dma_start3A_1327, %dma_start3A_1328] : memref<125000x8x64xf32, #tpu.memory_space<hbm>> -> memref<1x8x64xf32, #tpu.memory_space<hbm>>
        %dma_start3A_1330 = tpu.memref_squeeze %dma_start3A_1329 : memref<1x8x64xf32, #tpu.memory_space<hbm>> -> memref<8x64xf32, #tpu.memory_space<hbm>>
        %dma_start3A_1331 = arith.constant 0 : i32
        %dma_start3A_1332 = arith.constant 0 : i32
        %dma_start3A_1333 = tpu.memref_slice %arg14[%select_n3A_1178, %dma_start3A_1322, %dma_start3A_1331, %dma_start3A_1332] : memref<2x16x8x64xf32, #tpu.memory_space<vmem>> -> memref<1x1x8x64xf32, #tpu.memory_space<vmem>>
        %dma_start3A_1334 = tpu.memref_squeeze %dma_start3A_1333 : memref<1x1x8x64xf32, #tpu.memory_space<vmem>> -> memref<8x64xf32, #tpu.memory_space<vmem>>
        %dma_start3A_1335 = arith.constant 0 : i32
        %dma_start3A_1336 = arith.constant 0 : i32
        %dma_start3A_1337 = tpu.memref_slice %arg7[%squeeze3A_1321, %dma_start3A_1335, %dma_start3A_1336] : memref<125000x8x64xf32, #tpu.memory_space<hbm>> -> memref<1x8x64xf32, #tpu.memory_space<hbm>>
        %dma_start3A_1338 = tpu.memref_squeeze %dma_start3A_1337 : memref<1x8x64xf32, #tpu.memory_space<hbm>> -> memref<8x64xf32, #tpu.memory_space<hbm>>
        tpu.enqueue_dma source(%dma_start3A_1338 : memref<8x64xf32, #tpu.memory_space<hbm>>) target(%dma_start3A_1334 : memref<8x64xf32, #tpu.memory_space<vmem>>) target_semaphore(%arg17 : memref<!tpu.dma_semaphore, #tpu.memory_space<semaphore_mem>>)
        %slice3A_1339 = vector.extract_strided_slice %get3A_1182 {offsets = [4], sizes = [1], strides = [1]} : vector<16xi32> to vector<1xi32>
        %squeeze3A_1340 = vector.extract %slice3A_1339[0] : i32 from vector<1xi32>
        %dma_start3A_1341 = arith.constant 4 : i32
        %dma_start3A_1342 = arith.constant 0 : i32
        %dma_start3A_1343 = arith.constant 0 : i32
        %dma_start3A_1344 = tpu.memref_slice %arg13[%select_n3A_1178, %dma_start3A_1341, %dma_start3A_1342, %dma_start3A_1343] : memref<2x16x8x64xf32, #tpu.memory_space<vmem>> -> memref<1x1x8x64xf32, #tpu.memory_space<vmem>>
        %dma_start3A_1345 = tpu.memref_squeeze %dma_start3A_1344 : memref<1x1x8x64xf32, #tpu.memory_space<vmem>> -> memref<8x64xf32, #tpu.memory_space<vmem>>
        %dma_start3A_1346 = arith.constant 0 : i32
        %dma_start3A_1347 = arith.constant 0 : i32
        %dma_start3A_1348 = tpu.memref_slice %arg6[%squeeze3A_1340, %dma_start3A_1346, %dma_start3A_1347] : memref<125000x8x64xf32, #tpu.memory_space<hbm>> -> memref<1x8x64xf32, #tpu.memory_space<hbm>>
        %dma_start3A_1349 = tpu.memref_squeeze %dma_start3A_1348 : memref<1x8x64xf32, #tpu.memory_space<hbm>> -> memref<8x64xf32, #tpu.memory_space<hbm>>
        %dma_start3A_1350 = arith.constant 0 : i32
        %dma_start3A_1351 = arith.constant 0 : i32
        %dma_start3A_1352 = tpu.memref_slice %arg13[%select_n3A_1178, %dma_start3A_1341, %dma_start3A_1350, %dma_start3A_1351] : memref<2x16x8x64xf32, #tpu.memory_space<vmem>> -> memref<1x1x8x64xf32, #tpu.memory_space<vmem>>
        %dma_start3A_1353 = tpu.memref_squeeze %dma_start3A_1352 : memref<1x1x8x64xf32, #tpu.memory_space<vmem>> -> memref<8x64xf32, #tpu.memory_space<vmem>>
        %dma_start3A_1354 = arith.constant 0 : i32
        %dma_start3A_1355 = arith.constant 0 : i32
        %dma_start3A_1356 = tpu.memref_slice %arg6[%squeeze3A_1340, %dma_start3A_1354, %dma_start3A_1355] : memref<125000x8x64xf32, #tpu.memory_space<hbm>> -> memref<1x8x64xf32, #tpu.memory_space<hbm>>
        %dma_start3A_1357 = tpu.memref_squeeze %dma_start3A_1356 : memref<1x8x64xf32, #tpu.memory_space<hbm>> -> memref<8x64xf32, #tpu.memory_space<hbm>>
        tpu.enqueue_dma source(%dma_start3A_1357 : memref<8x64xf32, #tpu.memory_space<hbm>>) target(%dma_start3A_1353 : memref<8x64xf32, #tpu.memory_space<vmem>>) target_semaphore(%arg16 : memref<!tpu.dma_semaphore, #tpu.memory_space<semaphore_mem>>)
        %slice3A_1358 = vector.extract_strided_slice %get3A_1186 {offsets = [4], sizes = [1], strides = [1]} : vector<16xi32> to vector<1xi32>
        %squeeze3A_1359 = vector.extract %slice3A_1358[0] : i32 from vector<1xi32>
        %dma_start3A_1360 = arith.constant 4 : i32
        %dma_start3A_1361 = arith.constant 0 : i32
        %dma_start3A_1362 = arith.constant 0 : i32
        %dma_start3A_1363 = tpu.memref_slice %arg14[%select_n3A_1178, %dma_start3A_1360, %dma_start3A_1361, %dma_start3A_1362] : memref<2x16x8x64xf32, #tpu.memory_space<vmem>> -> memref<1x1x8x64xf32, #tpu.memory_space<vmem>>
        %dma_start3A_1364 = tpu.memref_squeeze %dma_start3A_1363 : memref<1x1x8x64xf32, #tpu.memory_space<vmem>> -> memref<8x64xf32, #tpu.memory_space<vmem>>
        %dma_start3A_1365 = arith.constant 0 : i32
        %dma_start3A_1366 = arith.constant 0 : i32
        %dma_start3A_1367 = tpu.memref_slice %arg7[%squeeze3A_1359, %dma_start3A_1365, %dma_start3A_1366] : memref<125000x8x64xf32, #tpu.memory_space<hbm>> -> memref<1x8x64xf32, #tpu.memory_space<hbm>>
        %dma_start3A_1368 = tpu.memref_squeeze %dma_start3A_1367 : memref<1x8x64xf32, #tpu.memory_space<hbm>> -> memref<8x64xf32, #tpu.memory_space<hbm>>
        %dma_start3A_1369 = arith.constant 0 : i32
        %dma_start3A_1370 = arith.constant 0 : i32
        %dma_start3A_1371 = tpu.memref_slice %arg14[%select_n3A_1178, %dma_start3A_1360, %dma_start3A_1369, %dma_start3A_1370] : memref<2x16x8x64xf32, #tpu.memory_space<vmem>> -> memref<1x1x8x64xf32, #tpu.memory_space<vmem>>
        %dma_start3A_1372 = tpu.memref_squeeze %dma_start3A_1371 : memref<1x1x8x64xf32, #tpu.memory_space<vmem>> -> memref<8x64xf32, #tpu.memory_space<vmem>>
        %dma_start3A_1373 = arith.constant 0 : i32
        %dma_start3A_1374 = arith.constant 0 : i32
        %dma_start3A_1375 = tpu.memref_slice %arg7[%squeeze3A_1359, %dma_start3A_1373, %dma_start3A_1374] : memref<125000x8x64xf32, #tpu.memory_space<hbm>> -> memref<1x8x64xf32, #tpu.memory_space<hbm>>
        %dma_start3A_1376 = tpu.memref_squeeze %dma_start3A_1375 : memref<1x8x64xf32, #tpu.memory_space<hbm>> -> memref<8x64xf32, #tpu.memory_space<hbm>>
        tpu.enqueue_dma source(%dma_start3A_1376 : memref<8x64xf32, #tpu.memory_space<hbm>>) target(%dma_start3A_1372 : memref<8x64xf32, #tpu.memory_space<vmem>>) target_semaphore(%arg17 : memref<!tpu.dma_semaphore, #tpu.memory_space<semaphore_mem>>)
        %slice3A_1377 = vector.extract_strided_slice %get3A_1182 {offsets = [5], sizes = [1], strides = [1]} : vector<16xi32> to vector<1xi32>
        %squeeze3A_1378 = vector.extract %slice3A_1377[0] : i32 from vector<1xi32>
        %dma_start3A_1379 = arith.constant 5 : i32
        %dma_start3A_1380 = arith.constant 0 : i32
        %dma_start3A_1381 = arith.constant 0 : i32
        %dma_start3A_1382 = tpu.memref_slice %arg13[%select_n3A_1178, %dma_start3A_1379, %dma_start3A_1380, %dma_start3A_1381] : memref<2x16x8x64xf32, #tpu.memory_space<vmem>> -> memref<1x1x8x64xf32, #tpu.memory_space<vmem>>
        %dma_start3A_1383 = tpu.memref_squeeze %dma_start3A_1382 : memref<1x1x8x64xf32, #tpu.memory_space<vmem>> -> memref<8x64xf32, #tpu.memory_space<vmem>>
        %dma_start3A_1384 = arith.constant 0 : i32
        %dma_start3A_1385 = arith.constant 0 : i32
        %dma_start3A_1386 = tpu.memref_slice %arg6[%squeeze3A_1378, %dma_start3A_1384, %dma_start3A_1385] : memref<125000x8x64xf32, #tpu.memory_space<hbm>> -> memref<1x8x64xf32, #tpu.memory_space<hbm>>
        %dma_start3A_1387 = tpu.memref_squeeze %dma_start3A_1386 : memref<1x8x64xf32, #tpu.memory_space<hbm>> -> memref<8x64xf32, #tpu.memory_space<hbm>>
        %dma_start3A_1388 = arith.constant 0 : i32
        %dma_start3A_1389 = arith.constant 0 : i32
        %dma_start3A_1390 = tpu.memref_slice %arg13[%select_n3A_1178, %dma_start3A_1379, %dma_start3A_1388, %dma_start3A_1389] : memref<2x16x8x64xf32, #tpu.memory_space<vmem>> -> memref<1x1x8x64xf32, #tpu.memory_space<vmem>>
        %dma_start3A_1391 = tpu.memref_squeeze %dma_start3A_1390 : memref<1x1x8x64xf32, #tpu.memory_space<vmem>> -> memref<8x64xf32, #tpu.memory_space<vmem>>
        %dma_start3A_1392 = arith.constant 0 : i32
        %dma_start3A_1393 = arith.constant 0 : i32
        %dma_start3A_1394 = tpu.memref_slice %arg6[%squeeze3A_1378, %dma_start3A_1392, %dma_start3A_1393] : memref<125000x8x64xf32, #tpu.memory_space<hbm>> -> memref<1x8x64xf32, #tpu.memory_space<hbm>>
        %dma_start3A_1395 = tpu.memref_squeeze %dma_start3A_1394 : memref<1x8x64xf32, #tpu.memory_space<hbm>> -> memref<8x64xf32, #tpu.memory_space<hbm>>
        tpu.enqueue_dma source(%dma_start3A_1395 : memref<8x64xf32, #tpu.memory_space<hbm>>) target(%dma_start3A_1391 : memref<8x64xf32, #tpu.memory_space<vmem>>) target_semaphore(%arg16 : memref<!tpu.dma_semaphore, #tpu.memory_space<semaphore_mem>>)
        %slice3A_1396 = vector.extract_strided_slice %get3A_1186 {offsets = [5], sizes = [1], strides = [1]} : vector<16xi32> to vector<1xi32>
        %squeeze3A_1397 = vector.extract %slice3A_1396[0] : i32 from vector<1xi32>
        %dma_start3A_1398 = arith.constant 5 : i32
        %dma_start3A_1399 = arith.constant 0 : i32
        %dma_start3A_1400 = arith.constant 0 : i32
        %dma_start3A_1401 = tpu.memref_slice %arg14[%select_n3A_1178, %dma_start3A_1398, %dma_start3A_1399, %dma_start3A_1400] : memref<2x16x8x64xf32, #tpu.memory_space<vmem>> -> memref<1x1x8x64xf32, #tpu.memory_space<vmem>>
        %dma_start3A_1402 = tpu.memref_squeeze %dma_start3A_1401 : memref<1x1x8x64xf32, #tpu.memory_space<vmem>> -> memref<8x64xf32, #tpu.memory_space<vmem>>
        %dma_start3A_1403 = arith.constant 0 : i32
        %dma_start3A_1404 = arith.constant 0 : i32
        %dma_start3A_1405 = tpu.memref_slice %arg7[%squeeze3A_1397, %dma_start3A_1403, %dma_start3A_1404] : memref<125000x8x64xf32, #tpu.memory_space<hbm>> -> memref<1x8x64xf32, #tpu.memory_space<hbm>>
        %dma_start3A_1406 = tpu.memref_squeeze %dma_start3A_1405 : memref<1x8x64xf32, #tpu.memory_space<hbm>> -> memref<8x64xf32, #tpu.memory_space<hbm>>
        %dma_start3A_1407 = arith.constant 0 : i32
        %dma_start3A_1408 = arith.constant 0 : i32
        %dma_start3A_1409 = tpu.memref_slice %arg14[%select_n3A_1178, %dma_start3A_1398, %dma_start3A_1407, %dma_start3A_1408] : memref<2x16x8x64xf32, #tpu.memory_space<vmem>> -> memref<1x1x8x64xf32, #tpu.memory_space<vmem>>
        %dma_start3A_1410 = tpu.memref_squeeze %dma_start3A_1409 : memref<1x1x8x64xf32, #tpu.memory_space<vmem>> -> memref<8x64xf32, #tpu.memory_space<vmem>>
        %dma_start3A_1411 = arith.constant 0 : i32
        %dma_start3A_1412 = arith.constant 0 : i32
        %dma_start3A_1413 = tpu.memref_slice %arg7[%squeeze3A_1397, %dma_start3A_1411, %dma_start3A_1412] : memref<125000x8x64xf32, #tpu.memory_space<hbm>> -> memref<1x8x64xf32, #tpu.memory_space<hbm>>
        %dma_start3A_1414 = tpu.memref_squeeze %dma_start3A_1413 : memref<1x8x64xf32, #tpu.memory_space<hbm>> -> memref<8x64xf32, #tpu.memory_space<hbm>>
        tpu.enqueue_dma source(%dma_start3A_1414 : memref<8x64xf32, #tpu.memory_space<hbm>>) target(%dma_start3A_1410 : memref<8x64xf32, #tpu.memory_space<vmem>>) target_semaphore(%arg17 : memref<!tpu.dma_semaphore, #tpu.memory_space<semaphore_mem>>)
        %slice3A_1415 = vector.extract_strided_slice %get3A_1182 {offsets = [6], sizes = [1], strides = [1]} : vector<16xi32> to vector<1xi32>
        %squeeze3A_1416 = vector.extract %slice3A_1415[0] : i32 from vector<1xi32>
        %dma_start3A_1417 = arith.constant 6 : i32
        %dma_start3A_1418 = arith.constant 0 : i32
        %dma_start3A_1419 = arith.constant 0 : i32
        %dma_start3A_1420 = tpu.memref_slice %arg13[%select_n3A_1178, %dma_start3A_1417, %dma_start3A_1418, %dma_start3A_1419] : memref<2x16x8x64xf32, #tpu.memory_space<vmem>> -> memref<1x1x8x64xf32, #tpu.memory_space<vmem>>
        %dma_start3A_1421 = tpu.memref_squeeze %dma_start3A_1420 : memref<1x1x8x64xf32, #tpu.memory_space<vmem>> -> memref<8x64xf32, #tpu.memory_space<vmem>>
        %dma_start3A_1422 = arith.constant 0 : i32
        %dma_start3A_1423 = arith.constant 0 : i32
        %dma_start3A_1424 = tpu.memref_slice %arg6[%squeeze3A_1416, %dma_start3A_1422, %dma_start3A_1423] : memref<125000x8x64xf32, #tpu.memory_space<hbm>> -> memref<1x8x64xf32, #tpu.memory_space<hbm>>
        %dma_start3A_1425 = tpu.memref_squeeze %dma_start3A_1424 : memref<1x8x64xf32, #tpu.memory_space<hbm>> -> memref<8x64xf32, #tpu.memory_space<hbm>>
        %dma_start3A_1426 = arith.constant 0 : i32
        %dma_start3A_1427 = arith.constant 0 : i32
        %dma_start3A_1428 = tpu.memref_slice %arg13[%select_n3A_1178, %dma_start3A_1417, %dma_start3A_1426, %dma_start3A_1427] : memref<2x16x8x64xf32, #tpu.memory_space<vmem>> -> memref<1x1x8x64xf32, #tpu.memory_space<vmem>>
        %dma_start3A_1429 = tpu.memref_squeeze %dma_start3A_1428 : memref<1x1x8x64xf32, #tpu.memory_space<vmem>> -> memref<8x64xf32, #tpu.memory_space<vmem>>
        %dma_start3A_1430 = arith.constant 0 : i32
        %dma_start3A_1431 = arith.constant 0 : i32
        %dma_start3A_1432 = tpu.memref_slice %arg6[%squeeze3A_1416, %dma_start3A_1430, %dma_start3A_1431] : memref<125000x8x64xf32, #tpu.memory_space<hbm>> -> memref<1x8x64xf32, #tpu.memory_space<hbm>>
        %dma_start3A_1433 = tpu.memref_squeeze %dma_start3A_1432 : memref<1x8x64xf32, #tpu.memory_space<hbm>> -> memref<8x64xf32, #tpu.memory_space<hbm>>
        tpu.enqueue_dma source(%dma_start3A_1433 : memref<8x64xf32, #tpu.memory_space<hbm>>) target(%dma_start3A_1429 : memref<8x64xf32, #tpu.memory_space<vmem>>) target_semaphore(%arg16 : memref<!tpu.dma_semaphore, #tpu.memory_space<semaphore_mem>>)
        %slice3A_1434 = vector.extract_strided_slice %get3A_1186 {offsets = [6], sizes = [1], strides = [1]} : vector<16xi32> to vector<1xi32>
        %squeeze3A_1435 = vector.extract %slice3A_1434[0] : i32 from vector<1xi32>
        %dma_start3A_1436 = arith.constant 6 : i32
        %dma_start3A_1437 = arith.constant 0 : i32
        %dma_start3A_1438 = arith.constant 0 : i32
        %dma_start3A_1439 = tpu.memref_slice %arg14[%select_n3A_1178, %dma_start3A_1436, %dma_start3A_1437, %dma_start3A_1438] : memref<2x16x8x64xf32, #tpu.memory_space<vmem>> -> memref<1x1x8x64xf32, #tpu.memory_space<vmem>>
        %dma_start3A_1440 = tpu.memref_squeeze %dma_start3A_1439 : memref<1x1x8x64xf32, #tpu.memory_space<vmem>> -> memref<8x64xf32, #tpu.memory_space<vmem>>
        %dma_start3A_1441 = arith.constant 0 : i32
        %dma_start3A_1442 = arith.constant 0 : i32
        %dma_start3A_1443 = tpu.memref_slice %arg7[%squeeze3A_1435, %dma_start3A_1441, %dma_start3A_1442] : memref<125000x8x64xf32, #tpu.memory_space<hbm>> -> memref<1x8x64xf32, #tpu.memory_space<hbm>>
        %dma_start3A_1444 = tpu.memref_squeeze %dma_start3A_1443 : memref<1x8x64xf32, #tpu.memory_space<hbm>> -> memref<8x64xf32, #tpu.memory_space<hbm>>
        %dma_start3A_1445 = arith.constant 0 : i32
        %dma_start3A_1446 = arith.constant 0 : i32
        %dma_start3A_1447 = tpu.memref_slice %arg14[%select_n3A_1178, %dma_start3A_1436, %dma_start3A_1445, %dma_start3A_1446] : memref<2x16x8x64xf32, #tpu.memory_space<vmem>> -> memref<1x1x8x64xf32, #tpu.memory_space<vmem>>
        %dma_start3A_1448 = tpu.memref_squeeze %dma_start3A_1447 : memref<1x1x8x64xf32, #tpu.memory_space<vmem>> -> memref<8x64xf32, #tpu.memory_space<vmem>>
        %dma_start3A_1449 = arith.constant 0 : i32
        %dma_start3A_1450 = arith.constant 0 : i32
        %dma_start3A_1451 = tpu.memref_slice %arg7[%squeeze3A_1435, %dma_start3A_1449, %dma_start3A_1450] : memref<125000x8x64xf32, #tpu.memory_space<hbm>> -> memref<1x8x64xf32, #tpu.memory_space<hbm>>
        %dma_start3A_1452 = tpu.memref_squeeze %dma_start3A_1451 : memref<1x8x64xf32, #tpu.memory_space<hbm>> -> memref<8x64xf32, #tpu.memory_space<hbm>>
        tpu.enqueue_dma source(%dma_start3A_1452 : memref<8x64xf32, #tpu.memory_space<hbm>>) target(%dma_start3A_1448 : memref<8x64xf32, #tpu.memory_space<vmem>>) target_semaphore(%arg17 : memref<!tpu.dma_semaphore, #tpu.memory_space<semaphore_mem>>)
        %slice3A_1453 = vector.extract_strided_slice %get3A_1182 {offsets = [7], sizes = [1], strides = [1]} : vector<16xi32> to vector<1xi32>
        %squeeze3A_1454 = vector.extract %slice3A_1453[0] : i32 from vector<1xi32>
        %dma_start3A_1455 = arith.constant 7 : i32
        %dma_start3A_1456 = arith.constant 0 : i32
        %dma_start3A_1457 = arith.constant 0 : i32
        %dma_start3A_1458 = tpu.memref_slice %arg13[%select_n3A_1178, %dma_start3A_1455, %dma_start3A_1456, %dma_start3A_1457] : memref<2x16x8x64xf32, #tpu.memory_space<vmem>> -> memref<1x1x8x64xf32, #tpu.memory_space<vmem>>
        %dma_start3A_1459 = tpu.memref_squeeze %dma_start3A_1458 : memref<1x1x8x64xf32, #tpu.memory_space<vmem>> -> memref<8x64xf32, #tpu.memory_space<vmem>>
        %dma_start3A_1460 = arith.constant 0 : i32
        %dma_start3A_1461 = arith.constant 0 : i32
        %dma_start3A_1462 = tpu.memref_slice %arg6[%squeeze3A_1454, %dma_start3A_1460, %dma_start3A_1461] : memref<125000x8x64xf32, #tpu.memory_space<hbm>> -> memref<1x8x64xf32, #tpu.memory_space<hbm>>
        %dma_start3A_1463 = tpu.memref_squeeze %dma_start3A_1462 : memref<1x8x64xf32, #tpu.memory_space<hbm>> -> memref<8x64xf32, #tpu.memory_space<hbm>>
        %dma_start3A_1464 = arith.constant 0 : i32
        %dma_start3A_1465 = arith.constant 0 : i32
        %dma_start3A_1466 = tpu.memref_slice %arg13[%select_n3A_1178, %dma_start3A_1455, %dma_start3A_1464, %dma_start3A_1465] : memref<2x16x8x64xf32, #tpu.memory_space<vmem>> -> memref<1x1x8x64xf32, #tpu.memory_space<vmem>>
        %dma_start3A_1467 = tpu.memref_squeeze %dma_start3A_1466 : memref<1x1x8x64xf32, #tpu.memory_space<vmem>> -> memref<8x64xf32, #tpu.memory_space<vmem>>
        %dma_start3A_1468 = arith.constant 0 : i32
        %dma_start3A_1469 = arith.constant 0 : i32
        %dma_start3A_1470 = tpu.memref_slice %arg6[%squeeze3A_1454, %dma_start3A_1468, %dma_start3A_1469] : memref<125000x8x64xf32, #tpu.memory_space<hbm>> -> memref<1x8x64xf32, #tpu.memory_space<hbm>>
        %dma_start3A_1471 = tpu.memref_squeeze %dma_start3A_1470 : memref<1x8x64xf32, #tpu.memory_space<hbm>> -> memref<8x64xf32, #tpu.memory_space<hbm>>
        tpu.enqueue_dma source(%dma_start3A_1471 : memref<8x64xf32, #tpu.memory_space<hbm>>) target(%dma_start3A_1467 : memref<8x64xf32, #tpu.memory_space<vmem>>) target_semaphore(%arg16 : memref<!tpu.dma_semaphore, #tpu.memory_space<semaphore_mem>>)
        %slice3A_1472 = vector.extract_strided_slice %get3A_1186 {offsets = [7], sizes = [1], strides = [1]} : vector<16xi32> to vector<1xi32>
        %squeeze3A_1473 = vector.extract %slice3A_1472[0] : i32 from vector<1xi32>
        %dma_start3A_1474 = arith.constant 7 : i32
        %dma_start3A_1475 = arith.constant 0 : i32
        %dma_start3A_1476 = arith.constant 0 : i32
        %dma_start3A_1477 = tpu.memref_slice %arg14[%select_n3A_1178, %dma_start3A_1474, %dma_start3A_1475, %dma_start3A_1476] : memref<2x16x8x64xf32, #tpu.memory_space<vmem>> -> memref<1x1x8x64xf32, #tpu.memory_space<vmem>>
        %dma_start3A_1478 = tpu.memref_squeeze %dma_start3A_1477 : memref<1x1x8x64xf32, #tpu.memory_space<vmem>> -> memref<8x64xf32, #tpu.memory_space<vmem>>
        %dma_start3A_1479 = arith.constant 0 : i32
        %dma_start3A_1480 = arith.constant 0 : i32
        %dma_start3A_1481 = tpu.memref_slice %arg7[%squeeze3A_1473, %dma_start3A_1479, %dma_start3A_1480] : memref<125000x8x64xf32, #tpu.memory_space<hbm>> -> memref<1x8x64xf32, #tpu.memory_space<hbm>>
        %dma_start3A_1482 = tpu.memref_squeeze %dma_start3A_1481 : memref<1x8x64xf32, #tpu.memory_space<hbm>> -> memref<8x64xf32, #tpu.memory_space<hbm>>
        %dma_start3A_1483 = arith.constant 0 : i32
        %dma_start3A_1484 = arith.constant 0 : i32
        %dma_start3A_1485 = tpu.memref_slice %arg14[%select_n3A_1178, %dma_start3A_1474, %dma_start3A_1483, %dma_start3A_1484] : memref<2x16x8x64xf32, #tpu.memory_space<vmem>> -> memref<1x1x8x64xf32, #tpu.memory_space<vmem>>
        %dma_start3A_1486 = tpu.memref_squeeze %dma_start3A_1485 : memref<1x1x8x64xf32, #tpu.memory_space<vmem>> -> memref<8x64xf32, #tpu.memory_space<vmem>>
        %dma_start3A_1487 = arith.constant 0 : i32
        %dma_start3A_1488 = arith.constant 0 : i32
        %dma_start3A_1489 = tpu.memref_slice %arg7[%squeeze3A_1473, %dma_start3A_1487, %dma_start3A_1488] : memref<125000x8x64xf32, #tpu.memory_space<hbm>> -> memref<1x8x64xf32, #tpu.memory_space<hbm>>
        %dma_start3A_1490 = tpu.memref_squeeze %dma_start3A_1489 : memref<1x8x64xf32, #tpu.memory_space<hbm>> -> memref<8x64xf32, #tpu.memory_space<hbm>>
        tpu.enqueue_dma source(%dma_start3A_1490 : memref<8x64xf32, #tpu.memory_space<hbm>>) target(%dma_start3A_1486 : memref<8x64xf32, #tpu.memory_space<vmem>>) target_semaphore(%arg17 : memref<!tpu.dma_semaphore, #tpu.memory_space<semaphore_mem>>)
        %slice3A_1491 = vector.extract_strided_slice %get3A_1182 {offsets = [8], sizes = [1], strides = [1]} : vector<16xi32> to vector<1xi32>
        %squeeze3A_1492 = vector.extract %slice3A_1491[0] : i32 from vector<1xi32>
        %dma_start3A_1493 = arith.constant 8 : i32
        %dma_start3A_1494 = arith.constant 0 : i32
        %dma_start3A_1495 = arith.constant 0 : i32
        %dma_start3A_1496 = tpu.memref_slice %arg13[%select_n3A_1178, %dma_start3A_1493, %dma_start3A_1494, %dma_start3A_1495] : memref<2x16x8x64xf32, #tpu.memory_space<vmem>> -> memref<1x1x8x64xf32, #tpu.memory_space<vmem>>
        %dma_start3A_1497 = tpu.memref_squeeze %dma_start3A_1496 : memref<1x1x8x64xf32, #tpu.memory_space<vmem>> -> memref<8x64xf32, #tpu.memory_space<vmem>>
        %dma_start3A_1498 = arith.constant 0 : i32
        %dma_start3A_1499 = arith.constant 0 : i32
        %dma_start3A_1500 = tpu.memref_slice %arg6[%squeeze3A_1492, %dma_start3A_1498, %dma_start3A_1499] : memref<125000x8x64xf32, #tpu.memory_space<hbm>> -> memref<1x8x64xf32, #tpu.memory_space<hbm>>
        %dma_start3A_1501 = tpu.memref_squeeze %dma_start3A_1500 : memref<1x8x64xf32, #tpu.memory_space<hbm>> -> memref<8x64xf32, #tpu.memory_space<hbm>>
        %dma_start3A_1502 = arith.constant 0 : i32
        %dma_start3A_1503 = arith.constant 0 : i32
        %dma_start3A_1504 = tpu.memref_slice %arg13[%select_n3A_1178, %dma_start3A_1493, %dma_start3A_1502, %dma_start3A_1503] : memref<2x16x8x64xf32, #tpu.memory_space<vmem>> -> memref<1x1x8x64xf32, #tpu.memory_space<vmem>>
        %dma_start3A_1505 = tpu.memref_squeeze %dma_start3A_1504 : memref<1x1x8x64xf32, #tpu.memory_space<vmem>> -> memref<8x64xf32, #tpu.memory_space<vmem>>
        %dma_start3A_1506 = arith.constant 0 : i32
        %dma_start3A_1507 = arith.constant 0 : i32
        %dma_start3A_1508 = tpu.memref_slice %arg6[%squeeze3A_1492, %dma_start3A_1506, %dma_start3A_1507] : memref<125000x8x64xf32, #tpu.memory_space<hbm>> -> memref<1x8x64xf32, #tpu.memory_space<hbm>>
        %dma_start3A_1509 = tpu.memref_squeeze %dma_start3A_1508 : memref<1x8x64xf32, #tpu.memory_space<hbm>> -> memref<8x64xf32, #tpu.memory_space<hbm>>
        tpu.enqueue_dma source(%dma_start3A_1509 : memref<8x64xf32, #tpu.memory_space<hbm>>) target(%dma_start3A_1505 : memref<8x64xf32, #tpu.memory_space<vmem>>) target_semaphore(%arg16 : memref<!tpu.dma_semaphore, #tpu.memory_space<semaphore_mem>>)
        %slice3A_1510 = vector.extract_strided_slice %get3A_1186 {offsets = [8], sizes = [1], strides = [1]} : vector<16xi32> to vector<1xi32>
        %squeeze3A_1511 = vector.extract %slice3A_1510[0] : i32 from vector<1xi32>
        %dma_start3A_1512 = arith.constant 8 : i32
        %dma_start3A_1513 = arith.constant 0 : i32
        %dma_start3A_1514 = arith.constant 0 : i32
        %dma_start3A_1515 = tpu.memref_slice %arg14[%select_n3A_1178, %dma_start3A_1512, %dma_start3A_1513, %dma_start3A_1514] : memref<2x16x8x64xf32, #tpu.memory_space<vmem>> -> memref<1x1x8x64xf32, #tpu.memory_space<vmem>>
        %dma_start3A_1516 = tpu.memref_squeeze %dma_start3A_1515 : memref<1x1x8x64xf32, #tpu.memory_space<vmem>> -> memref<8x64xf32, #tpu.memory_space<vmem>>
        %dma_start3A_1517 = arith.constant 0 : i32
        %dma_start3A_1518 = arith.constant 0 : i32
        %dma_start3A_1519 = tpu.memref_slice %arg7[%squeeze3A_1511, %dma_start3A_1517, %dma_start3A_1518] : memref<125000x8x64xf32, #tpu.memory_space<hbm>> -> memref<1x8x64xf32, #tpu.memory_space<hbm>>
        %dma_start3A_1520 = tpu.memref_squeeze %dma_start3A_1519 : memref<1x8x64xf32, #tpu.memory_space<hbm>> -> memref<8x64xf32, #tpu.memory_space<hbm>>
        %dma_start3A_1521 = arith.constant 0 : i32
        %dma_start3A_1522 = arith.constant 0 : i32
        %dma_start3A_1523 = tpu.memref_slice %arg14[%select_n3A_1178, %dma_start3A_1512, %dma_start3A_1521, %dma_start3A_1522] : memref<2x16x8x64xf32, #tpu.memory_space<vmem>> -> memref<1x1x8x64xf32, #tpu.memory_space<vmem>>
        %dma_start3A_1524 = tpu.memref_squeeze %dma_start3A_1523 : memref<1x1x8x64xf32, #tpu.memory_space<vmem>> -> memref<8x64xf32, #tpu.memory_space<vmem>>
        %dma_start3A_1525 = arith.constant 0 : i32
        %dma_start3A_1526 = arith.constant 0 : i32
        %dma_start3A_1527 = tpu.memref_slice %arg7[%squeeze3A_1511, %dma_start3A_1525, %dma_start3A_1526] : memref<125000x8x64xf32, #tpu.memory_space<hbm>> -> memref<1x8x64xf32, #tpu.memory_space<hbm>>
        %dma_start3A_1528 = tpu.memref_squeeze %dma_start3A_1527 : memref<1x8x64xf32, #tpu.memory_space<hbm>> -> memref<8x64xf32, #tpu.memory_space<hbm>>
        tpu.enqueue_dma source(%dma_start3A_1528 : memref<8x64xf32, #tpu.memory_space<hbm>>) target(%dma_start3A_1524 : memref<8x64xf32, #tpu.memory_space<vmem>>) target_semaphore(%arg17 : memref<!tpu.dma_semaphore, #tpu.memory_space<semaphore_mem>>)
        %slice3A_1529 = vector.extract_strided_slice %get3A_1182 {offsets = [9], sizes = [1], strides = [1]} : vector<16xi32> to vector<1xi32>
        %squeeze3A_1530 = vector.extract %slice3A_1529[0] : i32 from vector<1xi32>
        %dma_start3A_1531 = arith.constant 9 : i32
        %dma_start3A_1532 = arith.constant 0 : i32
        %dma_start3A_1533 = arith.constant 0 : i32
        %dma_start3A_1534 = tpu.memref_slice %arg13[%select_n3A_1178, %dma_start3A_1531, %dma_start3A_1532, %dma_start3A_1533] : memref<2x16x8x64xf32, #tpu.memory_space<vmem>> -> memref<1x1x8x64xf32, #tpu.memory_space<vmem>>
        %dma_start3A_1535 = tpu.memref_squeeze %dma_start3A_1534 : memref<1x1x8x64xf32, #tpu.memory_space<vmem>> -> memref<8x64xf32, #tpu.memory_space<vmem>>
        %dma_start3A_1536 = arith.constant 0 : i32
        %dma_start3A_1537 = arith.constant 0 : i32
        %dma_start3A_1538 = tpu.memref_slice %arg6[%squeeze3A_1530, %dma_start3A_1536, %dma_start3A_1537] : memref<125000x8x64xf32, #tpu.memory_space<hbm>> -> memref<1x8x64xf32, #tpu.memory_space<hbm>>
        %dma_start3A_1539 = tpu.memref_squeeze %dma_start3A_1538 : memref<1x8x64xf32, #tpu.memory_space<hbm>> -> memref<8x64xf32, #tpu.memory_space<hbm>>
        %dma_start3A_1540 = arith.constant 0 : i32
        %dma_start3A_1541 = arith.constant 0 : i32
        %dma_start3A_1542 = tpu.memref_slice %arg13[%select_n3A_1178, %dma_start3A_1531, %dma_start3A_1540, %dma_start3A_1541] : memref<2x16x8x64xf32, #tpu.memory_space<vmem>> -> memref<1x1x8x64xf32, #tpu.memory_space<vmem>>
        %dma_start3A_1543 = tpu.memref_squeeze %dma_start3A_1542 : memref<1x1x8x64xf32, #tpu.memory_space<vmem>> -> memref<8x64xf32, #tpu.memory_space<vmem>>
        %dma_start3A_1544 = arith.constant 0 : i32
        %dma_start3A_1545 = arith.constant 0 : i32
        %dma_start3A_1546 = tpu.memref_slice %arg6[%squeeze3A_1530, %dma_start3A_1544, %dma_start3A_1545] : memref<125000x8x64xf32, #tpu.memory_space<hbm>> -> memref<1x8x64xf32, #tpu.memory_space<hbm>>
        %dma_start3A_1547 = tpu.memref_squeeze %dma_start3A_1546 : memref<1x8x64xf32, #tpu.memory_space<hbm>> -> memref<8x64xf32, #tpu.memory_space<hbm>>
        tpu.enqueue_dma source(%dma_start3A_1547 : memref<8x64xf32, #tpu.memory_space<hbm>>) target(%dma_start3A_1543 : memref<8x64xf32, #tpu.memory_space<vmem>>) target_semaphore(%arg16 : memref<!tpu.dma_semaphore, #tpu.memory_space<semaphore_mem>>)
        %slice3A_1548 = vector.extract_strided_slice %get3A_1186 {offsets = [9], sizes = [1], strides = [1]} : vector<16xi32> to vector<1xi32>
        %squeeze3A_1549 = vector.extract %slice3A_1548[0] : i32 from vector<1xi32>
        %dma_start3A_1550 = arith.constant 9 : i32
        %dma_start3A_1551 = arith.constant 0 : i32
        %dma_start3A_1552 = arith.constant 0 : i32
        %dma_start3A_1553 = tpu.memref_slice %arg14[%select_n3A_1178, %dma_start3A_1550, %dma_start3A_1551, %dma_start3A_1552] : memref<2x16x8x64xf32, #tpu.memory_space<vmem>> -> memref<1x1x8x64xf32, #tpu.memory_space<vmem>>
        %dma_start3A_1554 = tpu.memref_squeeze %dma_start3A_1553 : memref<1x1x8x64xf32, #tpu.memory_space<vmem>> -> memref<8x64xf32, #tpu.memory_space<vmem>>
        %dma_start3A_1555 = arith.constant 0 : i32
        %dma_start3A_1556 = arith.constant 0 : i32
        %dma_start3A_1557 = tpu.memref_slice %arg7[%squeeze3A_1549, %dma_start3A_1555, %dma_start3A_1556] : memref<125000x8x64xf32, #tpu.memory_space<hbm>> -> memref<1x8x64xf32, #tpu.memory_space<hbm>>
        %dma_start3A_1558 = tpu.memref_squeeze %dma_start3A_1557 : memref<1x8x64xf32, #tpu.memory_space<hbm>> -> memref<8x64xf32, #tpu.memory_space<hbm>>
        %dma_start3A_1559 = arith.constant 0 : i32
        %dma_start3A_1560 = arith.constant 0 : i32
        %dma_start3A_1561 = tpu.memref_slice %arg14[%select_n3A_1178, %dma_start3A_1550, %dma_start3A_1559, %dma_start3A_1560] : memref<2x16x8x64xf32, #tpu.memory_space<vmem>> -> memref<1x1x8x64xf32, #tpu.memory_space<vmem>>
        %dma_start3A_1562 = tpu.memref_squeeze %dma_start3A_1561 : memref<1x1x8x64xf32, #tpu.memory_space<vmem>> -> memref<8x64xf32, #tpu.memory_space<vmem>>
        %dma_start3A_1563 = arith.constant 0 : i32
        %dma_start3A_1564 = arith.constant 0 : i32
        %dma_start3A_1565 = tpu.memref_slice %arg7[%squeeze3A_1549, %dma_start3A_1563, %dma_start3A_1564] : memref<125000x8x64xf32, #tpu.memory_space<hbm>> -> memref<1x8x64xf32, #tpu.memory_space<hbm>>
        %dma_start3A_1566 = tpu.memref_squeeze %dma_start3A_1565 : memref<1x8x64xf32, #tpu.memory_space<hbm>> -> memref<8x64xf32, #tpu.memory_space<hbm>>
        tpu.enqueue_dma source(%dma_start3A_1566 : memref<8x64xf32, #tpu.memory_space<hbm>>) target(%dma_start3A_1562 : memref<8x64xf32, #tpu.memory_space<vmem>>) target_semaphore(%arg17 : memref<!tpu.dma_semaphore, #tpu.memory_space<semaphore_mem>>)
        %slice3A_1567 = vector.extract_strided_slice %get3A_1182 {offsets = [10], sizes = [1], strides = [1]} : vector<16xi32> to vector<1xi32>
        %squeeze3A_1568 = vector.extract %slice3A_1567[0] : i32 from vector<1xi32>
        %dma_start3A_1569 = arith.constant 10 : i32
        %dma_start3A_1570 = arith.constant 0 : i32
        %dma_start3A_1571 = arith.constant 0 : i32
        %dma_start3A_1572 = tpu.memref_slice %arg13[%select_n3A_1178, %dma_start3A_1569, %dma_start3A_1570, %dma_start3A_1571] : memref<2x16x8x64xf32, #tpu.memory_space<vmem>> -> memref<1x1x8x64xf32, #tpu.memory_space<vmem>>
        %dma_start3A_1573 = tpu.memref_squeeze %dma_start3A_1572 : memref<1x1x8x64xf32, #tpu.memory_space<vmem>> -> memref<8x64xf32, #tpu.memory_space<vmem>>
        %dma_start3A_1574 = arith.constant 0 : i32
        %dma_start3A_1575 = arith.constant 0 : i32
        %dma_start3A_1576 = tpu.memref_slice %arg6[%squeeze3A_1568, %dma_start3A_1574, %dma_start3A_1575] : memref<125000x8x64xf32, #tpu.memory_space<hbm>> -> memref<1x8x64xf32, #tpu.memory_space<hbm>>
        %dma_start3A_1577 = tpu.memref_squeeze %dma_start3A_1576 : memref<1x8x64xf32, #tpu.memory_space<hbm>> -> memref<8x64xf32, #tpu.memory_space<hbm>>
        %dma_start3A_1578 = arith.constant 0 : i32
        %dma_start3A_1579 = arith.constant 0 : i32
        %dma_start3A_1580 = tpu.memref_slice %arg13[%select_n3A_1178, %dma_start3A_1569, %dma_start3A_1578, %dma_start3A_1579] : memref<2x16x8x64xf32, #tpu.memory_space<vmem>> -> memref<1x1x8x64xf32, #tpu.memory_space<vmem>>
        %dma_start3A_1581 = tpu.memref_squeeze %dma_start3A_1580 : memref<1x1x8x64xf32, #tpu.memory_space<vmem>> -> memref<8x64xf32, #tpu.memory_space<vmem>>
        %dma_start3A_1582 = arith.constant 0 : i32
        %dma_start3A_1583 = arith.constant 0 : i32
        %dma_start3A_1584 = tpu.memref_slice %arg6[%squeeze3A_1568, %dma_start3A_1582, %dma_start3A_1583] : memref<125000x8x64xf32, #tpu.memory_space<hbm>> -> memref<1x8x64xf32, #tpu.memory_space<hbm>>
        %dma_start3A_1585 = tpu.memref_squeeze %dma_start3A_1584 : memref<1x8x64xf32, #tpu.memory_space<hbm>> -> memref<8x64xf32, #tpu.memory_space<hbm>>
        tpu.enqueue_dma source(%dma_start3A_1585 : memref<8x64xf32, #tpu.memory_space<hbm>>) target(%dma_start3A_1581 : memref<8x64xf32, #tpu.memory_space<vmem>>) target_semaphore(%arg16 : memref<!tpu.dma_semaphore, #tpu.memory_space<semaphore_mem>>)
        %slice3A_1586 = vector.extract_strided_slice %get3A_1186 {offsets = [10], sizes = [1], strides = [1]} : vector<16xi32> to vector<1xi32>
        %squeeze3A_1587 = vector.extract %slice3A_1586[0] : i32 from vector<1xi32>
        %dma_start3A_1588 = arith.constant 10 : i32
        %dma_start3A_1589 = arith.constant 0 : i32
        %dma_start3A_1590 = arith.constant 0 : i32
        %dma_start3A_1591 = tpu.memref_slice %arg14[%select_n3A_1178, %dma_start3A_1588, %dma_start3A_1589, %dma_start3A_1590] : memref<2x16x8x64xf32, #tpu.memory_space<vmem>> -> memref<1x1x8x64xf32, #tpu.memory_space<vmem>>
        %dma_start3A_1592 = tpu.memref_squeeze %dma_start3A_1591 : memref<1x1x8x64xf32, #tpu.memory_space<vmem>> -> memref<8x64xf32, #tpu.memory_space<vmem>>
        %dma_start3A_1593 = arith.constant 0 : i32
        %dma_start3A_1594 = arith.constant 0 : i32
        %dma_start3A_1595 = tpu.memref_slice %arg7[%squeeze3A_1587, %dma_start3A_1593, %dma_start3A_1594] : memref<125000x8x64xf32, #tpu.memory_space<hbm>> -> memref<1x8x64xf32, #tpu.memory_space<hbm>>
        %dma_start3A_1596 = tpu.memref_squeeze %dma_start3A_1595 : memref<1x8x64xf32, #tpu.memory_space<hbm>> -> memref<8x64xf32, #tpu.memory_space<hbm>>
        %dma_start3A_1597 = arith.constant 0 : i32
        %dma_start3A_1598 = arith.constant 0 : i32
        %dma_start3A_1599 = tpu.memref_slice %arg14[%select_n3A_1178, %dma_start3A_1588, %dma_start3A_1597, %dma_start3A_1598] : memref<2x16x8x64xf32, #tpu.memory_space<vmem>> -> memref<1x1x8x64xf32, #tpu.memory_space<vmem>>
        %dma_start3A_1600 = tpu.memref_squeeze %dma_start3A_1599 : memref<1x1x8x64xf32, #tpu.memory_space<vmem>> -> memref<8x64xf32, #tpu.memory_space<vmem>>
        %dma_start3A_1601 = arith.constant 0 : i32
        %dma_start3A_1602 = arith.constant 0 : i32
        %dma_start3A_1603 = tpu.memref_slice %arg7[%squeeze3A_1587, %dma_start3A_1601, %dma_start3A_1602] : memref<125000x8x64xf32, #tpu.memory_space<hbm>> -> memref<1x8x64xf32, #tpu.memory_space<hbm>>
        %dma_start3A_1604 = tpu.memref_squeeze %dma_start3A_1603 : memref<1x8x64xf32, #tpu.memory_space<hbm>> -> memref<8x64xf32, #tpu.memory_space<hbm>>
        tpu.enqueue_dma source(%dma_start3A_1604 : memref<8x64xf32, #tpu.memory_space<hbm>>) target(%dma_start3A_1600 : memref<8x64xf32, #tpu.memory_space<vmem>>) target_semaphore(%arg17 : memref<!tpu.dma_semaphore, #tpu.memory_space<semaphore_mem>>)
        %slice3A_1605 = vector.extract_strided_slice %get3A_1182 {offsets = [11], sizes = [1], strides = [1]} : vector<16xi32> to vector<1xi32>
        %squeeze3A_1606 = vector.extract %slice3A_1605[0] : i32 from vector<1xi32>
        %dma_start3A_1607 = arith.constant 11 : i32
        %dma_start3A_1608 = arith.constant 0 : i32
        %dma_start3A_1609 = arith.constant 0 : i32
        %dma_start3A_1610 = tpu.memref_slice %arg13[%select_n3A_1178, %dma_start3A_1607, %dma_start3A_1608, %dma_start3A_1609] : memref<2x16x8x64xf32, #tpu.memory_space<vmem>> -> memref<1x1x8x64xf32, #tpu.memory_space<vmem>>
        %dma_start3A_1611 = tpu.memref_squeeze %dma_start3A_1610 : memref<1x1x8x64xf32, #tpu.memory_space<vmem>> -> memref<8x64xf32, #tpu.memory_space<vmem>>
        %dma_start3A_1612 = arith.constant 0 : i32
        %dma_start3A_1613 = arith.constant 0 : i32
        %dma_start3A_1614 = tpu.memref_slice %arg6[%squeeze3A_1606, %dma_start3A_1612, %dma_start3A_1613] : memref<125000x8x64xf32, #tpu.memory_space<hbm>> -> memref<1x8x64xf32, #tpu.memory_space<hbm>>
        %dma_start3A_1615 = tpu.memref_squeeze %dma_start3A_1614 : memref<1x8x64xf32, #tpu.memory_space<hbm>> -> memref<8x64xf32, #tpu.memory_space<hbm>>
        %dma_start3A_1616 = arith.constant 0 : i32
        %dma_start3A_1617 = arith.constant 0 : i32
        %dma_start3A_1618 = tpu.memref_slice %arg13[%select_n3A_1178, %dma_start3A_1607, %dma_start3A_1616, %dma_start3A_1617] : memref<2x16x8x64xf32, #tpu.memory_space<vmem>> -> memref<1x1x8x64xf32, #tpu.memory_space<vmem>>
        %dma_start3A_1619 = tpu.memref_squeeze %dma_start3A_1618 : memref<1x1x8x64xf32, #tpu.memory_space<vmem>> -> memref<8x64xf32, #tpu.memory_space<vmem>>
        %dma_start3A_1620 = arith.constant 0 : i32
        %dma_start3A_1621 = arith.constant 0 : i32
        %dma_start3A_1622 = tpu.memref_slice %arg6[%squeeze3A_1606, %dma_start3A_1620, %dma_start3A_1621] : memref<125000x8x64xf32, #tpu.memory_space<hbm>> -> memref<1x8x64xf32, #tpu.memory_space<hbm>>
        %dma_start3A_1623 = tpu.memref_squeeze %dma_start3A_1622 : memref<1x8x64xf32, #tpu.memory_space<hbm>> -> memref<8x64xf32, #tpu.memory_space<hbm>>
        tpu.enqueue_dma source(%dma_start3A_1623 : memref<8x64xf32, #tpu.memory_space<hbm>>) target(%dma_start3A_1619 : memref<8x64xf32, #tpu.memory_space<vmem>>) target_semaphore(%arg16 : memref<!tpu.dma_semaphore, #tpu.memory_space<semaphore_mem>>)
        %slice3A_1624 = vector.extract_strided_slice %get3A_1186 {offsets = [11], sizes = [1], strides = [1]} : vector<16xi32> to vector<1xi32>
        %squeeze3A_1625 = vector.extract %slice3A_1624[0] : i32 from vector<1xi32>
        %dma_start3A_1626 = arith.constant 11 : i32
        %dma_start3A_1627 = arith.constant 0 : i32
        %dma_start3A_1628 = arith.constant 0 : i32
        %dma_start3A_1629 = tpu.memref_slice %arg14[%select_n3A_1178, %dma_start3A_1626, %dma_start3A_1627, %dma_start3A_1628] : memref<2x16x8x64xf32, #tpu.memory_space<vmem>> -> memref<1x1x8x64xf32, #tpu.memory_space<vmem>>
        %dma_start3A_1630 = tpu.memref_squeeze %dma_start3A_1629 : memref<1x1x8x64xf32, #tpu.memory_space<vmem>> -> memref<8x64xf32, #tpu.memory_space<vmem>>
        %dma_start3A_1631 = arith.constant 0 : i32
        %dma_start3A_1632 = arith.constant 0 : i32
        %dma_start3A_1633 = tpu.memref_slice %arg7[%squeeze3A_1625, %dma_start3A_1631, %dma_start3A_1632] : memref<125000x8x64xf32, #tpu.memory_space<hbm>> -> memref<1x8x64xf32, #tpu.memory_space<hbm>>
        %dma_start3A_1634 = tpu.memref_squeeze %dma_start3A_1633 : memref<1x8x64xf32, #tpu.memory_space<hbm>> -> memref<8x64xf32, #tpu.memory_space<hbm>>
        %dma_start3A_1635 = arith.constant 0 : i32
        %dma_start3A_1636 = arith.constant 0 : i32
        %dma_start3A_1637 = tpu.memref_slice %arg14[%select_n3A_1178, %dma_start3A_1626, %dma_start3A_1635, %dma_start3A_1636] : memref<2x16x8x64xf32, #tpu.memory_space<vmem>> -> memref<1x1x8x64xf32, #tpu.memory_space<vmem>>
        %dma_start3A_1638 = tpu.memref_squeeze %dma_start3A_1637 : memref<1x1x8x64xf32, #tpu.memory_space<vmem>> -> memref<8x64xf32, #tpu.memory_space<vmem>>
        %dma_start3A_1639 = arith.constant 0 : i32
        %dma_start3A_1640 = arith.constant 0 : i32
        %dma_start3A_1641 = tpu.memref_slice %arg7[%squeeze3A_1625, %dma_start3A_1639, %dma_start3A_1640] : memref<125000x8x64xf32, #tpu.memory_space<hbm>> -> memref<1x8x64xf32, #tpu.memory_space<hbm>>
        %dma_start3A_1642 = tpu.memref_squeeze %dma_start3A_1641 : memref<1x8x64xf32, #tpu.memory_space<hbm>> -> memref<8x64xf32, #tpu.memory_space<hbm>>
        tpu.enqueue_dma source(%dma_start3A_1642 : memref<8x64xf32, #tpu.memory_space<hbm>>) target(%dma_start3A_1638 : memref<8x64xf32, #tpu.memory_space<vmem>>) target_semaphore(%arg17 : memref<!tpu.dma_semaphore, #tpu.memory_space<semaphore_mem>>)
        %slice3A_1643 = vector.extract_strided_slice %get3A_1182 {offsets = [12], sizes = [1], strides = [1]} : vector<16xi32> to vector<1xi32>
        %squeeze3A_1644 = vector.extract %slice3A_1643[0] : i32 from vector<1xi32>
        %dma_start3A_1645 = arith.constant 12 : i32
        %dma_start3A_1646 = arith.constant 0 : i32
        %dma_start3A_1647 = arith.constant 0 : i32
        %dma_start3A_1648 = tpu.memref_slice %arg13[%select_n3A_1178, %dma_start3A_1645, %dma_start3A_1646, %dma_start3A_1647] : memref<2x16x8x64xf32, #tpu.memory_space<vmem>> -> memref<1x1x8x64xf32, #tpu.memory_space<vmem>>
        %dma_start3A_1649 = tpu.memref_squeeze %dma_start3A_1648 : memref<1x1x8x64xf32, #tpu.memory_space<vmem>> -> memref<8x64xf32, #tpu.memory_space<vmem>>
        %dma_start3A_1650 = arith.constant 0 : i32
        %dma_start3A_1651 = arith.constant 0 : i32
        %dma_start3A_1652 = tpu.memref_slice %arg6[%squeeze3A_1644, %dma_start3A_1650, %dma_start3A_1651] : memref<125000x8x64xf32, #tpu.memory_space<hbm>> -> memref<1x8x64xf32, #tpu.memory_space<hbm>>
        %dma_start3A_1653 = tpu.memref_squeeze %dma_start3A_1652 : memref<1x8x64xf32, #tpu.memory_space<hbm>> -> memref<8x64xf32, #tpu.memory_space<hbm>>
        %dma_start3A_1654 = arith.constant 0 : i32
        %dma_start3A_1655 = arith.constant 0 : i32
        %dma_start3A_1656 = tpu.memref_slice %arg13[%select_n3A_1178, %dma_start3A_1645, %dma_start3A_1654, %dma_start3A_1655] : memref<2x16x8x64xf32, #tpu.memory_space<vmem>> -> memref<1x1x8x64xf32, #tpu.memory_space<vmem>>
        %dma_start3A_1657 = tpu.memref_squeeze %dma_start3A_1656 : memref<1x1x8x64xf32, #tpu.memory_space<vmem>> -> memref<8x64xf32, #tpu.memory_space<vmem>>
        %dma_start3A_1658 = arith.constant 0 : i32
        %dma_start3A_1659 = arith.constant 0 : i32
        %dma_start3A_1660 = tpu.memref_slice %arg6[%squeeze3A_1644, %dma_start3A_1658, %dma_start3A_1659] : memref<125000x8x64xf32, #tpu.memory_space<hbm>> -> memref<1x8x64xf32, #tpu.memory_space<hbm>>
        %dma_start3A_1661 = tpu.memref_squeeze %dma_start3A_1660 : memref<1x8x64xf32, #tpu.memory_space<hbm>> -> memref<8x64xf32, #tpu.memory_space<hbm>>
        tpu.enqueue_dma source(%dma_start3A_1661 : memref<8x64xf32, #tpu.memory_space<hbm>>) target(%dma_start3A_1657 : memref<8x64xf32, #tpu.memory_space<vmem>>) target_semaphore(%arg16 : memref<!tpu.dma_semaphore, #tpu.memory_space<semaphore_mem>>)
        %slice3A_1662 = vector.extract_strided_slice %get3A_1186 {offsets = [12], sizes = [1], strides = [1]} : vector<16xi32> to vector<1xi32>
        %squeeze3A_1663 = vector.extract %slice3A_1662[0] : i32 from vector<1xi32>
        %dma_start3A_1664 = arith.constant 12 : i32
        %dma_start3A_1665 = arith.constant 0 : i32
        %dma_start3A_1666 = arith.constant 0 : i32
        %dma_start3A_1667 = tpu.memref_slice %arg14[%select_n3A_1178, %dma_start3A_1664, %dma_start3A_1665, %dma_start3A_1666] : memref<2x16x8x64xf32, #tpu.memory_space<vmem>> -> memref<1x1x8x64xf32, #tpu.memory_space<vmem>>
        %dma_start3A_1668 = tpu.memref_squeeze %dma_start3A_1667 : memref<1x1x8x64xf32, #tpu.memory_space<vmem>> -> memref<8x64xf32, #tpu.memory_space<vmem>>
        %dma_start3A_1669 = arith.constant 0 : i32
        %dma_start3A_1670 = arith.constant 0 : i32
        %dma_start3A_1671 = tpu.memref_slice %arg7[%squeeze3A_1663, %dma_start3A_1669, %dma_start3A_1670] : memref<125000x8x64xf32, #tpu.memory_space<hbm>> -> memref<1x8x64xf32, #tpu.memory_space<hbm>>
        %dma_start3A_1672 = tpu.memref_squeeze %dma_start3A_1671 : memref<1x8x64xf32, #tpu.memory_space<hbm>> -> memref<8x64xf32, #tpu.memory_space<hbm>>
        %dma_start3A_1673 = arith.constant 0 : i32
        %dma_start3A_1674 = arith.constant 0 : i32
        %dma_start3A_1675 = tpu.memref_slice %arg14[%select_n3A_1178, %dma_start3A_1664, %dma_start3A_1673, %dma_start3A_1674] : memref<2x16x8x64xf32, #tpu.memory_space<vmem>> -> memref<1x1x8x64xf32, #tpu.memory_space<vmem>>
        %dma_start3A_1676 = tpu.memref_squeeze %dma_start3A_1675 : memref<1x1x8x64xf32, #tpu.memory_space<vmem>> -> memref<8x64xf32, #tpu.memory_space<vmem>>
        %dma_start3A_1677 = arith.constant 0 : i32
        %dma_start3A_1678 = arith.constant 0 : i32
        %dma_start3A_1679 = tpu.memref_slice %arg7[%squeeze3A_1663, %dma_start3A_1677, %dma_start3A_1678] : memref<125000x8x64xf32, #tpu.memory_space<hbm>> -> memref<1x8x64xf32, #tpu.memory_space<hbm>>
        %dma_start3A_1680 = tpu.memref_squeeze %dma_start3A_1679 : memref<1x8x64xf32, #tpu.memory_space<hbm>> -> memref<8x64xf32, #tpu.memory_space<hbm>>
        tpu.enqueue_dma source(%dma_start3A_1680 : memref<8x64xf32, #tpu.memory_space<hbm>>) target(%dma_start3A_1676 : memref<8x64xf32, #tpu.memory_space<vmem>>) target_semaphore(%arg17 : memref<!tpu.dma_semaphore, #tpu.memory_space<semaphore_mem>>)
        %slice3A_1681 = vector.extract_strided_slice %get3A_1182 {offsets = [13], sizes = [1], strides = [1]} : vector<16xi32> to vector<1xi32>
        %squeeze3A_1682 = vector.extract %slice3A_1681[0] : i32 from vector<1xi32>
        %dma_start3A_1683 = arith.constant 13 : i32
        %dma_start3A_1684 = arith.constant 0 : i32
        %dma_start3A_1685 = arith.constant 0 : i32
        %dma_start3A_1686 = tpu.memref_slice %arg13[%select_n3A_1178, %dma_start3A_1683, %dma_start3A_1684, %dma_start3A_1685] : memref<2x16x8x64xf32, #tpu.memory_space<vmem>> -> memref<1x1x8x64xf32, #tpu.memory_space<vmem>>
        %dma_start3A_1687 = tpu.memref_squeeze %dma_start3A_1686 : memref<1x1x8x64xf32, #tpu.memory_space<vmem>> -> memref<8x64xf32, #tpu.memory_space<vmem>>
        %dma_start3A_1688 = arith.constant 0 : i32
        %dma_start3A_1689 = arith.constant 0 : i32
        %dma_start3A_1690 = tpu.memref_slice %arg6[%squeeze3A_1682, %dma_start3A_1688, %dma_start3A_1689] : memref<125000x8x64xf32, #tpu.memory_space<hbm>> -> memref<1x8x64xf32, #tpu.memory_space<hbm>>
        %dma_start3A_1691 = tpu.memref_squeeze %dma_start3A_1690 : memref<1x8x64xf32, #tpu.memory_space<hbm>> -> memref<8x64xf32, #tpu.memory_space<hbm>>
        %dma_start3A_1692 = arith.constant 0 : i32
        %dma_start3A_1693 = arith.constant 0 : i32
        %dma_start3A_1694 = tpu.memref_slice %arg13[%select_n3A_1178, %dma_start3A_1683, %dma_start3A_1692, %dma_start3A_1693] : memref<2x16x8x64xf32, #tpu.memory_space<vmem>> -> memref<1x1x8x64xf32, #tpu.memory_space<vmem>>
        %dma_start3A_1695 = tpu.memref_squeeze %dma_start3A_1694 : memref<1x1x8x64xf32, #tpu.memory_space<vmem>> -> memref<8x64xf32, #tpu.memory_space<vmem>>
        %dma_start3A_1696 = arith.constant 0 : i32
        %dma_start3A_1697 = arith.constant 0 : i32
        %dma_start3A_1698 = tpu.memref_slice %arg6[%squeeze3A_1682, %dma_start3A_1696, %dma_start3A_1697] : memref<125000x8x64xf32, #tpu.memory_space<hbm>> -> memref<1x8x64xf32, #tpu.memory_space<hbm>>
        %dma_start3A_1699 = tpu.memref_squeeze %dma_start3A_1698 : memref<1x8x64xf32, #tpu.memory_space<hbm>> -> memref<8x64xf32, #tpu.memory_space<hbm>>
        tpu.enqueue_dma source(%dma_start3A_1699 : memref<8x64xf32, #tpu.memory_space<hbm>>) target(%dma_start3A_1695 : memref<8x64xf32, #tpu.memory_space<vmem>>) target_semaphore(%arg16 : memref<!tpu.dma_semaphore, #tpu.memory_space<semaphore_mem>>)
        %slice3A_1700 = vector.extract_strided_slice %get3A_1186 {offsets = [13], sizes = [1], strides = [1]} : vector<16xi32> to vector<1xi32>
        %squeeze3A_1701 = vector.extract %slice3A_1700[0] : i32 from vector<1xi32>
        %dma_start3A_1702 = arith.constant 13 : i32
        %dma_start3A_1703 = arith.constant 0 : i32
        %dma_start3A_1704 = arith.constant 0 : i32
        %dma_start3A_1705 = tpu.memref_slice %arg14[%select_n3A_1178, %dma_start3A_1702, %dma_start3A_1703, %dma_start3A_1704] : memref<2x16x8x64xf32, #tpu.memory_space<vmem>> -> memref<1x1x8x64xf32, #tpu.memory_space<vmem>>
        %dma_start3A_1706 = tpu.memref_squeeze %dma_start3A_1705 : memref<1x1x8x64xf32, #tpu.memory_space<vmem>> -> memref<8x64xf32, #tpu.memory_space<vmem>>
        %dma_start3A_1707 = arith.constant 0 : i32
        %dma_start3A_1708 = arith.constant 0 : i32
        %dma_start3A_1709 = tpu.memref_slice %arg7[%squeeze3A_1701, %dma_start3A_1707, %dma_start3A_1708] : memref<125000x8x64xf32, #tpu.memory_space<hbm>> -> memref<1x8x64xf32, #tpu.memory_space<hbm>>
        %dma_start3A_1710 = tpu.memref_squeeze %dma_start3A_1709 : memref<1x8x64xf32, #tpu.memory_space<hbm>> -> memref<8x64xf32, #tpu.memory_space<hbm>>
        %dma_start3A_1711 = arith.constant 0 : i32
        %dma_start3A_1712 = arith.constant 0 : i32
        %dma_start3A_1713 = tpu.memref_slice %arg14[%select_n3A_1178, %dma_start3A_1702, %dma_start3A_1711, %dma_start3A_1712] : memref<2x16x8x64xf32, #tpu.memory_space<vmem>> -> memref<1x1x8x64xf32, #tpu.memory_space<vmem>>
        %dma_start3A_1714 = tpu.memref_squeeze %dma_start3A_1713 : memref<1x1x8x64xf32, #tpu.memory_space<vmem>> -> memref<8x64xf32, #tpu.memory_space<vmem>>
        %dma_start3A_1715 = arith.constant 0 : i32
        %dma_start3A_1716 = arith.constant 0 : i32
        %dma_start3A_1717 = tpu.memref_slice %arg7[%squeeze3A_1701, %dma_start3A_1715, %dma_start3A_1716] : memref<125000x8x64xf32, #tpu.memory_space<hbm>> -> memref<1x8x64xf32, #tpu.memory_space<hbm>>
        %dma_start3A_1718 = tpu.memref_squeeze %dma_start3A_1717 : memref<1x8x64xf32, #tpu.memory_space<hbm>> -> memref<8x64xf32, #tpu.memory_space<hbm>>
        tpu.enqueue_dma source(%dma_start3A_1718 : memref<8x64xf32, #tpu.memory_space<hbm>>) target(%dma_start3A_1714 : memref<8x64xf32, #tpu.memory_space<vmem>>) target_semaphore(%arg17 : memref<!tpu.dma_semaphore, #tpu.memory_space<semaphore_mem>>)
        %slice3A_1719 = vector.extract_strided_slice %get3A_1182 {offsets = [14], sizes = [1], strides = [1]} : vector<16xi32> to vector<1xi32>
        %squeeze3A_1720 = vector.extract %slice3A_1719[0] : i32 from vector<1xi32>
        %dma_start3A_1721 = arith.constant 14 : i32
        %dma_start3A_1722 = arith.constant 0 : i32
        %dma_start3A_1723 = arith.constant 0 : i32
        %dma_start3A_1724 = tpu.memref_slice %arg13[%select_n3A_1178, %dma_start3A_1721, %dma_start3A_1722, %dma_start3A_1723] : memref<2x16x8x64xf32, #tpu.memory_space<vmem>> -> memref<1x1x8x64xf32, #tpu.memory_space<vmem>>
        %dma_start3A_1725 = tpu.memref_squeeze %dma_start3A_1724 : memref<1x1x8x64xf32, #tpu.memory_space<vmem>> -> memref<8x64xf32, #tpu.memory_space<vmem>>
        %dma_start3A_1726 = arith.constant 0 : i32
        %dma_start3A_1727 = arith.constant 0 : i32
        %dma_start3A_1728 = tpu.memref_slice %arg6[%squeeze3A_1720, %dma_start3A_1726, %dma_start3A_1727] : memref<125000x8x64xf32, #tpu.memory_space<hbm>> -> memref<1x8x64xf32, #tpu.memory_space<hbm>>
        %dma_start3A_1729 = tpu.memref_squeeze %dma_start3A_1728 : memref<1x8x64xf32, #tpu.memory_space<hbm>> -> memref<8x64xf32, #tpu.memory_space<hbm>>
        %dma_start3A_1730 = arith.constant 0 : i32
        %dma_start3A_1731 = arith.constant 0 : i32
        %dma_start3A_1732 = tpu.memref_slice %arg13[%select_n3A_1178, %dma_start3A_1721, %dma_start3A_1730, %dma_start3A_1731] : memref<2x16x8x64xf32, #tpu.memory_space<vmem>> -> memref<1x1x8x64xf32, #tpu.memory_space<vmem>>
        %dma_start3A_1733 = tpu.memref_squeeze %dma_start3A_1732 : memref<1x1x8x64xf32, #tpu.memory_space<vmem>> -> memref<8x64xf32, #tpu.memory_space<vmem>>
        %dma_start3A_1734 = arith.constant 0 : i32
        %dma_start3A_1735 = arith.constant 0 : i32
        %dma_start3A_1736 = tpu.memref_slice %arg6[%squeeze3A_1720, %dma_start3A_1734, %dma_start3A_1735] : memref<125000x8x64xf32, #tpu.memory_space<hbm>> -> memref<1x8x64xf32, #tpu.memory_space<hbm>>
        %dma_start3A_1737 = tpu.memref_squeeze %dma_start3A_1736 : memref<1x8x64xf32, #tpu.memory_space<hbm>> -> memref<8x64xf32, #tpu.memory_space<hbm>>
        tpu.enqueue_dma source(%dma_start3A_1737 : memref<8x64xf32, #tpu.memory_space<hbm>>) target(%dma_start3A_1733 : memref<8x64xf32, #tpu.memory_space<vmem>>) target_semaphore(%arg16 : memref<!tpu.dma_semaphore, #tpu.memory_space<semaphore_mem>>)
        %slice3A_1738 = vector.extract_strided_slice %get3A_1186 {offsets = [14], sizes = [1], strides = [1]} : vector<16xi32> to vector<1xi32>
        %squeeze3A_1739 = vector.extract %slice3A_1738[0] : i32 from vector<1xi32>
        %dma_start3A_1740 = arith.constant 14 : i32
        %dma_start3A_1741 = arith.constant 0 : i32
        %dma_start3A_1742 = arith.constant 0 : i32
        %dma_start3A_1743 = tpu.memref_slice %arg14[%select_n3A_1178, %dma_start3A_1740, %dma_start3A_1741, %dma_start3A_1742] : memref<2x16x8x64xf32, #tpu.memory_space<vmem>> -> memref<1x1x8x64xf32, #tpu.memory_space<vmem>>
        %dma_start3A_1744 = tpu.memref_squeeze %dma_start3A_1743 : memref<1x1x8x64xf32, #tpu.memory_space<vmem>> -> memref<8x64xf32, #tpu.memory_space<vmem>>
        %dma_start3A_1745 = arith.constant 0 : i32
        %dma_start3A_1746 = arith.constant 0 : i32
        %dma_start3A_1747 = tpu.memref_slice %arg7[%squeeze3A_1739, %dma_start3A_1745, %dma_start3A_1746] : memref<125000x8x64xf32, #tpu.memory_space<hbm>> -> memref<1x8x64xf32, #tpu.memory_space<hbm>>
        %dma_start3A_1748 = tpu.memref_squeeze %dma_start3A_1747 : memref<1x8x64xf32, #tpu.memory_space<hbm>> -> memref<8x64xf32, #tpu.memory_space<hbm>>
        %dma_start3A_1749 = arith.constant 0 : i32
        %dma_start3A_1750 = arith.constant 0 : i32
        %dma_start3A_1751 = tpu.memref_slice %arg14[%select_n3A_1178, %dma_start3A_1740, %dma_start3A_1749, %dma_start3A_1750] : memref<2x16x8x64xf32, #tpu.memory_space<vmem>> -> memref<1x1x8x64xf32, #tpu.memory_space<vmem>>
        %dma_start3A_1752 = tpu.memref_squeeze %dma_start3A_1751 : memref<1x1x8x64xf32, #tpu.memory_space<vmem>> -> memref<8x64xf32, #tpu.memory_space<vmem>>
        %dma_start3A_1753 = arith.constant 0 : i32
        %dma_start3A_1754 = arith.constant 0 : i32
        %dma_start3A_1755 = tpu.memref_slice %arg7[%squeeze3A_1739, %dma_start3A_1753, %dma_start3A_1754] : memref<125000x8x64xf32, #tpu.memory_space<hbm>> -> memref<1x8x64xf32, #tpu.memory_space<hbm>>
        %dma_start3A_1756 = tpu.memref_squeeze %dma_start3A_1755 : memref<1x8x64xf32, #tpu.memory_space<hbm>> -> memref<8x64xf32, #tpu.memory_space<hbm>>
        tpu.enqueue_dma source(%dma_start3A_1756 : memref<8x64xf32, #tpu.memory_space<hbm>>) target(%dma_start3A_1752 : memref<8x64xf32, #tpu.memory_space<vmem>>) target_semaphore(%arg17 : memref<!tpu.dma_semaphore, #tpu.memory_space<semaphore_mem>>)
        %slice3A_1757 = vector.extract_strided_slice %get3A_1182 {offsets = [15], sizes = [1], strides = [1]} : vector<16xi32> to vector<1xi32>
        %squeeze3A_1758 = vector.extract %slice3A_1757[0] : i32 from vector<1xi32>
        %dma_start3A_1759 = arith.constant 15 : i32
        %dma_start3A_1760 = arith.constant 0 : i32
        %dma_start3A_1761 = arith.constant 0 : i32
        %dma_start3A_1762 = tpu.memref_slice %arg13[%select_n3A_1178, %dma_start3A_1759, %dma_start3A_1760, %dma_start3A_1761] : memref<2x16x8x64xf32, #tpu.memory_space<vmem>> -> memref<1x1x8x64xf32, #tpu.memory_space<vmem>>
        %dma_start3A_1763 = tpu.memref_squeeze %dma_start3A_1762 : memref<1x1x8x64xf32, #tpu.memory_space<vmem>> -> memref<8x64xf32, #tpu.memory_space<vmem>>
        %dma_start3A_1764 = arith.constant 0 : i32
        %dma_start3A_1765 = arith.constant 0 : i32
        %dma_start3A_1766 = tpu.memref_slice %arg6[%squeeze3A_1758, %dma_start3A_1764, %dma_start3A_1765] : memref<125000x8x64xf32, #tpu.memory_space<hbm>> -> memref<1x8x64xf32, #tpu.memory_space<hbm>>
        %dma_start3A_1767 = tpu.memref_squeeze %dma_start3A_1766 : memref<1x8x64xf32, #tpu.memory_space<hbm>> -> memref<8x64xf32, #tpu.memory_space<hbm>>
        %dma_start3A_1768 = arith.constant 0 : i32
        %dma_start3A_1769 = arith.constant 0 : i32
        %dma_start3A_1770 = tpu.memref_slice %arg13[%select_n3A_1178, %dma_start3A_1759, %dma_start3A_1768, %dma_start3A_1769] : memref<2x16x8x64xf32, #tpu.memory_space<vmem>> -> memref<1x1x8x64xf32, #tpu.memory_space<vmem>>
        %dma_start3A_1771 = tpu.memref_squeeze %dma_start3A_1770 : memref<1x1x8x64xf32, #tpu.memory_space<vmem>> -> memref<8x64xf32, #tpu.memory_space<vmem>>
        %dma_start3A_1772 = arith.constant 0 : i32
        %dma_start3A_1773 = arith.constant 0 : i32
        %dma_start3A_1774 = tpu.memref_slice %arg6[%squeeze3A_1758, %dma_start3A_1772, %dma_start3A_1773] : memref<125000x8x64xf32, #tpu.memory_space<hbm>> -> memref<1x8x64xf32, #tpu.memory_space<hbm>>
        %dma_start3A_1775 = tpu.memref_squeeze %dma_start3A_1774 : memref<1x8x64xf32, #tpu.memory_space<hbm>> -> memref<8x64xf32, #tpu.memory_space<hbm>>
        tpu.enqueue_dma source(%dma_start3A_1775 : memref<8x64xf32, #tpu.memory_space<hbm>>) target(%dma_start3A_1771 : memref<8x64xf32, #tpu.memory_space<vmem>>) target_semaphore(%arg16 : memref<!tpu.dma_semaphore, #tpu.memory_space<semaphore_mem>>)
        %slice3A_1776 = vector.extract_strided_slice %get3A_1186 {offsets = [15], sizes = [1], strides = [1]} : vector<16xi32> to vector<1xi32>
        %squeeze3A_1777 = vector.extract %slice3A_1776[0] : i32 from vector<1xi32>
        %dma_start3A_1778 = arith.constant 15 : i32
        %dma_start3A_1779 = arith.constant 0 : i32
        %dma_start3A_1780 = arith.constant 0 : i32
        %dma_start3A_1781 = tpu.memref_slice %arg14[%select_n3A_1178, %dma_start3A_1778, %dma_start3A_1779, %dma_start3A_1780] : memref<2x16x8x64xf32, #tpu.memory_space<vmem>> -> memref<1x1x8x64xf32, #tpu.memory_space<vmem>>
        %dma_start3A_1782 = tpu.memref_squeeze %dma_start3A_1781 : memref<1x1x8x64xf32, #tpu.memory_space<vmem>> -> memref<8x64xf32, #tpu.memory_space<vmem>>
        %dma_start3A_1783 = arith.constant 0 : i32
        %dma_start3A_1784 = arith.constant 0 : i32
        %dma_start3A_1785 = tpu.memref_slice %arg7[%squeeze3A_1777, %dma_start3A_1783, %dma_start3A_1784] : memref<125000x8x64xf32, #tpu.memory_space<hbm>> -> memref<1x8x64xf32, #tpu.memory_space<hbm>>
        %dma_start3A_1786 = tpu.memref_squeeze %dma_start3A_1785 : memref<1x8x64xf32, #tpu.memory_space<hbm>> -> memref<8x64xf32, #tpu.memory_space<hbm>>
        %dma_start3A_1787 = arith.constant 0 : i32
        %dma_start3A_1788 = arith.constant 0 : i32
        %dma_start3A_1789 = tpu.memref_slice %arg14[%select_n3A_1178, %dma_start3A_1778, %dma_start3A_1787, %dma_start3A_1788] : memref<2x16x8x64xf32, #tpu.memory_space<vmem>> -> memref<1x1x8x64xf32, #tpu.memory_space<vmem>>
        %dma_start3A_1790 = tpu.memref_squeeze %dma_start3A_1789 : memref<1x1x8x64xf32, #tpu.memory_space<vmem>> -> memref<8x64xf32, #tpu.memory_space<vmem>>
        %dma_start3A_1791 = arith.constant 0 : i32
        %dma_start3A_1792 = arith.constant 0 : i32
        %dma_start3A_1793 = tpu.memref_slice %arg7[%squeeze3A_1777, %dma_start3A_1791, %dma_start3A_1792] : memref<125000x8x64xf32, #tpu.memory_space<hbm>> -> memref<1x8x64xf32, #tpu.memory_space<hbm>>
        %dma_start3A_1794 = tpu.memref_squeeze %dma_start3A_1793 : memref<1x8x64xf32, #tpu.memory_space<hbm>> -> memref<8x64xf32, #tpu.memory_space<hbm>>
        tpu.enqueue_dma source(%dma_start3A_1794 : memref<8x64xf32, #tpu.memory_space<hbm>>) target(%dma_start3A_1790 : memref<8x64xf32, #tpu.memory_space<vmem>>) target_semaphore(%arg17 : memref<!tpu.dma_semaphore, #tpu.memory_space<semaphore_mem>>)
      } else {
      }
      %dma_wait3A = arith.constant 0 : i32
      %dma_wait3A_665 = arith.constant 0 : i32
      %dma_wait3A_666 = arith.constant 0 : i32
      %dma_wait3A_667 = tpu.memref_slice %arg13[%select_n3A_659, %dma_wait3A, %dma_wait3A_665, %dma_wait3A_666] : memref<2x16x8x64xf32, #tpu.memory_space<vmem>> -> memref<1x16x8x64xf32, #tpu.memory_space<vmem>>
      %dma_wait3A_668 = tpu.memref_squeeze %dma_wait3A_667 : memref<1x16x8x64xf32, #tpu.memory_space<vmem>> -> memref<16x8x64xf32, #tpu.memory_space<vmem>>
      %dma_wait3A_669 = arith.constant 0 : i32
      %dma_wait3A_670 = arith.constant 0 : i32
      %dma_wait3A_671 = arith.constant 0 : i32
      %dma_wait3A_672 = tpu.memref_slice %arg6[%dma_wait3A_669, %dma_wait3A_670, %dma_wait3A_671] : memref<125000x8x64xf32, #tpu.memory_space<hbm>> -> memref<16x8x64xf32, #tpu.memory_space<hbm>>
      %dma_wait3A_673 = arith.constant 0 : i32
      %dma_wait3A_674 = arith.constant 0 : i32
      %dma_wait3A_675 = arith.constant 0 : i32
      %dma_wait3A_676 = tpu.memref_slice %arg13[%select_n3A_659, %dma_wait3A_673, %dma_wait3A_674, %dma_wait3A_675] : memref<2x16x8x64xf32, #tpu.memory_space<vmem>> -> memref<1x16x8x64xf32, #tpu.memory_space<vmem>>
      %dma_wait3A_677 = tpu.memref_squeeze %dma_wait3A_676 : memref<1x16x8x64xf32, #tpu.memory_space<vmem>> -> memref<16x8x64xf32, #tpu.memory_space<vmem>>
      %dma_wait3A_678 = arith.constant 0 : i32
      %dma_wait3A_679 = arith.constant 0 : i32
      %dma_wait3A_680 = arith.constant 0 : i32
      %dma_wait3A_681 = tpu.memref_slice %arg6[%dma_wait3A_678, %dma_wait3A_679, %dma_wait3A_680] : memref<125000x8x64xf32, #tpu.memory_space<hbm>> -> memref<16x8x64xf32, #tpu.memory_space<hbm>>
      tpu.wait_dma2 semaphore(%arg16 : memref<!tpu.dma_semaphore, #tpu.memory_space<semaphore_mem>>) src(%dma_wait3A_681 : memref<16x8x64xf32, #tpu.memory_space<hbm>>) dst(%dma_wait3A_677 : memref<16x8x64xf32, #tpu.memory_space<vmem>>)
      %dma_wait3A_682 = arith.constant 0 : i32
      %dma_wait3A_683 = arith.constant 0 : i32
      %dma_wait3A_684 = arith.constant 0 : i32
      %dma_wait3A_685 = tpu.memref_slice %arg14[%select_n3A_659, %dma_wait3A_682, %dma_wait3A_683, %dma_wait3A_684] : memref<2x16x8x64xf32, #tpu.memory_space<vmem>> -> memref<1x16x8x64xf32, #tpu.memory_space<vmem>>
      %dma_wait3A_686 = tpu.memref_squeeze %dma_wait3A_685 : memref<1x16x8x64xf32, #tpu.memory_space<vmem>> -> memref<16x8x64xf32, #tpu.memory_space<vmem>>
      %dma_wait3A_687 = arith.constant 0 : i32
      %dma_wait3A_688 = arith.constant 0 : i32
      %dma_wait3A_689 = arith.constant 0 : i32
      %dma_wait3A_690 = tpu.memref_slice %arg7[%dma_wait3A_687, %dma_wait3A_688, %dma_wait3A_689] : memref<125000x8x64xf32, #tpu.memory_space<hbm>> -> memref<16x8x64xf32, #tpu.memory_space<hbm>>
      %dma_wait3A_691 = arith.constant 0 : i32
      %dma_wait3A_692 = arith.constant 0 : i32
      %dma_wait3A_693 = arith.constant 0 : i32
      %dma_wait3A_694 = tpu.memref_slice %arg14[%select_n3A_659, %dma_wait3A_691, %dma_wait3A_692, %dma_wait3A_693] : memref<2x16x8x64xf32, #tpu.memory_space<vmem>> -> memref<1x16x8x64xf32, #tpu.memory_space<vmem>>
      %dma_wait3A_695 = tpu.memref_squeeze %dma_wait3A_694 : memref<1x16x8x64xf32, #tpu.memory_space<vmem>> -> memref<16x8x64xf32, #tpu.memory_space<vmem>>
      %dma_wait3A_696 = arith.constant 0 : i32
      %dma_wait3A_697 = arith.constant 0 : i32
      %dma_wait3A_698 = arith.constant 0 : i32
      %dma_wait3A_699 = tpu.memref_slice %arg7[%dma_wait3A_696, %dma_wait3A_697, %dma_wait3A_698] : memref<125000x8x64xf32, #tpu.memory_space<hbm>> -> memref<16x8x64xf32, #tpu.memory_space<hbm>>
      tpu.wait_dma2 semaphore(%arg17 : memref<!tpu.dma_semaphore, #tpu.memory_space<semaphore_mem>>) src(%dma_wait3A_699 : memref<16x8x64xf32, #tpu.memory_space<hbm>>) dst(%dma_wait3A_695 : memref<16x8x64xf32, #tpu.memory_space<vmem>>)
      %mul3A_700 = arith.constant 0 : i32
      %mul3A_701 = vector.broadcast %mul3A_700 : i32 to vector<16xi32>
      %mul3A_702 = arith.muli %iota3A, %mul3A_701 : vector<16xi32>
      %add3A_703 = vector.broadcast %select_n3A_659 : i32 to vector<16xi32>
      %add3A_704 = arith.addi %mul3A_702, %add3A_703 : vector<16xi32>
      %mul3A_705 = arith.constant 16 : i32
      %mul3A_706 = arith.muli %scan3A_649, %mul3A_705 : i32
      %get3A_707 = arith.index_cast %mul3A_706 : i32 to index
      %get3A_708 = tpu.vector_load %arg11[%get3A_707] {strides = array<i32>} : memref<512xi32, #tpu.memory_space<vmem>>, vector<16xi32>,
      %get3A_709 = arith.index_cast %mul3A_706 : i32 to index
      %get3A_710 = tpu.vector_load %arg12[%get3A_709] {strides = array<i32>} : memref<512xi32, #tpu.memory_space<vmem>>, vector<16xi32>,
      %mul3A_711 = arith.constant 0 : i32
      %mul3A_712 = vector.broadcast %mul3A_711 : i32 to vector<16xi32>
      %mul3A_713 = arith.muli %iota3A, %mul3A_712 : vector<16xi32>
      %gather3A = tpu.vector_load_idx %arg13[%add3A_704, %iota3A, %get3A_708, %mul3A_713] : memref<2x16x8x64xf32, #tpu.memory_space<vmem>>[vector<16xi32>, vector<16xi32>, vector<16xi32>, vector<16xi32>], vector<16xf32>,
      %gather3A_714 = tpu.vector_load_idx %arg14[%add3A_704, %iota3A, %get3A_710, %mul3A_713] : memref<2x16x8x64xf32, #tpu.memory_space<vmem>>[vector<16xi32>, vector<16xi32>, vector<16xi32>, vector<16xi32>], vector<16xf32>,
      %mul3A_715 = arith.mulf %gather3A, %gather3A_714 : vector<16xf32>
      %add3A_716 = arith.constant 1 : i32
      %add3A_717 = vector.broadcast %add3A_716 : i32 to vector<16xi32>
      %add3A_718 = arith.addi %mul3A_713, %add3A_717 : vector<16xi32>
      %gather3A_719 = tpu.vector_load_idx %arg13[%add3A_704, %iota3A, %get3A_708, %add3A_718] : memref<2x16x8x64xf32, #tpu.memory_space<vmem>>[vector<16xi32>, vector<16xi32>, vector<16xi32>, vector<16xi32>], vector<16xf32>,
      %gather3A_720 = tpu.vector_load_idx %arg14[%add3A_704, %iota3A, %get3A_710, %add3A_718] : memref<2x16x8x64xf32, #tpu.memory_space<vmem>>[vector<16xi32>, vector<16xi32>, vector<16xi32>, vector<16xi32>], vector<16xf32>,
      %mul3A_721 = arith.mulf %gather3A_719, %gather3A_720 : vector<16xf32>
      %add3A_722 = arith.addf %mul3A_715, %mul3A_721 : vector<16xf32>
      %add3A_723 = arith.constant 2 : i32
      %add3A_724 = vector.broadcast %add3A_723 : i32 to vector<16xi32>
      %add3A_725 = arith.addi %mul3A_713, %add3A_724 : vector<16xi32>
      %gather3A_726 = tpu.vector_load_idx %arg13[%add3A_704, %iota3A, %get3A_708, %add3A_725] : memref<2x16x8x64xf32, #tpu.memory_space<vmem>>[vector<16xi32>, vector<16xi32>, vector<16xi32>, vector<16xi32>], vector<16xf32>,
      %gather3A_727 = tpu.vector_load_idx %arg14[%add3A_704, %iota3A, %get3A_710, %add3A_725] : memref<2x16x8x64xf32, #tpu.memory_space<vmem>>[vector<16xi32>, vector<16xi32>, vector<16xi32>, vector<16xi32>], vector<16xf32>,
      %mul3A_728 = arith.mulf %gather3A_726, %gather3A_727 : vector<16xf32>
      %add3A_729 = arith.addf %add3A_722, %mul3A_728 : vector<16xf32>
      %add3A_730 = arith.constant 3 : i32
      %add3A_731 = vector.broadcast %add3A_730 : i32 to vector<16xi32>
      %add3A_732 = arith.addi %mul3A_713, %add3A_731 : vector<16xi32>
      %gather3A_733 = tpu.vector_load_idx %arg13[%add3A_704, %iota3A, %get3A_708, %add3A_732] : memref<2x16x8x64xf32, #tpu.memory_space<vmem>>[vector<16xi32>, vector<16xi32>, vector<16xi32>, vector<16xi32>], vector<16xf32>,
      %gather3A_734 = tpu.vector_load_idx %arg14[%add3A_704, %iota3A, %get3A_710, %add3A_732] : memref<2x16x8x64xf32, #tpu.memory_space<vmem>>[vector<16xi32>, vector<16xi32>, vector<16xi32>, vector<16xi32>], vector<16xf32>,
      %mul3A_735 = arith.mulf %gather3A_733, %gather3A_734 : vector<16xf32>
      %add3A_736 = arith.addf %add3A_729, %mul3A_735 : vector<16xf32>
      %add3A_737 = arith.constant 4 : i32
      %add3A_738 = vector.broadcast %add3A_737 : i32 to vector<16xi32>
      %add3A_739 = arith.addi %mul3A_713, %add3A_738 : vector<16xi32>
      %gather3A_740 = tpu.vector_load_idx %arg13[%add3A_704, %iota3A, %get3A_708, %add3A_739] : memref<2x16x8x64xf32, #tpu.memory_space<vmem>>[vector<16xi32>, vector<16xi32>, vector<16xi32>, vector<16xi32>], vector<16xf32>,
      %gather3A_741 = tpu.vector_load_idx %arg14[%add3A_704, %iota3A, %get3A_710, %add3A_739] : memref<2x16x8x64xf32, #tpu.memory_space<vmem>>[vector<16xi32>, vector<16xi32>, vector<16xi32>, vector<16xi32>], vector<16xf32>,
      %mul3A_742 = arith.mulf %gather3A_740, %gather3A_741 : vector<16xf32>
      %add3A_743 = arith.addf %add3A_736, %mul3A_742 : vector<16xf32>
      %add3A_744 = arith.constant 5 : i32
      %add3A_745 = vector.broadcast %add3A_744 : i32 to vector<16xi32>
      %add3A_746 = arith.addi %mul3A_713, %add3A_745 : vector<16xi32>
      %gather3A_747 = tpu.vector_load_idx %arg13[%add3A_704, %iota3A, %get3A_708, %add3A_746] : memref<2x16x8x64xf32, #tpu.memory_space<vmem>>[vector<16xi32>, vector<16xi32>, vector<16xi32>, vector<16xi32>], vector<16xf32>,
      %gather3A_748 = tpu.vector_load_idx %arg14[%add3A_704, %iota3A, %get3A_710, %add3A_746] : memref<2x16x8x64xf32, #tpu.memory_space<vmem>>[vector<16xi32>, vector<16xi32>, vector<16xi32>, vector<16xi32>], vector<16xf32>,
      %mul3A_749 = arith.mulf %gather3A_747, %gather3A_748 : vector<16xf32>
      %add3A_750 = arith.addf %add3A_743, %mul3A_749 : vector<16xf32>
      %add3A_751 = arith.constant 6 : i32
      %add3A_752 = vector.broadcast %add3A_751 : i32 to vector<16xi32>
      %add3A_753 = arith.addi %mul3A_713, %add3A_752 : vector<16xi32>
      %gather3A_754 = tpu.vector_load_idx %arg13[%add3A_704, %iota3A, %get3A_708, %add3A_753] : memref<2x16x8x64xf32, #tpu.memory_space<vmem>>[vector<16xi32>, vector<16xi32>, vector<16xi32>, vector<16xi32>], vector<16xf32>,
      %gather3A_755 = tpu.vector_load_idx %arg14[%add3A_704, %iota3A, %get3A_710, %add3A_753] : memref<2x16x8x64xf32, #tpu.memory_space<vmem>>[vector<16xi32>, vector<16xi32>, vector<16xi32>, vector<16xi32>], vector<16xf32>,
      %mul3A_756 = arith.mulf %gather3A_754, %gather3A_755 : vector<16xf32>
      %add3A_757 = arith.addf %add3A_750, %mul3A_756 : vector<16xf32>
      %add3A_758 = arith.constant 7 : i32
      %add3A_759 = vector.broadcast %add3A_758 : i32 to vector<16xi32>
      %add3A_760 = arith.addi %mul3A_713, %add3A_759 : vector<16xi32>
      %gather3A_761 = tpu.vector_load_idx %arg13[%add3A_704, %iota3A, %get3A_708, %add3A_760] : memref<2x16x8x64xf32, #tpu.memory_space<vmem>>[vector<16xi32>, vector<16xi32>, vector<16xi32>, vector<16xi32>], vector<16xf32>,
      %gather3A_762 = tpu.vector_load_idx %arg14[%add3A_704, %iota3A, %get3A_710, %add3A_760] : memref<2x16x8x64xf32, #tpu.memory_space<vmem>>[vector<16xi32>, vector<16xi32>, vector<16xi32>, vector<16xi32>], vector<16xf32>,
      %mul3A_763 = arith.mulf %gather3A_761, %gather3A_762 : vector<16xf32>
      %add3A_764 = arith.addf %add3A_757, %mul3A_763 : vector<16xf32>
      %add3A_765 = arith.constant 8 : i32
      %add3A_766 = vector.broadcast %add3A_765 : i32 to vector<16xi32>
      %add3A_767 = arith.addi %mul3A_713, %add3A_766 : vector<16xi32>
      %gather3A_768 = tpu.vector_load_idx %arg13[%add3A_704, %iota3A, %get3A_708, %add3A_767] : memref<2x16x8x64xf32, #tpu.memory_space<vmem>>[vector<16xi32>, vector<16xi32>, vector<16xi32>, vector<16xi32>], vector<16xf32>,
      %gather3A_769 = tpu.vector_load_idx %arg14[%add3A_704, %iota3A, %get3A_710, %add3A_767] : memref<2x16x8x64xf32, #tpu.memory_space<vmem>>[vector<16xi32>, vector<16xi32>, vector<16xi32>, vector<16xi32>], vector<16xf32>,
      %mul3A_770 = arith.mulf %gather3A_768, %gather3A_769 : vector<16xf32>
      %add3A_771 = arith.addf %add3A_764, %mul3A_770 : vector<16xf32>
      %add3A_772 = arith.constant 9 : i32
      %add3A_773 = vector.broadcast %add3A_772 : i32 to vector<16xi32>
      %add3A_774 = arith.addi %mul3A_713, %add3A_773 : vector<16xi32>
      %gather3A_775 = tpu.vector_load_idx %arg13[%add3A_704, %iota3A, %get3A_708, %add3A_774] : memref<2x16x8x64xf32, #tpu.memory_space<vmem>>[vector<16xi32>, vector<16xi32>, vector<16xi32>, vector<16xi32>], vector<16xf32>,
      %gather3A_776 = tpu.vector_load_idx %arg14[%add3A_704, %iota3A, %get3A_710, %add3A_774] : memref<2x16x8x64xf32, #tpu.memory_space<vmem>>[vector<16xi32>, vector<16xi32>, vector<16xi32>, vector<16xi32>], vector<16xf32>,
      %mul3A_777 = arith.mulf %gather3A_775, %gather3A_776 : vector<16xf32>
      %add3A_778 = arith.addf %add3A_771, %mul3A_777 : vector<16xf32>
      %add3A_779 = arith.constant 10 : i32
      %add3A_780 = vector.broadcast %add3A_779 : i32 to vector<16xi32>
      %add3A_781 = arith.addi %mul3A_713, %add3A_780 : vector<16xi32>
      %gather3A_782 = tpu.vector_load_idx %arg13[%add3A_704, %iota3A, %get3A_708, %add3A_781] : memref<2x16x8x64xf32, #tpu.memory_space<vmem>>[vector<16xi32>, vector<16xi32>, vector<16xi32>, vector<16xi32>], vector<16xf32>,
      %gather3A_783 = tpu.vector_load_idx %arg14[%add3A_704, %iota3A, %get3A_710, %add3A_781] : memref<2x16x8x64xf32, #tpu.memory_space<vmem>>[vector<16xi32>, vector<16xi32>, vector<16xi32>, vector<16xi32>], vector<16xf32>,
      %mul3A_784 = arith.mulf %gather3A_782, %gather3A_783 : vector<16xf32>
      %add3A_785 = arith.addf %add3A_778, %mul3A_784 : vector<16xf32>
      %add3A_786 = arith.constant 11 : i32
      %add3A_787 = vector.broadcast %add3A_786 : i32 to vector<16xi32>
      %add3A_788 = arith.addi %mul3A_713, %add3A_787 : vector<16xi32>
      %gather3A_789 = tpu.vector_load_idx %arg13[%add3A_704, %iota3A, %get3A_708, %add3A_788] : memref<2x16x8x64xf32, #tpu.memory_space<vmem>>[vector<16xi32>, vector<16xi32>, vector<16xi32>, vector<16xi32>], vector<16xf32>,
      %gather3A_790 = tpu.vector_load_idx %arg14[%add3A_704, %iota3A, %get3A_710, %add3A_788] : memref<2x16x8x64xf32, #tpu.memory_space<vmem>>[vector<16xi32>, vector<16xi32>, vector<16xi32>, vector<16xi32>], vector<16xf32>,
      %mul3A_791 = arith.mulf %gather3A_789, %gather3A_790 : vector<16xf32>
      %add3A_792 = arith.addf %add3A_785, %mul3A_791 : vector<16xf32>
      %add3A_793 = arith.constant 12 : i32
      %add3A_794 = vector.broadcast %add3A_793 : i32 to vector<16xi32>
      %add3A_795 = arith.addi %mul3A_713, %add3A_794 : vector<16xi32>
      %gather3A_796 = tpu.vector_load_idx %arg13[%add3A_704, %iota3A, %get3A_708, %add3A_795] : memref<2x16x8x64xf32, #tpu.memory_space<vmem>>[vector<16xi32>, vector<16xi32>, vector<16xi32>, vector<16xi32>], vector<16xf32>,
      %gather3A_797 = tpu.vector_load_idx %arg14[%add3A_704, %iota3A, %get3A_710, %add3A_795] : memref<2x16x8x64xf32, #tpu.memory_space<vmem>>[vector<16xi32>, vector<16xi32>, vector<16xi32>, vector<16xi32>], vector<16xf32>,
      %mul3A_798 = arith.mulf %gather3A_796, %gather3A_797 : vector<16xf32>
      %add3A_799 = arith.addf %add3A_792, %mul3A_798 : vector<16xf32>
      %add3A_800 = arith.constant 13 : i32
      %add3A_801 = vector.broadcast %add3A_800 : i32 to vector<16xi32>
      %add3A_802 = arith.addi %mul3A_713, %add3A_801 : vector<16xi32>
      %gather3A_803 = tpu.vector_load_idx %arg13[%add3A_704, %iota3A, %get3A_708, %add3A_802] : memref<2x16x8x64xf32, #tpu.memory_space<vmem>>[vector<16xi32>, vector<16xi32>, vector<16xi32>, vector<16xi32>], vector<16xf32>,
      %gather3A_804 = tpu.vector_load_idx %arg14[%add3A_704, %iota3A, %get3A_710, %add3A_802] : memref<2x16x8x64xf32, #tpu.memory_space<vmem>>[vector<16xi32>, vector<16xi32>, vector<16xi32>, vector<16xi32>], vector<16xf32>,
      %mul3A_805 = arith.mulf %gather3A_803, %gather3A_804 : vector<16xf32>
      %add3A_806 = arith.addf %add3A_799, %mul3A_805 : vector<16xf32>
      %add3A_807 = arith.constant 14 : i32
      %add3A_808 = vector.broadcast %add3A_807 : i32 to vector<16xi32>
      %add3A_809 = arith.addi %mul3A_713, %add3A_808 : vector<16xi32>
      %gather3A_810 = tpu.vector_load_idx %arg13[%add3A_704, %iota3A, %get3A_708, %add3A_809] : memref<2x16x8x64xf32, #tpu.memory_space<vmem>>[vector<16xi32>, vector<16xi32>, vector<16xi32>, vector<16xi32>], vector<16xf32>,
      %gather3A_811 = tpu.vector_load_idx %arg14[%add3A_704, %iota3A, %get3A_710, %add3A_809] : memref<2x16x8x64xf32, #tpu.memory_space<vmem>>[vector<16xi32>, vector<16xi32>, vector<16xi32>, vector<16xi32>], vector<16xf32>,
      %mul3A_812 = arith.mulf %gather3A_810, %gather3A_811 : vector<16xf32>
      %add3A_813 = arith.addf %add3A_806, %mul3A_812 : vector<16xf32>
      %add3A_814 = arith.constant 15 : i32
      %add3A_815 = vector.broadcast %add3A_814 : i32 to vector<16xi32>
      %add3A_816 = arith.addi %mul3A_713, %add3A_815 : vector<16xi32>
      %gather3A_817 = tpu.vector_load_idx %arg13[%add3A_704, %iota3A, %get3A_708, %add3A_816] : memref<2x16x8x64xf32, #tpu.memory_space<vmem>>[vector<16xi32>, vector<16xi32>, vector<16xi32>, vector<16xi32>], vector<16xf32>,
      %gather3A_818 = tpu.vector_load_idx %arg14[%add3A_704, %iota3A, %get3A_710, %add3A_816] : memref<2x16x8x64xf32, #tpu.memory_space<vmem>>[vector<16xi32>, vector<16xi32>, vector<16xi32>, vector<16xi32>], vector<16xf32>,
      %mul3A_819 = arith.mulf %gather3A_817, %gather3A_818 : vector<16xf32>
      %add3A_820 = arith.addf %add3A_813, %mul3A_819 : vector<16xf32>
      %add3A_821 = arith.constant 16 : i32
      %add3A_822 = vector.broadcast %add3A_821 : i32 to vector<16xi32>
      %add3A_823 = arith.addi %mul3A_713, %add3A_822 : vector<16xi32>
      %gather3A_824 = tpu.vector_load_idx %arg13[%add3A_704, %iota3A, %get3A_708, %add3A_823] : memref<2x16x8x64xf32, #tpu.memory_space<vmem>>[vector<16xi32>, vector<16xi32>, vector<16xi32>, vector<16xi32>], vector<16xf32>,
      %gather3A_825 = tpu.vector_load_idx %arg14[%add3A_704, %iota3A, %get3A_710, %add3A_823] : memref<2x16x8x64xf32, #tpu.memory_space<vmem>>[vector<16xi32>, vector<16xi32>, vector<16xi32>, vector<16xi32>], vector<16xf32>,
      %mul3A_826 = arith.mulf %gather3A_824, %gather3A_825 : vector<16xf32>
      %add3A_827 = arith.addf %add3A_820, %mul3A_826 : vector<16xf32>
      %add3A_828 = arith.constant 17 : i32
      %add3A_829 = vector.broadcast %add3A_828 : i32 to vector<16xi32>
      %add3A_830 = arith.addi %mul3A_713, %add3A_829 : vector<16xi32>
      %gather3A_831 = tpu.vector_load_idx %arg13[%add3A_704, %iota3A, %get3A_708, %add3A_830] : memref<2x16x8x64xf32, #tpu.memory_space<vmem>>[vector<16xi32>, vector<16xi32>, vector<16xi32>, vector<16xi32>], vector<16xf32>,
      %gather3A_832 = tpu.vector_load_idx %arg14[%add3A_704, %iota3A, %get3A_710, %add3A_830] : memref<2x16x8x64xf32, #tpu.memory_space<vmem>>[vector<16xi32>, vector<16xi32>, vector<16xi32>, vector<16xi32>], vector<16xf32>,
      %mul3A_833 = arith.mulf %gather3A_831, %gather3A_832 : vector<16xf32>
      %add3A_834 = arith.addf %add3A_827, %mul3A_833 : vector<16xf32>
      %add3A_835 = arith.constant 18 : i32
      %add3A_836 = vector.broadcast %add3A_835 : i32 to vector<16xi32>
      %add3A_837 = arith.addi %mul3A_713, %add3A_836 : vector<16xi32>
      %gather3A_838 = tpu.vector_load_idx %arg13[%add3A_704, %iota3A, %get3A_708, %add3A_837] : memref<2x16x8x64xf32, #tpu.memory_space<vmem>>[vector<16xi32>, vector<16xi32>, vector<16xi32>, vector<16xi32>], vector<16xf32>,
      %gather3A_839 = tpu.vector_load_idx %arg14[%add3A_704, %iota3A, %get3A_710, %add3A_837] : memref<2x16x8x64xf32, #tpu.memory_space<vmem>>[vector<16xi32>, vector<16xi32>, vector<16xi32>, vector<16xi32>], vector<16xf32>,
      %mul3A_840 = arith.mulf %gather3A_838, %gather3A_839 : vector<16xf32>
      %add3A_841 = arith.addf %add3A_834, %mul3A_840 : vector<16xf32>
      %add3A_842 = arith.constant 19 : i32
      %add3A_843 = vector.broadcast %add3A_842 : i32 to vector<16xi32>
      %add3A_844 = arith.addi %mul3A_713, %add3A_843 : vector<16xi32>
      %gather3A_845 = tpu.vector_load_idx %arg13[%add3A_704, %iota3A, %get3A_708, %add3A_844] : memref<2x16x8x64xf32, #tpu.memory_space<vmem>>[vector<16xi32>, vector<16xi32>, vector<16xi32>, vector<16xi32>], vector<16xf32>,
      %gather3A_846 = tpu.vector_load_idx %arg14[%add3A_704, %iota3A, %get3A_710, %add3A_844] : memref<2x16x8x64xf32, #tpu.memory_space<vmem>>[vector<16xi32>, vector<16xi32>, vector<16xi32>, vector<16xi32>], vector<16xf32>,
      %mul3A_847 = arith.mulf %gather3A_845, %gather3A_846 : vector<16xf32>
      %add3A_848 = arith.addf %add3A_841, %mul3A_847 : vector<16xf32>
      %add3A_849 = arith.constant 20 : i32
      %add3A_850 = vector.broadcast %add3A_849 : i32 to vector<16xi32>
      %add3A_851 = arith.addi %mul3A_713, %add3A_850 : vector<16xi32>
      %gather3A_852 = tpu.vector_load_idx %arg13[%add3A_704, %iota3A, %get3A_708, %add3A_851] : memref<2x16x8x64xf32, #tpu.memory_space<vmem>>[vector<16xi32>, vector<16xi32>, vector<16xi32>, vector<16xi32>], vector<16xf32>,
      %gather3A_853 = tpu.vector_load_idx %arg14[%add3A_704, %iota3A, %get3A_710, %add3A_851] : memref<2x16x8x64xf32, #tpu.memory_space<vmem>>[vector<16xi32>, vector<16xi32>, vector<16xi32>, vector<16xi32>], vector<16xf32>,
      %mul3A_854 = arith.mulf %gather3A_852, %gather3A_853 : vector<16xf32>
      %add3A_855 = arith.addf %add3A_848, %mul3A_854 : vector<16xf32>
      %add3A_856 = arith.constant 21 : i32
      %add3A_857 = vector.broadcast %add3A_856 : i32 to vector<16xi32>
      %add3A_858 = arith.addi %mul3A_713, %add3A_857 : vector<16xi32>
      %gather3A_859 = tpu.vector_load_idx %arg13[%add3A_704, %iota3A, %get3A_708, %add3A_858] : memref<2x16x8x64xf32, #tpu.memory_space<vmem>>[vector<16xi32>, vector<16xi32>, vector<16xi32>, vector<16xi32>], vector<16xf32>,
      %gather3A_860 = tpu.vector_load_idx %arg14[%add3A_704, %iota3A, %get3A_710, %add3A_858] : memref<2x16x8x64xf32, #tpu.memory_space<vmem>>[vector<16xi32>, vector<16xi32>, vector<16xi32>, vector<16xi32>], vector<16xf32>,
      %mul3A_861 = arith.mulf %gather3A_859, %gather3A_860 : vector<16xf32>
      %add3A_862 = arith.addf %add3A_855, %mul3A_861 : vector<16xf32>
      %add3A_863 = arith.constant 22 : i32
      %add3A_864 = vector.broadcast %add3A_863 : i32 to vector<16xi32>
      %add3A_865 = arith.addi %mul3A_713, %add3A_864 : vector<16xi32>
      %gather3A_866 = tpu.vector_load_idx %arg13[%add3A_704, %iota3A, %get3A_708, %add3A_865] : memref<2x16x8x64xf32, #tpu.memory_space<vmem>>[vector<16xi32>, vector<16xi32>, vector<16xi32>, vector<16xi32>], vector<16xf32>,
      %gather3A_867 = tpu.vector_load_idx %arg14[%add3A_704, %iota3A, %get3A_710, %add3A_865] : memref<2x16x8x64xf32, #tpu.memory_space<vmem>>[vector<16xi32>, vector<16xi32>, vector<16xi32>, vector<16xi32>], vector<16xf32>,
      %mul3A_868 = arith.mulf %gather3A_866, %gather3A_867 : vector<16xf32>
      %add3A_869 = arith.addf %add3A_862, %mul3A_868 : vector<16xf32>
      %add3A_870 = arith.constant 23 : i32
      %add3A_871 = vector.broadcast %add3A_870 : i32 to vector<16xi32>
      %add3A_872 = arith.addi %mul3A_713, %add3A_871 : vector<16xi32>
      %gather3A_873 = tpu.vector_load_idx %arg13[%add3A_704, %iota3A, %get3A_708, %add3A_872] : memref<2x16x8x64xf32, #tpu.memory_space<vmem>>[vector<16xi32>, vector<16xi32>, vector<16xi32>, vector<16xi32>], vector<16xf32>,
      %gather3A_874 = tpu.vector_load_idx %arg14[%add3A_704, %iota3A, %get3A_710, %add3A_872] : memref<2x16x8x64xf32, #tpu.memory_space<vmem>>[vector<16xi32>, vector<16xi32>, vector<16xi32>, vector<16xi32>], vector<16xf32>,
      %mul3A_875 = arith.mulf %gather3A_873, %gather3A_874 : vector<16xf32>
      %add3A_876 = arith.addf %add3A_869, %mul3A_875 : vector<16xf32>
      %add3A_877 = arith.constant 24 : i32
      %add3A_878 = vector.broadcast %add3A_877 : i32 to vector<16xi32>
      %add3A_879 = arith.addi %mul3A_713, %add3A_878 : vector<16xi32>
      %gather3A_880 = tpu.vector_load_idx %arg13[%add3A_704, %iota3A, %get3A_708, %add3A_879] : memref<2x16x8x64xf32, #tpu.memory_space<vmem>>[vector<16xi32>, vector<16xi32>, vector<16xi32>, vector<16xi32>], vector<16xf32>,
      %gather3A_881 = tpu.vector_load_idx %arg14[%add3A_704, %iota3A, %get3A_710, %add3A_879] : memref<2x16x8x64xf32, #tpu.memory_space<vmem>>[vector<16xi32>, vector<16xi32>, vector<16xi32>, vector<16xi32>], vector<16xf32>,
      %mul3A_882 = arith.mulf %gather3A_880, %gather3A_881 : vector<16xf32>
      %add3A_883 = arith.addf %add3A_876, %mul3A_882 : vector<16xf32>
      %add3A_884 = arith.constant 25 : i32
      %add3A_885 = vector.broadcast %add3A_884 : i32 to vector<16xi32>
      %add3A_886 = arith.addi %mul3A_713, %add3A_885 : vector<16xi32>
      %gather3A_887 = tpu.vector_load_idx %arg13[%add3A_704, %iota3A, %get3A_708, %add3A_886] : memref<2x16x8x64xf32, #tpu.memory_space<vmem>>[vector<16xi32>, vector<16xi32>, vector<16xi32>, vector<16xi32>], vector<16xf32>,
      %gather3A_888 = tpu.vector_load_idx %arg14[%add3A_704, %iota3A, %get3A_710, %add3A_886] : memref<2x16x8x64xf32, #tpu.memory_space<vmem>>[vector<16xi32>, vector<16xi32>, vector<16xi32>, vector<16xi32>], vector<16xf32>,
      %mul3A_889 = arith.mulf %gather3A_887, %gather3A_888 : vector<16xf32>
      %add3A_890 = arith.addf %add3A_883, %mul3A_889 : vector<16xf32>
      %add3A_891 = arith.constant 26 : i32
      %add3A_892 = vector.broadcast %add3A_891 : i32 to vector<16xi32>
      %add3A_893 = arith.addi %mul3A_713, %add3A_892 : vector<16xi32>
      %gather3A_894 = tpu.vector_load_idx %arg13[%add3A_704, %iota3A, %get3A_708, %add3A_893] : memref<2x16x8x64xf32, #tpu.memory_space<vmem>>[vector<16xi32>, vector<16xi32>, vector<16xi32>, vector<16xi32>], vector<16xf32>,
      %gather3A_895 = tpu.vector_load_idx %arg14[%add3A_704, %iota3A, %get3A_710, %add3A_893] : memref<2x16x8x64xf32, #tpu.memory_space<vmem>>[vector<16xi32>, vector<16xi32>, vector<16xi32>, vector<16xi32>], vector<16xf32>,
      %mul3A_896 = arith.mulf %gather3A_894, %gather3A_895 : vector<16xf32>
      %add3A_897 = arith.addf %add3A_890, %mul3A_896 : vector<16xf32>
      %add3A_898 = arith.constant 27 : i32
      %add3A_899 = vector.broadcast %add3A_898 : i32 to vector<16xi32>
      %add3A_900 = arith.addi %mul3A_713, %add3A_899 : vector<16xi32>
      %gather3A_901 = tpu.vector_load_idx %arg13[%add3A_704, %iota3A, %get3A_708, %add3A_900] : memref<2x16x8x64xf32, #tpu.memory_space<vmem>>[vector<16xi32>, vector<16xi32>, vector<16xi32>, vector<16xi32>], vector<16xf32>,
      %gather3A_902 = tpu.vector_load_idx %arg14[%add3A_704, %iota3A, %get3A_710, %add3A_900] : memref<2x16x8x64xf32, #tpu.memory_space<vmem>>[vector<16xi32>, vector<16xi32>, vector<16xi32>, vector<16xi32>], vector<16xf32>,
      %mul3A_903 = arith.mulf %gather3A_901, %gather3A_902 : vector<16xf32>
      %add3A_904 = arith.addf %add3A_897, %mul3A_903 : vector<16xf32>
      %add3A_905 = arith.constant 28 : i32
      %add3A_906 = vector.broadcast %add3A_905 : i32 to vector<16xi32>
      %add3A_907 = arith.addi %mul3A_713, %add3A_906 : vector<16xi32>
      %gather3A_908 = tpu.vector_load_idx %arg13[%add3A_704, %iota3A, %get3A_708, %add3A_907] : memref<2x16x8x64xf32, #tpu.memory_space<vmem>>[vector<16xi32>, vector<16xi32>, vector<16xi32>, vector<16xi32>], vector<16xf32>,
      %gather3A_909 = tpu.vector_load_idx %arg14[%add3A_704, %iota3A, %get3A_710, %add3A_907] : memref<2x16x8x64xf32, #tpu.memory_space<vmem>>[vector<16xi32>, vector<16xi32>, vector<16xi32>, vector<16xi32>], vector<16xf32>,
      %mul3A_910 = arith.mulf %gather3A_908, %gather3A_909 : vector<16xf32>
      %add3A_911 = arith.addf %add3A_904, %mul3A_910 : vector<16xf32>
      %add3A_912 = arith.constant 29 : i32
      %add3A_913 = vector.broadcast %add3A_912 : i32 to vector<16xi32>
      %add3A_914 = arith.addi %mul3A_713, %add3A_913 : vector<16xi32>
      %gather3A_915 = tpu.vector_load_idx %arg13[%add3A_704, %iota3A, %get3A_708, %add3A_914] : memref<2x16x8x64xf32, #tpu.memory_space<vmem>>[vector<16xi32>, vector<16xi32>, vector<16xi32>, vector<16xi32>], vector<16xf32>,
      %gather3A_916 = tpu.vector_load_idx %arg14[%add3A_704, %iota3A, %get3A_710, %add3A_914] : memref<2x16x8x64xf32, #tpu.memory_space<vmem>>[vector<16xi32>, vector<16xi32>, vector<16xi32>, vector<16xi32>], vector<16xf32>,
      %mul3A_917 = arith.mulf %gather3A_915, %gather3A_916 : vector<16xf32>
      %add3A_918 = arith.addf %add3A_911, %mul3A_917 : vector<16xf32>
      %add3A_919 = arith.constant 30 : i32
      %add3A_920 = vector.broadcast %add3A_919 : i32 to vector<16xi32>
      %add3A_921 = arith.addi %mul3A_713, %add3A_920 : vector<16xi32>
      %gather3A_922 = tpu.vector_load_idx %arg13[%add3A_704, %iota3A, %get3A_708, %add3A_921] : memref<2x16x8x64xf32, #tpu.memory_space<vmem>>[vector<16xi32>, vector<16xi32>, vector<16xi32>, vector<16xi32>], vector<16xf32>,
      %gather3A_923 = tpu.vector_load_idx %arg14[%add3A_704, %iota3A, %get3A_710, %add3A_921] : memref<2x16x8x64xf32, #tpu.memory_space<vmem>>[vector<16xi32>, vector<16xi32>, vector<16xi32>, vector<16xi32>], vector<16xf32>,
      %mul3A_924 = arith.mulf %gather3A_922, %gather3A_923 : vector<16xf32>
      %add3A_925 = arith.addf %add3A_918, %mul3A_924 : vector<16xf32>
      %add3A_926 = arith.constant 31 : i32
      %add3A_927 = vector.broadcast %add3A_926 : i32 to vector<16xi32>
      %add3A_928 = arith.addi %mul3A_713, %add3A_927 : vector<16xi32>
      %gather3A_929 = tpu.vector_load_idx %arg13[%add3A_704, %iota3A, %get3A_708, %add3A_928] : memref<2x16x8x64xf32, #tpu.memory_space<vmem>>[vector<16xi32>, vector<16xi32>, vector<16xi32>, vector<16xi32>], vector<16xf32>,
      %gather3A_930 = tpu.vector_load_idx %arg14[%add3A_704, %iota3A, %get3A_710, %add3A_928] : memref<2x16x8x64xf32, #tpu.memory_space<vmem>>[vector<16xi32>, vector<16xi32>, vector<16xi32>, vector<16xi32>], vector<16xf32>,
      %mul3A_931 = arith.mulf %gather3A_929, %gather3A_930 : vector<16xf32>
      %add3A_932 = arith.addf %add3A_925, %mul3A_931 : vector<16xf32>
      %add3A_933 = arith.constant 32 : i32
      %add3A_934 = vector.broadcast %add3A_933 : i32 to vector<16xi32>
      %add3A_935 = arith.addi %mul3A_713, %add3A_934 : vector<16xi32>
      %gather3A_936 = tpu.vector_load_idx %arg13[%add3A_704, %iota3A, %get3A_708, %add3A_935] : memref<2x16x8x64xf32, #tpu.memory_space<vmem>>[vector<16xi32>, vector<16xi32>, vector<16xi32>, vector<16xi32>], vector<16xf32>,
      %gather3A_937 = tpu.vector_load_idx %arg14[%add3A_704, %iota3A, %get3A_710, %add3A_935] : memref<2x16x8x64xf32, #tpu.memory_space<vmem>>[vector<16xi32>, vector<16xi32>, vector<16xi32>, vector<16xi32>], vector<16xf32>,
      %mul3A_938 = arith.mulf %gather3A_936, %gather3A_937 : vector<16xf32>
      %add3A_939 = arith.addf %add3A_932, %mul3A_938 : vector<16xf32>
      %add3A_940 = arith.constant 33 : i32
      %add3A_941 = vector.broadcast %add3A_940 : i32 to vector<16xi32>
      %add3A_942 = arith.addi %mul3A_713, %add3A_941 : vector<16xi32>
      %gather3A_943 = tpu.vector_load_idx %arg13[%add3A_704, %iota3A, %get3A_708, %add3A_942] : memref<2x16x8x64xf32, #tpu.memory_space<vmem>>[vector<16xi32>, vector<16xi32>, vector<16xi32>, vector<16xi32>], vector<16xf32>,
      %gather3A_944 = tpu.vector_load_idx %arg14[%add3A_704, %iota3A, %get3A_710, %add3A_942] : memref<2x16x8x64xf32, #tpu.memory_space<vmem>>[vector<16xi32>, vector<16xi32>, vector<16xi32>, vector<16xi32>], vector<16xf32>,
      %mul3A_945 = arith.mulf %gather3A_943, %gather3A_944 : vector<16xf32>
      %add3A_946 = arith.addf %add3A_939, %mul3A_945 : vector<16xf32>
      %add3A_947 = arith.constant 34 : i32
      %add3A_948 = vector.broadcast %add3A_947 : i32 to vector<16xi32>
      %add3A_949 = arith.addi %mul3A_713, %add3A_948 : vector<16xi32>
      %gather3A_950 = tpu.vector_load_idx %arg13[%add3A_704, %iota3A, %get3A_708, %add3A_949] : memref<2x16x8x64xf32, #tpu.memory_space<vmem>>[vector<16xi32>, vector<16xi32>, vector<16xi32>, vector<16xi32>], vector<16xf32>,
      %gather3A_951 = tpu.vector_load_idx %arg14[%add3A_704, %iota3A, %get3A_710, %add3A_949] : memref<2x16x8x64xf32, #tpu.memory_space<vmem>>[vector<16xi32>, vector<16xi32>, vector<16xi32>, vector<16xi32>], vector<16xf32>,
      %mul3A_952 = arith.mulf %gather3A_950, %gather3A_951 : vector<16xf32>
      %add3A_953 = arith.addf %add3A_946, %mul3A_952 : vector<16xf32>
      %add3A_954 = arith.constant 35 : i32
      %add3A_955 = vector.broadcast %add3A_954 : i32 to vector<16xi32>
      %add3A_956 = arith.addi %mul3A_713, %add3A_955 : vector<16xi32>
      %gather3A_957 = tpu.vector_load_idx %arg13[%add3A_704, %iota3A, %get3A_708, %add3A_956] : memref<2x16x8x64xf32, #tpu.memory_space<vmem>>[vector<16xi32>, vector<16xi32>, vector<16xi32>, vector<16xi32>], vector<16xf32>,
      %gather3A_958 = tpu.vector_load_idx %arg14[%add3A_704, %iota3A, %get3A_710, %add3A_956] : memref<2x16x8x64xf32, #tpu.memory_space<vmem>>[vector<16xi32>, vector<16xi32>, vector<16xi32>, vector<16xi32>], vector<16xf32>,
      %mul3A_959 = arith.mulf %gather3A_957, %gather3A_958 : vector<16xf32>
      %add3A_960 = arith.addf %add3A_953, %mul3A_959 : vector<16xf32>
      %add3A_961 = arith.constant 36 : i32
      %add3A_962 = vector.broadcast %add3A_961 : i32 to vector<16xi32>
      %add3A_963 = arith.addi %mul3A_713, %add3A_962 : vector<16xi32>
      %gather3A_964 = tpu.vector_load_idx %arg13[%add3A_704, %iota3A, %get3A_708, %add3A_963] : memref<2x16x8x64xf32, #tpu.memory_space<vmem>>[vector<16xi32>, vector<16xi32>, vector<16xi32>, vector<16xi32>], vector<16xf32>,
      %gather3A_965 = tpu.vector_load_idx %arg14[%add3A_704, %iota3A, %get3A_710, %add3A_963] : memref<2x16x8x64xf32, #tpu.memory_space<vmem>>[vector<16xi32>, vector<16xi32>, vector<16xi32>, vector<16xi32>], vector<16xf32>,
      %mul3A_966 = arith.mulf %gather3A_964, %gather3A_965 : vector<16xf32>
      %add3A_967 = arith.addf %add3A_960, %mul3A_966 : vector<16xf32>
      %add3A_968 = arith.constant 37 : i32
      %add3A_969 = vector.broadcast %add3A_968 : i32 to vector<16xi32>
      %add3A_970 = arith.addi %mul3A_713, %add3A_969 : vector<16xi32>
      %gather3A_971 = tpu.vector_load_idx %arg13[%add3A_704, %iota3A, %get3A_708, %add3A_970] : memref<2x16x8x64xf32, #tpu.memory_space<vmem>>[vector<16xi32>, vector<16xi32>, vector<16xi32>, vector<16xi32>], vector<16xf32>,
      %gather3A_972 = tpu.vector_load_idx %arg14[%add3A_704, %iota3A, %get3A_710, %add3A_970] : memref<2x16x8x64xf32, #tpu.memory_space<vmem>>[vector<16xi32>, vector<16xi32>, vector<16xi32>, vector<16xi32>], vector<16xf32>,
      %mul3A_973 = arith.mulf %gather3A_971, %gather3A_972 : vector<16xf32>
      %add3A_974 = arith.addf %add3A_967, %mul3A_973 : vector<16xf32>
      %add3A_975 = arith.constant 38 : i32
      %add3A_976 = vector.broadcast %add3A_975 : i32 to vector<16xi32>
      %add3A_977 = arith.addi %mul3A_713, %add3A_976 : vector<16xi32>
      %gather3A_978 = tpu.vector_load_idx %arg13[%add3A_704, %iota3A, %get3A_708, %add3A_977] : memref<2x16x8x64xf32, #tpu.memory_space<vmem>>[vector<16xi32>, vector<16xi32>, vector<16xi32>, vector<16xi32>], vector<16xf32>,
      %gather3A_979 = tpu.vector_load_idx %arg14[%add3A_704, %iota3A, %get3A_710, %add3A_977] : memref<2x16x8x64xf32, #tpu.memory_space<vmem>>[vector<16xi32>, vector<16xi32>, vector<16xi32>, vector<16xi32>], vector<16xf32>,
      %mul3A_980 = arith.mulf %gather3A_978, %gather3A_979 : vector<16xf32>
      %add3A_981 = arith.addf %add3A_974, %mul3A_980 : vector<16xf32>
      %add3A_982 = arith.constant 39 : i32
      %add3A_983 = vector.broadcast %add3A_982 : i32 to vector<16xi32>
      %add3A_984 = arith.addi %mul3A_713, %add3A_983 : vector<16xi32>
      %gather3A_985 = tpu.vector_load_idx %arg13[%add3A_704, %iota3A, %get3A_708, %add3A_984] : memref<2x16x8x64xf32, #tpu.memory_space<vmem>>[vector<16xi32>, vector<16xi32>, vector<16xi32>, vector<16xi32>], vector<16xf32>,
      %gather3A_986 = tpu.vector_load_idx %arg14[%add3A_704, %iota3A, %get3A_710, %add3A_984] : memref<2x16x8x64xf32, #tpu.memory_space<vmem>>[vector<16xi32>, vector<16xi32>, vector<16xi32>, vector<16xi32>], vector<16xf32>,
      %mul3A_987 = arith.mulf %gather3A_985, %gather3A_986 : vector<16xf32>
      %add3A_988 = arith.addf %add3A_981, %mul3A_987 : vector<16xf32>
      %add3A_989 = arith.constant 40 : i32
      %add3A_990 = vector.broadcast %add3A_989 : i32 to vector<16xi32>
      %add3A_991 = arith.addi %mul3A_713, %add3A_990 : vector<16xi32>
      %gather3A_992 = tpu.vector_load_idx %arg13[%add3A_704, %iota3A, %get3A_708, %add3A_991] : memref<2x16x8x64xf32, #tpu.memory_space<vmem>>[vector<16xi32>, vector<16xi32>, vector<16xi32>, vector<16xi32>], vector<16xf32>,
      %gather3A_993 = tpu.vector_load_idx %arg14[%add3A_704, %iota3A, %get3A_710, %add3A_991] : memref<2x16x8x64xf32, #tpu.memory_space<vmem>>[vector<16xi32>, vector<16xi32>, vector<16xi32>, vector<16xi32>], vector<16xf32>,
      %mul3A_994 = arith.mulf %gather3A_992, %gather3A_993 : vector<16xf32>
      %add3A_995 = arith.addf %add3A_988, %mul3A_994 : vector<16xf32>
      %add3A_996 = arith.constant 41 : i32
      %add3A_997 = vector.broadcast %add3A_996 : i32 to vector<16xi32>
      %add3A_998 = arith.addi %mul3A_713, %add3A_997 : vector<16xi32>
      %gather3A_999 = tpu.vector_load_idx %arg13[%add3A_704, %iota3A, %get3A_708, %add3A_998] : memref<2x16x8x64xf32, #tpu.memory_space<vmem>>[vector<16xi32>, vector<16xi32>, vector<16xi32>, vector<16xi32>], vector<16xf32>,
      %gather3A_1000 = tpu.vector_load_idx %arg14[%add3A_704, %iota3A, %get3A_710, %add3A_998] : memref<2x16x8x64xf32, #tpu.memory_space<vmem>>[vector<16xi32>, vector<16xi32>, vector<16xi32>, vector<16xi32>], vector<16xf32>,
      %mul3A_1001 = arith.mulf %gather3A_999, %gather3A_1000 : vector<16xf32>
      %add3A_1002 = arith.addf %add3A_995, %mul3A_1001 : vector<16xf32>
      %add3A_1003 = arith.constant 42 : i32
      %add3A_1004 = vector.broadcast %add3A_1003 : i32 to vector<16xi32>
      %add3A_1005 = arith.addi %mul3A_713, %add3A_1004 : vector<16xi32>
      %gather3A_1006 = tpu.vector_load_idx %arg13[%add3A_704, %iota3A, %get3A_708, %add3A_1005] : memref<2x16x8x64xf32, #tpu.memory_space<vmem>>[vector<16xi32>, vector<16xi32>, vector<16xi32>, vector<16xi32>], vector<16xf32>,
      %gather3A_1007 = tpu.vector_load_idx %arg14[%add3A_704, %iota3A, %get3A_710, %add3A_1005] : memref<2x16x8x64xf32, #tpu.memory_space<vmem>>[vector<16xi32>, vector<16xi32>, vector<16xi32>, vector<16xi32>], vector<16xf32>,
      %mul3A_1008 = arith.mulf %gather3A_1006, %gather3A_1007 : vector<16xf32>
      %add3A_1009 = arith.addf %add3A_1002, %mul3A_1008 : vector<16xf32>
      %add3A_1010 = arith.constant 43 : i32
      %add3A_1011 = vector.broadcast %add3A_1010 : i32 to vector<16xi32>
      %add3A_1012 = arith.addi %mul3A_713, %add3A_1011 : vector<16xi32>
      %gather3A_1013 = tpu.vector_load_idx %arg13[%add3A_704, %iota3A, %get3A_708, %add3A_1012] : memref<2x16x8x64xf32, #tpu.memory_space<vmem>>[vector<16xi32>, vector<16xi32>, vector<16xi32>, vector<16xi32>], vector<16xf32>,
      %gather3A_1014 = tpu.vector_load_idx %arg14[%add3A_704, %iota3A, %get3A_710, %add3A_1012] : memref<2x16x8x64xf32, #tpu.memory_space<vmem>>[vector<16xi32>, vector<16xi32>, vector<16xi32>, vector<16xi32>], vector<16xf32>,
      %mul3A_1015 = arith.mulf %gather3A_1013, %gather3A_1014 : vector<16xf32>
      %add3A_1016 = arith.addf %add3A_1009, %mul3A_1015 : vector<16xf32>
      %add3A_1017 = arith.constant 44 : i32
      %add3A_1018 = vector.broadcast %add3A_1017 : i32 to vector<16xi32>
      %add3A_1019 = arith.addi %mul3A_713, %add3A_1018 : vector<16xi32>
      %gather3A_1020 = tpu.vector_load_idx %arg13[%add3A_704, %iota3A, %get3A_708, %add3A_1019] : memref<2x16x8x64xf32, #tpu.memory_space<vmem>>[vector<16xi32>, vector<16xi32>, vector<16xi32>, vector<16xi32>], vector<16xf32>,
      %gather3A_1021 = tpu.vector_load_idx %arg14[%add3A_704, %iota3A, %get3A_710, %add3A_1019] : memref<2x16x8x64xf32, #tpu.memory_space<vmem>>[vector<16xi32>, vector<16xi32>, vector<16xi32>, vector<16xi32>], vector<16xf32>,
      %mul3A_1022 = arith.mulf %gather3A_1020, %gather3A_1021 : vector<16xf32>
      %add3A_1023 = arith.addf %add3A_1016, %mul3A_1022 : vector<16xf32>
      %add3A_1024 = arith.constant 45 : i32
      %add3A_1025 = vector.broadcast %add3A_1024 : i32 to vector<16xi32>
      %add3A_1026 = arith.addi %mul3A_713, %add3A_1025 : vector<16xi32>
      %gather3A_1027 = tpu.vector_load_idx %arg13[%add3A_704, %iota3A, %get3A_708, %add3A_1026] : memref<2x16x8x64xf32, #tpu.memory_space<vmem>>[vector<16xi32>, vector<16xi32>, vector<16xi32>, vector<16xi32>], vector<16xf32>,
      %gather3A_1028 = tpu.vector_load_idx %arg14[%add3A_704, %iota3A, %get3A_710, %add3A_1026] : memref<2x16x8x64xf32, #tpu.memory_space<vmem>>[vector<16xi32>, vector<16xi32>, vector<16xi32>, vector<16xi32>], vector<16xf32>,
      %mul3A_1029 = arith.mulf %gather3A_1027, %gather3A_1028 : vector<16xf32>
      %add3A_1030 = arith.addf %add3A_1023, %mul3A_1029 : vector<16xf32>
      %add3A_1031 = arith.constant 46 : i32
      %add3A_1032 = vector.broadcast %add3A_1031 : i32 to vector<16xi32>
      %add3A_1033 = arith.addi %mul3A_713, %add3A_1032 : vector<16xi32>
      %gather3A_1034 = tpu.vector_load_idx %arg13[%add3A_704, %iota3A, %get3A_708, %add3A_1033] : memref<2x16x8x64xf32, #tpu.memory_space<vmem>>[vector<16xi32>, vector<16xi32>, vector<16xi32>, vector<16xi32>], vector<16xf32>,
      %gather3A_1035 = tpu.vector_load_idx %arg14[%add3A_704, %iota3A, %get3A_710, %add3A_1033] : memref<2x16x8x64xf32, #tpu.memory_space<vmem>>[vector<16xi32>, vector<16xi32>, vector<16xi32>, vector<16xi32>], vector<16xf32>,
      %mul3A_1036 = arith.mulf %gather3A_1034, %gather3A_1035 : vector<16xf32>
      %add3A_1037 = arith.addf %add3A_1030, %mul3A_1036 : vector<16xf32>
      %add3A_1038 = arith.constant 47 : i32
      %add3A_1039 = vector.broadcast %add3A_1038 : i32 to vector<16xi32>
      %add3A_1040 = arith.addi %mul3A_713, %add3A_1039 : vector<16xi32>
      %gather3A_1041 = tpu.vector_load_idx %arg13[%add3A_704, %iota3A, %get3A_708, %add3A_1040] : memref<2x16x8x64xf32, #tpu.memory_space<vmem>>[vector<16xi32>, vector<16xi32>, vector<16xi32>, vector<16xi32>], vector<16xf32>,
      %gather3A_1042 = tpu.vector_load_idx %arg14[%add3A_704, %iota3A, %get3A_710, %add3A_1040] : memref<2x16x8x64xf32, #tpu.memory_space<vmem>>[vector<16xi32>, vector<16xi32>, vector<16xi32>, vector<16xi32>], vector<16xf32>,
      %mul3A_1043 = arith.mulf %gather3A_1041, %gather3A_1042 : vector<16xf32>
      %add3A_1044 = arith.addf %add3A_1037, %mul3A_1043 : vector<16xf32>
      %add3A_1045 = arith.constant 48 : i32
      %add3A_1046 = vector.broadcast %add3A_1045 : i32 to vector<16xi32>
      %add3A_1047 = arith.addi %mul3A_713, %add3A_1046 : vector<16xi32>
      %gather3A_1048 = tpu.vector_load_idx %arg13[%add3A_704, %iota3A, %get3A_708, %add3A_1047] : memref<2x16x8x64xf32, #tpu.memory_space<vmem>>[vector<16xi32>, vector<16xi32>, vector<16xi32>, vector<16xi32>], vector<16xf32>,
      %gather3A_1049 = tpu.vector_load_idx %arg14[%add3A_704, %iota3A, %get3A_710, %add3A_1047] : memref<2x16x8x64xf32, #tpu.memory_space<vmem>>[vector<16xi32>, vector<16xi32>, vector<16xi32>, vector<16xi32>], vector<16xf32>,
      %mul3A_1050 = arith.mulf %gather3A_1048, %gather3A_1049 : vector<16xf32>
      %add3A_1051 = arith.addf %add3A_1044, %mul3A_1050 : vector<16xf32>
      %add3A_1052 = arith.constant 49 : i32
      %add3A_1053 = vector.broadcast %add3A_1052 : i32 to vector<16xi32>
      %add3A_1054 = arith.addi %mul3A_713, %add3A_1053 : vector<16xi32>
      %gather3A_1055 = tpu.vector_load_idx %arg13[%add3A_704, %iota3A, %get3A_708, %add3A_1054] : memref<2x16x8x64xf32, #tpu.memory_space<vmem>>[vector<16xi32>, vector<16xi32>, vector<16xi32>, vector<16xi32>], vector<16xf32>,
      %gather3A_1056 = tpu.vector_load_idx %arg14[%add3A_704, %iota3A, %get3A_710, %add3A_1054] : memref<2x16x8x64xf32, #tpu.memory_space<vmem>>[vector<16xi32>, vector<16xi32>, vector<16xi32>, vector<16xi32>], vector<16xf32>,
      %mul3A_1057 = arith.mulf %gather3A_1055, %gather3A_1056 : vector<16xf32>
      %add3A_1058 = arith.addf %add3A_1051, %mul3A_1057 : vector<16xf32>
      %add3A_1059 = arith.constant 50 : i32
      %add3A_1060 = vector.broadcast %add3A_1059 : i32 to vector<16xi32>
      %add3A_1061 = arith.addi %mul3A_713, %add3A_1060 : vector<16xi32>
      %gather3A_1062 = tpu.vector_load_idx %arg13[%add3A_704, %iota3A, %get3A_708, %add3A_1061] : memref<2x16x8x64xf32, #tpu.memory_space<vmem>>[vector<16xi32>, vector<16xi32>, vector<16xi32>, vector<16xi32>], vector<16xf32>,
      %gather3A_1063 = tpu.vector_load_idx %arg14[%add3A_704, %iota3A, %get3A_710, %add3A_1061] : memref<2x16x8x64xf32, #tpu.memory_space<vmem>>[vector<16xi32>, vector<16xi32>, vector<16xi32>, vector<16xi32>], vector<16xf32>,
      %mul3A_1064 = arith.mulf %gather3A_1062, %gather3A_1063 : vector<16xf32>
      %add3A_1065 = arith.addf %add3A_1058, %mul3A_1064 : vector<16xf32>
      %add3A_1066 = arith.constant 51 : i32
      %add3A_1067 = vector.broadcast %add3A_1066 : i32 to vector<16xi32>
      %add3A_1068 = arith.addi %mul3A_713, %add3A_1067 : vector<16xi32>
      %gather3A_1069 = tpu.vector_load_idx %arg13[%add3A_704, %iota3A, %get3A_708, %add3A_1068] : memref<2x16x8x64xf32, #tpu.memory_space<vmem>>[vector<16xi32>, vector<16xi32>, vector<16xi32>, vector<16xi32>], vector<16xf32>,
      %gather3A_1070 = tpu.vector_load_idx %arg14[%add3A_704, %iota3A, %get3A_710, %add3A_1068] : memref<2x16x8x64xf32, #tpu.memory_space<vmem>>[vector<16xi32>, vector<16xi32>, vector<16xi32>, vector<16xi32>], vector<16xf32>,
      %mul3A_1071 = arith.mulf %gather3A_1069, %gather3A_1070 : vector<16xf32>
      %add3A_1072 = arith.addf %add3A_1065, %mul3A_1071 : vector<16xf32>
      %add3A_1073 = arith.constant 52 : i32
      %add3A_1074 = vector.broadcast %add3A_1073 : i32 to vector<16xi32>
      %add3A_1075 = arith.addi %mul3A_713, %add3A_1074 : vector<16xi32>
      %gather3A_1076 = tpu.vector_load_idx %arg13[%add3A_704, %iota3A, %get3A_708, %add3A_1075] : memref<2x16x8x64xf32, #tpu.memory_space<vmem>>[vector<16xi32>, vector<16xi32>, vector<16xi32>, vector<16xi32>], vector<16xf32>,
      %gather3A_1077 = tpu.vector_load_idx %arg14[%add3A_704, %iota3A, %get3A_710, %add3A_1075] : memref<2x16x8x64xf32, #tpu.memory_space<vmem>>[vector<16xi32>, vector<16xi32>, vector<16xi32>, vector<16xi32>], vector<16xf32>,
      %mul3A_1078 = arith.mulf %gather3A_1076, %gather3A_1077 : vector<16xf32>
      %add3A_1079 = arith.addf %add3A_1072, %mul3A_1078 : vector<16xf32>
      %add3A_1080 = arith.constant 53 : i32
      %add3A_1081 = vector.broadcast %add3A_1080 : i32 to vector<16xi32>
      %add3A_1082 = arith.addi %mul3A_713, %add3A_1081 : vector<16xi32>
      %gather3A_1083 = tpu.vector_load_idx %arg13[%add3A_704, %iota3A, %get3A_708, %add3A_1082] : memref<2x16x8x64xf32, #tpu.memory_space<vmem>>[vector<16xi32>, vector<16xi32>, vector<16xi32>, vector<16xi32>], vector<16xf32>,
      %gather3A_1084 = tpu.vector_load_idx %arg14[%add3A_704, %iota3A, %get3A_710, %add3A_1082] : memref<2x16x8x64xf32, #tpu.memory_space<vmem>>[vector<16xi32>, vector<16xi32>, vector<16xi32>, vector<16xi32>], vector<16xf32>,
      %mul3A_1085 = arith.mulf %gather3A_1083, %gather3A_1084 : vector<16xf32>
      %add3A_1086 = arith.addf %add3A_1079, %mul3A_1085 : vector<16xf32>
      %add3A_1087 = arith.constant 54 : i32
      %add3A_1088 = vector.broadcast %add3A_1087 : i32 to vector<16xi32>
      %add3A_1089 = arith.addi %mul3A_713, %add3A_1088 : vector<16xi32>
      %gather3A_1090 = tpu.vector_load_idx %arg13[%add3A_704, %iota3A, %get3A_708, %add3A_1089] : memref<2x16x8x64xf32, #tpu.memory_space<vmem>>[vector<16xi32>, vector<16xi32>, vector<16xi32>, vector<16xi32>], vector<16xf32>,
      %gather3A_1091 = tpu.vector_load_idx %arg14[%add3A_704, %iota3A, %get3A_710, %add3A_1089] : memref<2x16x8x64xf32, #tpu.memory_space<vmem>>[vector<16xi32>, vector<16xi32>, vector<16xi32>, vector<16xi32>], vector<16xf32>,
      %mul3A_1092 = arith.mulf %gather3A_1090, %gather3A_1091 : vector<16xf32>
      %add3A_1093 = arith.addf %add3A_1086, %mul3A_1092 : vector<16xf32>
      %add3A_1094 = arith.constant 55 : i32
      %add3A_1095 = vector.broadcast %add3A_1094 : i32 to vector<16xi32>
      %add3A_1096 = arith.addi %mul3A_713, %add3A_1095 : vector<16xi32>
      %gather3A_1097 = tpu.vector_load_idx %arg13[%add3A_704, %iota3A, %get3A_708, %add3A_1096] : memref<2x16x8x64xf32, #tpu.memory_space<vmem>>[vector<16xi32>, vector<16xi32>, vector<16xi32>, vector<16xi32>], vector<16xf32>,
      %gather3A_1098 = tpu.vector_load_idx %arg14[%add3A_704, %iota3A, %get3A_710, %add3A_1096] : memref<2x16x8x64xf32, #tpu.memory_space<vmem>>[vector<16xi32>, vector<16xi32>, vector<16xi32>, vector<16xi32>], vector<16xf32>,
      %mul3A_1099 = arith.mulf %gather3A_1097, %gather3A_1098 : vector<16xf32>
      %add3A_1100 = arith.addf %add3A_1093, %mul3A_1099 : vector<16xf32>
      %add3A_1101 = arith.constant 56 : i32
      %add3A_1102 = vector.broadcast %add3A_1101 : i32 to vector<16xi32>
      %add3A_1103 = arith.addi %mul3A_713, %add3A_1102 : vector<16xi32>
      %gather3A_1104 = tpu.vector_load_idx %arg13[%add3A_704, %iota3A, %get3A_708, %add3A_1103] : memref<2x16x8x64xf32, #tpu.memory_space<vmem>>[vector<16xi32>, vector<16xi32>, vector<16xi32>, vector<16xi32>], vector<16xf32>,
      %gather3A_1105 = tpu.vector_load_idx %arg14[%add3A_704, %iota3A, %get3A_710, %add3A_1103] : memref<2x16x8x64xf32, #tpu.memory_space<vmem>>[vector<16xi32>, vector<16xi32>, vector<16xi32>, vector<16xi32>], vector<16xf32>,
      %mul3A_1106 = arith.mulf %gather3A_1104, %gather3A_1105 : vector<16xf32>
      %add3A_1107 = arith.addf %add3A_1100, %mul3A_1106 : vector<16xf32>
      %add3A_1108 = arith.constant 57 : i32
      %add3A_1109 = vector.broadcast %add3A_1108 : i32 to vector<16xi32>
      %add3A_1110 = arith.addi %mul3A_713, %add3A_1109 : vector<16xi32>
      %gather3A_1111 = tpu.vector_load_idx %arg13[%add3A_704, %iota3A, %get3A_708, %add3A_1110] : memref<2x16x8x64xf32, #tpu.memory_space<vmem>>[vector<16xi32>, vector<16xi32>, vector<16xi32>, vector<16xi32>], vector<16xf32>,
      %gather3A_1112 = tpu.vector_load_idx %arg14[%add3A_704, %iota3A, %get3A_710, %add3A_1110] : memref<2x16x8x64xf32, #tpu.memory_space<vmem>>[vector<16xi32>, vector<16xi32>, vector<16xi32>, vector<16xi32>], vector<16xf32>,
      %mul3A_1113 = arith.mulf %gather3A_1111, %gather3A_1112 : vector<16xf32>
      %add3A_1114 = arith.addf %add3A_1107, %mul3A_1113 : vector<16xf32>
      %add3A_1115 = arith.constant 58 : i32
      %add3A_1116 = vector.broadcast %add3A_1115 : i32 to vector<16xi32>
      %add3A_1117 = arith.addi %mul3A_713, %add3A_1116 : vector<16xi32>
      %gather3A_1118 = tpu.vector_load_idx %arg13[%add3A_704, %iota3A, %get3A_708, %add3A_1117] : memref<2x16x8x64xf32, #tpu.memory_space<vmem>>[vector<16xi32>, vector<16xi32>, vector<16xi32>, vector<16xi32>], vector<16xf32>,
      %gather3A_1119 = tpu.vector_load_idx %arg14[%add3A_704, %iota3A, %get3A_710, %add3A_1117] : memref<2x16x8x64xf32, #tpu.memory_space<vmem>>[vector<16xi32>, vector<16xi32>, vector<16xi32>, vector<16xi32>], vector<16xf32>,
      %mul3A_1120 = arith.mulf %gather3A_1118, %gather3A_1119 : vector<16xf32>
      %add3A_1121 = arith.addf %add3A_1114, %mul3A_1120 : vector<16xf32>
      %add3A_1122 = arith.constant 59 : i32
      %add3A_1123 = vector.broadcast %add3A_1122 : i32 to vector<16xi32>
      %add3A_1124 = arith.addi %mul3A_713, %add3A_1123 : vector<16xi32>
      %gather3A_1125 = tpu.vector_load_idx %arg13[%add3A_704, %iota3A, %get3A_708, %add3A_1124] : memref<2x16x8x64xf32, #tpu.memory_space<vmem>>[vector<16xi32>, vector<16xi32>, vector<16xi32>, vector<16xi32>], vector<16xf32>,
      %gather3A_1126 = tpu.vector_load_idx %arg14[%add3A_704, %iota3A, %get3A_710, %add3A_1124] : memref<2x16x8x64xf32, #tpu.memory_space<vmem>>[vector<16xi32>, vector<16xi32>, vector<16xi32>, vector<16xi32>], vector<16xf32>,
      %mul3A_1127 = arith.mulf %gather3A_1125, %gather3A_1126 : vector<16xf32>
      %add3A_1128 = arith.addf %add3A_1121, %mul3A_1127 : vector<16xf32>
      %add3A_1129 = arith.constant 60 : i32
      %add3A_1130 = vector.broadcast %add3A_1129 : i32 to vector<16xi32>
      %add3A_1131 = arith.addi %mul3A_713, %add3A_1130 : vector<16xi32>
      %gather3A_1132 = tpu.vector_load_idx %arg13[%add3A_704, %iota3A, %get3A_708, %add3A_1131] : memref<2x16x8x64xf32, #tpu.memory_space<vmem>>[vector<16xi32>, vector<16xi32>, vector<16xi32>, vector<16xi32>], vector<16xf32>,
      %gather3A_1133 = tpu.vector_load_idx %arg14[%add3A_704, %iota3A, %get3A_710, %add3A_1131] : memref<2x16x8x64xf32, #tpu.memory_space<vmem>>[vector<16xi32>, vector<16xi32>, vector<16xi32>, vector<16xi32>], vector<16xf32>,
      %mul3A_1134 = arith.mulf %gather3A_1132, %gather3A_1133 : vector<16xf32>
      %add3A_1135 = arith.addf %add3A_1128, %mul3A_1134 : vector<16xf32>
      %add3A_1136 = arith.constant 61 : i32
      %add3A_1137 = vector.broadcast %add3A_1136 : i32 to vector<16xi32>
      %add3A_1138 = arith.addi %mul3A_713, %add3A_1137 : vector<16xi32>
      %gather3A_1139 = tpu.vector_load_idx %arg13[%add3A_704, %iota3A, %get3A_708, %add3A_1138] : memref<2x16x8x64xf32, #tpu.memory_space<vmem>>[vector<16xi32>, vector<16xi32>, vector<16xi32>, vector<16xi32>], vector<16xf32>,
      %gather3A_1140 = tpu.vector_load_idx %arg14[%add3A_704, %iota3A, %get3A_710, %add3A_1138] : memref<2x16x8x64xf32, #tpu.memory_space<vmem>>[vector<16xi32>, vector<16xi32>, vector<16xi32>, vector<16xi32>], vector<16xf32>,
      %mul3A_1141 = arith.mulf %gather3A_1139, %gather3A_1140 : vector<16xf32>
      %add3A_1142 = arith.addf %add3A_1135, %mul3A_1141 : vector<16xf32>
      %add3A_1143 = arith.constant 62 : i32
      %add3A_1144 = vector.broadcast %add3A_1143 : i32 to vector<16xi32>
      %add3A_1145 = arith.addi %mul3A_713, %add3A_1144 : vector<16xi32>
      %gather3A_1146 = tpu.vector_load_idx %arg13[%add3A_704, %iota3A, %get3A_708, %add3A_1145] : memref<2x16x8x64xf32, #tpu.memory_space<vmem>>[vector<16xi32>, vector<16xi32>, vector<16xi32>, vector<16xi32>], vector<16xf32>,
      %gather3A_1147 = tpu.vector_load_idx %arg14[%add3A_704, %iota3A, %get3A_710, %add3A_1145] : memref<2x16x8x64xf32, #tpu.memory_space<vmem>>[vector<16xi32>, vector<16xi32>, vector<16xi32>, vector<16xi32>], vector<16xf32>,
      %mul3A_1148 = arith.mulf %gather3A_1146, %gather3A_1147 : vector<16xf32>
      %add3A_1149 = arith.addf %add3A_1142, %mul3A_1148 : vector<16xf32>
      %add3A_1150 = arith.constant 63 : i32
      %add3A_1151 = vector.broadcast %add3A_1150 : i32 to vector<16xi32>
      %add3A_1152 = arith.addi %mul3A_713, %add3A_1151 : vector<16xi32>
      %gather3A_1153 = tpu.vector_load_idx %arg13[%add3A_704, %iota3A, %get3A_708, %add3A_1152] : memref<2x16x8x64xf32, #tpu.memory_space<vmem>>[vector<16xi32>, vector<16xi32>, vector<16xi32>, vector<16xi32>], vector<16xf32>,
      %gather3A_1154 = tpu.vector_load_idx %arg14[%add3A_704, %iota3A, %get3A_710, %add3A_1152] : memref<2x16x8x64xf32, #tpu.memory_space<vmem>>[vector<16xi32>, vector<16xi32>, vector<16xi32>, vector<16xi32>], vector<16xf32>,
      %mul3A_1155 = arith.mulf %gather3A_1153, %gather3A_1154 : vector<16xf32>
      %add3A_1156 = arith.addf %add3A_1149, %mul3A_1155 : vector<16xf32>
      %swap3A = arith.index_cast %mul3A_706 : i32 to index
      %swap3A_1157 = tpu.vector_load %arg15[%swap3A] {strides = array<i32>} : memref<512xf32, #tpu.memory_space<vmem>>, vector<16xf32>,
      tpu.vector_store %arg15[%swap3A], %add3A_1156 {strides = array<i32>} : memref<512xf32, #tpu.memory_space<vmem>>, vector<16xf32>,
      %scan3A_1158 = arith.constant 0 : i32
      scf.yield %scan3A_1158 : i32
    }
    %scan3A_646 = arith.constant 32 : i32
    %mul3A_647 = arith.constant 512 : i32
    %mul3A_648 = arith.muli %add3A, %mul3A_647 : i32
    "tpu.region"() ({
      %run_scoped3A = tpu.sem_alloc : memref<!tpu.dma_semaphore, #tpu.memory_space<semaphore_mem>>
      %dma_start3A_649 = tpu.memref_slice %arg8[%mul3A_648] : memref<16384xf32, #tpu.memory_space<hbm>> -> memref<512xf32, #tpu.memory_space<hbm>>
      %dma_start3A_650 = tpu.memref_slice %arg8[%mul3A_648] : memref<16384xf32, #tpu.memory_space<hbm>> -> memref<512xf32, #tpu.memory_space<hbm>>
      tpu.enqueue_dma source(%arg15 : memref<512xf32, #tpu.memory_space<vmem>>) target(%dma_start3A_650 : memref<512xf32, #tpu.memory_space<hbm>>) target_semaphore(%run_scoped3A : memref<!tpu.dma_semaphore, #tpu.memory_space<semaphore_mem>>)
      %dma_wait3A = tpu.memref_slice %arg8[%mul3A_648] : memref<16384xf32, #tpu.memory_space<hbm>> -> memref<512xf32, #tpu.memory_space<hbm>>
      %dma_wait3A_651 = tpu.memref_slice %arg8[%mul3A_648] : memref<16384xf32, #tpu.memory_space<hbm>> -> memref<512xf32, #tpu.memory_space<hbm>>
      tpu.wait_dma2 semaphore(%run_scoped3A : memref<!tpu.dma_semaphore, #tpu.memory_space<semaphore_mem>>) src(%arg15 : memref<512xf32, #tpu.memory_space<vmem>>) dst(%dma_wait3A_651 : memref<512xf32, #tpu.memory_space<hbm>>)
      tpu.yield
    }) : () -> ()
    return
  }
}

</mosaic_0001>

<sc_bundles>
// kernel: _run.3.cloned.1.call-start
scs
__scs_entry_jumppad:
0x0: {  	(pc) =	sbr.rel $0x88, $3  }
0x1: {  	(tag) =	ssettag $0x0;
	lr =	simm.s32 $0x1  }
0x2: {  	[smem:$0x3F9D] =	sst lr;
	_ =	strace $0xD0000000  }
0x3: {  	_ = 	snop  }
0x4: {  	_ = 	snop  }
0x5: {  	_ = 	snop  }
0x6: {  	_ = 	snop  }
0x7: {  	_ = 	snop  }
__scs_overlays_trampoline_lowered:
0x8: {  	[smem:$0x3FAC] =	sst s0  }
0x9: {  	[smem:$0x3FAD] =	sst s1  }
0xa: {  	[smem:$0x3FAE] =	sst s2  }
0xb: {  	[smem:$0x3FAF] =	sst s3  }
0xc: {  	[smem:$0x3FB0] =	sst s4  }
0xd: {  	[smem:$0x3FB1] =	sst s5  }
0xe: {  	[smem:$0x3FB2] =	sst s6  }
0xf: {  	[smem:$0x3FB3] =	sst s7  }
0x10: {  	[smem:$0x3FB4] =	sst s8  }
0x11: {  	[smem:$0x3FB5] =	sst s9;
	s0 =	simm.s32 @!p0 $0x0  }
0x12: {  	s1 =	sld [smem:$0x3F9B];
	s0 =	simm.s32 @p0 $0x1  }
0x13: {  	[smem:$0x3FB6] =	sst s0;
	s0 =	simm.s32 @!p1 $0x0  }
0x14: {  	s2 =	sld [smem:$0x3F9A];
	s0 =	simm.s32 @p1 $0x1  }
0x15: {  	[smem:$0x3FB7] =	sst s0;
	s0 =	simm.s32 @!p2 $0x0  }
0x16: {  	s3 =	sld [smem:$0x3FDB];
	s0 =	simm.s32 @p2 $0x1  }
0x17: {  	s4 =	simm.s32 $0x1BF5;
	[smem:$0x3FB9] =	sst s0  }
0x18: {  	s0 =	sld [smem:$0x3F9C];
	_ =	swait.ge [sflag:s4], $0x0  }
0x19: {  	s7 =	sld [smem:$0x3F9D]  }
0x1a: {  	s8 =	sadd.s32 $0xFFFFE003, lr  }
0x1b: {  	s9 =	sadd.s32 $0xFFFFFEF7, lr;
	s5 =	simm.s32 $0xFFFFFFFF;
	p2 =	slt.u32 s8, $0xFFFFF086  }
0x1c: {  	p1 =	slt.u32 s9, $0xF7A;
	s5 =	simm.s32 @!p2 $0x0  }
0x1d: {  	s5 =	simm.s32 @p1 $0x1;
	p0 =	seq.s32 s7, s2  }
0x1e: {  	s7 =	smul.u32 @!p0 $0xF7A, s2;
	p2 =	seq.s32 @!p0 s5, $0x0  }
0x1f: {  	s9 =	smul.u32 $0xF7A, s1;
	s8 =	simm.s32 @!p0 $0x1BF5;
	p2 =	por !p2, p0  }
0x20: {  	[sflag:s8] =	ssyncset.s32 @!p0 $0xFFFFF086;
	s6 =	sadd.s32 @!p0 s3, s7;
	s7 =	simm.s32 @!p0 $0x108  }
0x21: {  	s3 =	sadd.s32 s3, s9;
	s6 =	sadd.s32 @!p0 $0x88, s6;
	s7 =	simm.s32 @p2 $0x1082  }
0x22: {  	[simem:s7], [sflag:s8] =	dma.local @!p0 [hbm:s6], $0xF7A  }
0x23: {  	s9 =	sor.u32 $0xD0000000, s2;
	s6 =	simm.s32 $0x108;
	_ =	swait.ge @!p0 [sflag:s8], $0x0  }
0x24: {  	s3 =	sadd.s32 $0x88, s3;
	s6 =	simm.s32 @!p1 $0x1082;
	[sflag:s4] =	ssyncset.s32 $0xFFFFF086  }
0x25: {  	[simem:s6], [sflag:s4] =	dma.local [hbm:s3], $0xF7A  }
0x26: {  	[smem:$0x3F9D] =	sst s1;
	(tag) =	ssettag s2;
	_ =	strace s9  }
0x27: {  	s1 =	sld [smem:$0x3FAD]  }
0x28: {  	s2 =	sld [smem:$0x3FAE]  }
0x29: {  	s4 =	sld [smem:$0x3FB0]  }
0x2a: {  	p0 =	seq.s32 s5, $0x0;
	s5 =	sld [smem:$0x3FB1]  }
0x2b: {  	s6 =	sld [smem:$0x3FB2]  }
0x2c: {  	s7 =	sld [smem:$0x3FB3]  }
0x2d: {  	s3 =	simm.s32 $0x108;
	s8 =	sld [smem:$0x3FB4]  }
0x2e: {  	s3 =	simm.s32 @!p0 $0x1082;
	s9 =	sld [smem:$0x3FB5]  }
0x2f: {  	lr =	sadd.s32 s0, s3;
	s0 =	sld [smem:$0x3FAC]  }
0x30: {  	s3 =	sld [smem:$0x3FAF]  }
0x31: {  	[smem:$0x3FB8] =	sst s10  }
0x32: {  	s10 =	sld [smem:$0x3FB6];
	_ =	sdelay $0x3  }
0x33: {  	p0 =	seq.s32 s10, $0x1;
	s10 =	sld [smem:$0x3FB8];
	_ =	sdelay $0x3  }
0x34: {  	[smem:$0x3FB8] =	sst s10  }
0x35: {  	s10 =	sld [smem:$0x3FB7];
	_ =	sdelay $0x3  }
0x36: {  	p1 =	seq.s32 s10, $0x1;
	s10 =	sld [smem:$0x3FB8];
	_ =	sdelay $0x3  }
0x37: {  	[smem:$0x3FB8] =	sst s10  }
0x38: {  	s10 =	sld [smem:$0x3FB9]  }
0x39: {  	_ = 	snop;
	(pc) =	sbr.ind lr, $3  }
0x3a: {  	_ = 	snop  }
0x3b: {  	_ = 	snop  }
0x3c: {  	p2 =	seq.s32 s10, $0x1;
	s10 =	sld [smem:$0x3FB8]  }
0x3d: {  	_ =	shalt  }
0x3e: {  	_ =	shalt  }
0x3f: {  	_ =	shalt  }
0x40: {  	_ =	shalt  }
0x41: {  	_ =	shalt  }
0x42: {  	_ =	shalt  }
0x43: {  	_ =	shalt  }
0x44: {  	_ =	shalt  }
0x45: {  	_ =	shalt  }
0x46: {  	_ =	shalt  }
0x47: {  	_ =	shalt  }
0x48: {  	_ =	shalt  }
0x49: {  	_ =	shalt  }
0x4a: {  	_ =	shalt  }
0x4b: {  	_ =	shalt  }
0x4c: {  	_ =	shalt  }
0x4d: {  	_ =	shalt  }
0x4e: {  	_ =	shalt  }
0x4f: {  	_ =	shalt  }
0x50: {  	_ =	shalt  }
0x51: {  	_ =	shalt  }
0x52: {  	_ =	shalt  }
0x53: {  	_ =	shalt  }
0x54: {  	_ =	shalt  }
0x55: {  	_ =	shalt  }
0x56: {  	_ =	shalt  }
0x57: {  	_ =	shalt  }
0x58: {  	_ =	shalt  }
0x59: {  	_ =	shalt  }
0x5a: {  	_ =	shalt  }
0x5b: {  	_ =	shalt  }
0x5c: {  	_ =	shalt  }
0x5d: {  	_ =	shalt  }
0x5e: {  	_ =	shalt  }
0x5f: {  	_ =	shalt  }
0x60: {  	_ =	shalt  }
0x61: {  	_ =	shalt  }
0x62: {  	_ =	shalt  }
0x63: {  	_ =	shalt  }
0x64: {  	_ =	shalt  }
0x65: {  	_ =	shalt  }
0x66: {  	_ =	shalt  }
0x67: {  	_ =	shalt  }
0x68: {  	_ =	shalt  }
0x69: {  	_ =	shalt  }
0x6a: {  	_ =	shalt  }
0x6b: {  	_ =	shalt  }
0x6c: {  	_ =	shalt  }
0x6d: {  	_ =	shalt  }
0x6e: {  	_ =	shalt  }
0x6f: {  	_ =	shalt  }
0x70: {  	_ =	shalt  }
0x71: {  	_ =	shalt  }
0x72: {  	_ =	shalt  }
0x73: {  	_ =	shalt  }
0x74: {  	_ =	shalt  }
0x75: {  	_ =	shalt  }
0x76: {  	_ =	shalt  }
0x77: {  	_ =	shalt  }
0x78: {  	_ =	shalt  }
0x79: {  	_ =	shalt  }
0x7a: {  	_ =	shalt  }
0x7b: {  	_ =	shalt  }
0x7c: {  	_ =	shalt  }
0x7d: {  	_ =	shalt  }
0x7e: {  	_ =	shalt  }
0x7f: {  	_ =	shalt  }
0x80: {  	_ =	shalt  }
0x81: {  	_ =	shalt  }
0x82: {  	_ =	shalt  }
0x83: {  	_ =	shalt  }
0x84: {  	_ =	shalt  }
0x85: {  	_ =	shalt  }
0x86: {  	_ =	shalt  }
0x87: {  	_ =	shalt  }
.Lfunc_end0:
.L_simem_size_0:
called_computation_lowered:
.L_overlay_start_0:
0x88: {  	s2 =	sld [smem:$0x3FD9]  }
0x89: {  	s3 =	sld [smem:$0x3FFE];
	_ =	sdelay $0x1  }
0x8a: {  	s1 =	srdreg.scid  }
0x8b: {  	s0 =	sand.u32 $0x1, s1  }
0x8c: {  	s17 =	sshll.u32 s0, $0xA;
	s2 =	sadd.s32 s3, s2  }
0x8d: {  	s2 =	sadd.s32 s2, s17  }
0x8e: {  	[smem:$0x3FC4] =	sst s2  }
0x8f: {  	_ = 	snop  }
0x90: {  	s2 =	sld [smem:$0x3FD0];
	(tm) =	ssettm $0x1  }
0x91: {  	s18 =	sld [smem:$0x3FFB];
	_ =	sdelay $0x3  }
0x92: {  	_ =	strace s18  }
0x93: {  	s3 =	sld [smem:$0x3FFC];
	_ =	sdelay $0x3  }
0x94: {  	_ =	strace s3  }
0x95: {  	s3 =	sld [smem:$0x3FFD];
	_ =	sdelay $0x3  }
0x96: {  	_ =	strace s3  }
0x97: {  	_ =	strace $0x8FFFFFFF  }
0x98: {  	s19 =	sld [smem:$0x3FDB];
	_ =	sdelay $0x1  }
0x99: {  	s4 =	simm.s32 $_scs_section_size  }
0x9a: {  	s5 =	simm.s32 $_size__tile_overlayer_lowered;
	s6 =	simm.s32 $_tile_overlayer_lowered  }
0x9b: {  	s22 =	simm.s32 $0x1BFF;
	s21 =	sshll.u32 s6, $0x1;
	s3 =	sadd.s32 s4, s19  }
0x9c: {  	s7 =	simm.s32 $0x0;
	s20 =	sshll.u32 s5, $0x1;
	s5 =	sadd.s32 s21, s3  }
0x9d: {  	[timem:s7], [sflag:s22] =	dma.local [hbm:s5], s20  }
0x9e: {  	_ =	swait.ge [sflag:s22], s20  }
0x9f: {  	s4 =	ssub.s32 $0x0, s20;
	[sflag:s22] =	ssyncset.done $0x0  }
0xa0: {  	[sflag:s22] =	ssyncadd.s32 s4;
	_ =	sdelay $0x1  }
0xa1: {  	s23 =	simm.s32 $0x1B8B  }
0xa2: {  	_ =	swait.ge [sflag:s23], $0x1  }
0xa3: {  	[sflag:s23] =	ssyncset.done $0x0  }
0xa4: {  	s25 =	simm.s32 $0x1B8E;
	s24 =	sld [smem:$0x3FFE];
	[sflag:s23] =	ssyncadd.s32 $0xFFFFFFFF  }
0xa5: {  	s26 =	simm.s32 $execute0_lowered;
	[smem:$0x3FD2] =	sst s25  }
0xa6: {  	s5 =	sshll.u32 s26, $0x1;
	_ =	strace $0x80000046;
	[dreg:$0x1] =	wrdreg $0xFFFFFFFF  }
0xa7: {  	s28 =	simm.s32 $_size_execute0_lowered;
	s3 =	sadd.s32 s3, s5;
	[dreg:$0x0] =	wrdreg $0x0  }
0xa8: {  	s5 =	sshll.u32 s28, $0x1;
	[dreg:$0x2] =	wrdreg s3  }
0xa9: {  	[dreg:$0x3] =	wrdreg s5  }
0xaa: {  	[dreg:$0x4] =	wrdreg $0xC0  }
0xab: {  	_ =	task [dreg:s7], $0x5FFFF  }
0xac: {  	[dreg:$0x1] =	wrdreg $0xFFFFFFFF  }
0xad: {  	[dreg:$0x0] =	wrdreg $0x60  }
0xae: {  	[dreg:$0x2] =	wrdreg s24  }
0xaf: {  	[dreg:$0x3] =	wrdreg s2  }
0xb0: {  	[dreg:$0x4] =	wrdreg $0x9  }
0xb1: {  	_ =	task.clear_ibuf [dreg:s7], $0x5FFFF;
	_ =	strace $0x90000046  }
0xb2: {  	s29 =	simm.s32 $0x9;
	_ =	strace $0x80000048  }
0xb3: {  	_ =	swait.ge [sflag:s29], $0x1  }
0xb4: {  	[sflag:s29] =	ssyncadd.s32 $0xFFFFFFFF  }
0xb5: {  	_ =	strace $0x90000048  }
0xb6: {  	_ =	sfence  }
0xb7: {  	s30 =	sld [smem:$0x0];
	_ =	sdelay $0x2  }
0xb8: {  	s31 =	sshll.u32 s1, $0xD;
	s1 =	sshrl.u32 s1, $0x2  }
0xb9: {  	s3 =	sand.u32 $0x4000, s31;
	s1 =	sadd.s32 s1, s30  }
0xba: {  	s0 =	sor.u32 s3, s0;
	s1 =	sshll.u32 s1, $0x11  }
0xbb: {  	s0 =	sor.u32 s1, s0  }
0xbc: {  	s0 =	sadd.s32 $0x8F2B, s0  }
0xbd: {  	[sflag:s0] =	ssyncadd.remote.s32 $0x1  }
0xbe: {  	_ =	sfence.sel $0xFFFF  }
0xbf: {  	[dreg:$0x0] =	wrdreg $0xFFFFFFFF;
	(pc) =	sbr.abs _section_cstart, $3  }
0xc0: {  	[dreg:$0x1] =	wrdreg $0xFFFFFFFF  }
0xc1: {  	_ =	task.clear_ibuf [dreg:s7], $0x2FFFF;
	_ =	strace $0x9FFFFFFF  }
0xc2: {  	(tm) =	ssettm $0x7FFFFFFF  }
0xc3: {  	_ =	shalt  }
tec
execute0_lowered:
.L_overlay_start_1:
0x0: {  	(tag) =	ssettag $0x1  }
0x1: {  	s0 =	srdreg.scid;
	s4 =	rddreg [dreg:$0x0]  }
0x2: {  	s2 =	stileid.u32;
	s9 =	rddreg [dreg:$0x1];
	s11 =	simm.s32 $0x80  }
0x3: {  	s12 =	simm.s32 $0x400;
	s13 =	simm.s32 $0x3;
	s16 =	simm.s32 $0x800  }
0x4: {  	s17 =	simm.s32 $0x8800;
	s23 =	simm.s32 $0x3800;
	s24 =	simm.s32 $0xB800  }
0x5: {  	s25 =	simm.s32 $0x3C00;
	s28 =	simm.s32 $0xC000;
	s29 =	simm.s32 $0x4400  }
0x6: {  	s30 =	simm.s32 $0xC400;
	s31 =	simm.s32 $0x1;
	s0 =	sand.u32 $0x1, s0  }
0x7: {  	s1 =	sshll.u32 s2, $0x1;
	s3 =	sshll.u32 s2, $0x7;
	s2 =	simm.s32 $0x0  }
0x8: {  	s14 =	simm.s32 $0x0;
	s1 =	sor.u32 s0, s1;
	[smem:$0x7FF] =	sst s2  }
0x9: {  	s0 =	ssub.s32 $0x2, s0;
	s5 =	sshll.u32 s1, $0x4;
	_ =	strace $0x80000047  }
0xa: {  	s26 =	sshrl.u32 s0, $0x1;
	s1 =	sshll.u32 s1, $0x6;
	s3 =	sor.u32 s3, s5  }
.Ltmp0:
0xb: {  	s0 =	ssub.s32 s0, s26;
	s9 =	sadd.s32 s9, s1;
	(pc) =	sbr.rel .LBB2_1-.Ltmp0, $4  }
0xc: {  	s26 =	simm.s32 $0xBC00;
	s1 =	simm.s32 $0x2;
	s3 =	sand.u32 $0x670, s3  }
0xd: {  	s10 =	smax.u32 s0, $0x1;
	s0 =	simm.s32 $0x10800;
	s8 =	sadd.s32 s3, s4  }
0xe: {  	v0 =	vlaneseq.u32;
	s3 =	sadd.s32 $0x2800, s4;
	s4 =	sadd.s32 $0xF44C00, s4;
	s5 =	sadd.s32 $0x1000, s8  }
0xf: {  	v0 =	vmul.u32 $0x400, v0;
	s6 =	sadd.s32 $0x2000, s8;
	s7 =	sadd.s32 $0x800, s8;
	s8 =	sadd.s32 $0x1800, s8  }
.LBB2_5:
0x10: {  	s14 =	sadd.s32 $0x1, s14  }
0x11: {  	p0 =	sne.s32 s14, s10  }
.Ltmp1:
0x12: {  	_ = 	snop;
	(pc) =	sbr.rel @!p0 .LBB2_6-.Ltmp1, $4  }
0x13: {  	[hbm4b:s9+s2] =	stream.linear.scatter [tilespmem:s0], [sflag:$0x3], $0x200, $0x38;
	[tilespmem:$0x10A00] =	vst v63  }
0x14: {  	_ =	swait.ge [sflag:s13], $0x200  }
0x15: {  	[sflag:s13] =	ssyncset.done $0x0  }
0x16: {  	[sflag:s13] =	ssyncadd.s32 $0xFFFFFE00  }
.LBB2_1:
0x17: {  	[tilespmem:s2], [sflag:$0x3] =	stream.strided.gather [hbm4b:s5+s11], $0x200, s12, s11, $0x38;
	[tilespmem:$0x10A00] =	vst v63  }
0x18: {  	_ =	swait.ge [sflag:s13], $0x200  }
0x19: {  	[sflag:s13] =	ssyncset.done $0x0  }
0x1a: {  	s15 =	simm.s32 $0x200;
	[sflag:s13] =	ssyncadd.s32 $0xFFFFFE00  }
0x1b: {  	[tilespmem:s15], [sflag:$0x3] =	stream.strided.gather [hbm4b:s6+s11], $0x200, s12, s11, $0x38;
	[tilespmem:$0x10A00] =	vst v63  }
0x1c: {  	_ =	swait.ge [sflag:s13], $0x200  }
0x1d: {  	[sflag:s13] =	ssyncset.done $0x0  }
0x1e: {  	[sflag:s13] =	ssyncadd.s32 $0xFFFFFE00  }
0x1f: {  	[tilespmem:s12], [sflag:$0x3] =	stream.strided.gather [hbm4b:s7+s11], $0x200, s12, s11, $0x38;
	[tilespmem:$0x10A00] =	vst v63  }
0x20: {  	_ =	swait.ge [sflag:s13], $0x200  }
0x21: {  	[sflag:s13] =	ssyncset.done $0x0  }
0x22: {  	s22 =	simm.s32 $0x600;
	[sflag:s13] =	ssyncadd.s32 $0xFFFFFE00  }
0x23: {  	[tilespmem:s22], [sflag:$0x3] =	stream.strided.gather [hbm4b:s8+s11], $0x200, s12, s11, $0x38;
	[tilespmem:$0x10A00] =	vst v63  }
0x24: {  	_ =	swait.ge [sflag:s13], $0x200  }
0x25: {  	[sflag:s13] =	ssyncset.done $0x0  }
0x26: {  	[sflag:s13] =	ssyncadd.s32 $0xFFFFFE00  }
0x27: {  	v1 =	vld [tilespmem:$0x0]  }
0x28: {  	v3 =	vld [tilespmem:$0x200];
	_ =	sdelay $0x3  }
0x29: {  	v2 =	vshll.u32 v1, $0x7  }
0x2a: {  	v1 =	vshll.u32 v3, $0x7;
	(v2sf) =	vpush v2, $0x0  }
0x2b: {  	(v2sf) =	vpush v1, $0x0;
	_ =	sdelay $0x5  }
0x2c: {  	(v2sf) =	vpush v2, $0x1;
	_ =	sdelay $0x1  }
0x2d: {  	(v2sf) =	vpush v1, $0x1;
	_ =	sdelay $0x5  }
0x2e: {  	s18 =	spop (v2sf);
	(v2sf) =	vpush v2, $0x2  }
0x2f: {  	s19 =	spop (v2sf);
	(v2sf) =	vpush v1, $0x2;
	_ =	sdelay $0x4  }
0x30: {  	s15 =	sand.u32 $0x1FFFFF80, s18  }
0x31: {  	s15 =	sadd.s32 s3, s15;
	s20 =	spop (v2sf);
	(v2sf) =	vpush v2, $0x3  }
0x32: {  	[tilespmem:s16], [sflag:$0x1] =	stream.linear.gather [hbm4b:s15+s2], $0x400, $0x38;
	[tilespmem:$0x10A00] =	vst v63  }
0x33: {  	s15 =	sand.u32 $0x1FFFFF80, s19;
	s21 =	spop (v2sf);
	(v2sf) =	vpush v1, $0x3  }
0x34: {  	s15 =	sadd.s32 s4, s15  }
0x35: {  	[tilespmem:s17], [sflag:$0x2] =	stream.linear.gather [hbm4b:s15+s2], $0x400, $0x38;
	[tilespmem:$0x10A00] =	vst v63  }
0x36: {  	s15 =	sand.u32 $0x1FFFFF80, s20  }
0x37: {  	s18 =	simm.s32 $0xC00;
	s15 =	sadd.s32 s3, s15  }
0x38: {  	[tilespmem:s18], [sflag:$0x1] =	stream.linear.gather [hbm4b:s15+s2], $0x400, $0x38;
	[tilespmem:$0x10A00] =	vst v63  }
0x39: {  	s19 =	spop (v2sf);
	(v2sf) =	vpush v2, $0x4  }
0x3a: {  	s15 =	sand.u32 $0x1FFFFF80, s21;
	s21 =	spop (v2sf);
	(v2sf) =	vpush v1, $0x4;
	_ =	sdelay $0x2  }
0x3b: {  	s22 =	simm.s32 $0x8C00;
	s15 =	sadd.s32 s4, s15  }
0x3c: {  	[tilespmem:s22], [sflag:$0x2] =	stream.linear.gather [hbm4b:s15+s2], $0x400, $0x38;
	[tilespmem:$0x10A00] =	vst v63  }
0x3d: {  	s15 =	sand.u32 $0x1FFFFF80, s19  }
0x3e: {  	s20 =	simm.s32 $0x1000;
	s15 =	sadd.s32 s3, s15;
	s19 =	spop (v2sf);
	(v2sf) =	vpush v2, $0x5  }
0x3f: {  	[tilespmem:s20], [sflag:$0x1] =	stream.linear.gather [hbm4b:s15+s2], $0x400, $0x38;
	[tilespmem:$0x10A00] =	vst v63  }
0x40: {  	s15 =	sand.u32 $0x1FFFFF80, s21;
	s21 =	spop (v2sf);
	(v2sf) =	vpush v1, $0x5  }
0x41: {  	s22 =	simm.s32 $0x9000;
	s15 =	sadd.s32 s4, s15  }
0x42: {  	[tilespmem:s22], [sflag:$0x2] =	stream.linear.gather [hbm4b:s15+s2], $0x400, $0x38;
	[tilespmem:$0x10A00] =	vst v63  }
0x43: {  	s15 =	sand.u32 $0x1FFFFF80, s19  }
0x44: {  	s20 =	simm.s32 $0x1400;
	s15 =	sadd.s32 s3, s15  }
0x45: {  	[tilespmem:s20], [sflag:$0x1] =	stream.linear.gather [hbm4b:s15+s2], $0x400, $0x38;
	[tilespmem:$0x10A00] =	vst v63  }
0x46: {  	s19 =	spop (v2sf);
	(v2sf) =	vpush v2, $0x6  }
0x47: {  	s15 =	sand.u32 $0x1FFFFF80, s21;
	s21 =	spop (v2sf);
	(v2sf) =	vpush v1, $0x6;
	_ =	sdelay $0x2  }
0x48: {  	s22 =	simm.s32 $0x9400;
	s15 =	sadd.s32 s4, s15  }
0x49: {  	[tilespmem:s22], [sflag:$0x2] =	stream.linear.gather [hbm4b:s15+s2], $0x400, $0x38;
	[tilespmem:$0x10A00] =	vst v63  }
0x4a: {  	s15 =	sand.u32 $0x1FFFFF80, s19  }
0x4b: {  	s20 =	simm.s32 $0x1800;
	s15 =	sadd.s32 s3, s15;
	s19 =	spop (v2sf);
	(v2sf) =	vpush v2, $0x7  }
0x4c: {  	[tilespmem:s20], [sflag:$0x1] =	stream.linear.gather [hbm4b:s15+s2], $0x400, $0x38;
	[tilespmem:$0x10A00] =	vst v63  }
0x4d: {  	s15 =	sand.u32 $0x1FFFFF80, s21;
	s21 =	spop (v2sf);
	(v2sf) =	vpush v1, $0x7  }
0x4e: {  	s22 =	simm.s32 $0x9800;
	s15 =	sadd.s32 s4, s15  }
0x4f: {  	[tilespmem:s22], [sflag:$0x2] =	stream.linear.gather [hbm4b:s15+s2], $0x400, $0x38;
	[tilespmem:$0x10A00] =	vst v63  }
0x50: {  	s15 =	sand.u32 $0x1FFFFF80, s19  }
0x51: {  	s20 =	simm.s32 $0x1C00;
	s15 =	sadd.s32 s3, s15  }
0x52: {  	[tilespmem:s20], [sflag:$0x1] =	stream.linear.gather [hbm4b:s15+s2], $0x400, $0x38;
	[tilespmem:$0x10A00] =	vst v63  }
0x53: {  	s19 =	spop (v2sf);
	(v2sf) =	vpush v2, $0x8  }
0x54: {  	s15 =	sand.u32 $0x1FFFFF80, s21;
	s21 =	spop (v2sf);
	(v2sf) =	vpush v1, $0x8;
	_ =	sdelay $0x2  }
0x55: {  	s22 =	simm.s32 $0x9C00;
	s15 =	sadd.s32 s4, s15  }
0x56: {  	[tilespmem:s22], [sflag:$0x2] =	stream.linear.gather [hbm4b:s15+s2], $0x400, $0x38;
	[tilespmem:$0x10A00] =	vst v63  }
0x57: {  	s15 =	sand.u32 $0x1FFFFF80, s19  }
0x58: {  	s20 =	simm.s32 $0x2000;
	s15 =	sadd.s32 s3, s15;
	s19 =	spop (v2sf);
	(v2sf) =	vpush v2, $0x9  }
0x59: {  	[tilespmem:s20], [sflag:$0x1] =	stream.linear.gather [hbm4b:s15+s2], $0x400, $0x38;
	[tilespmem:$0x10A00] =	vst v63  }
0x5a: {  	s15 =	sand.u32 $0x1FFFFF80, s21;
	s21 =	spop (v2sf);
	(v2sf) =	vpush v1, $0x9  }
0x5b: {  	s22 =	simm.s32 $0xA000;
	s15 =	sadd.s32 s4, s15  }
0x5c: {  	[tilespmem:s22], [sflag:$0x2] =	stream.linear.gather [hbm4b:s15+s2], $0x400, $0x38;
	[tilespmem:$0x10A00] =	vst v63  }
0x5d: {  	s15 =	sand.u32 $0x1FFFFF80, s19  }
0x5e: {  	s20 =	simm.s32 $0x2400;
	s15 =	sadd.s32 s3, s15  }
0x5f: {  	[tilespmem:s20], [sflag:$0x1] =	stream.linear.gather [hbm4b:s15+s2], $0x400, $0x38;
	[tilespmem:$0x10A00] =	vst v63  }
0x60: {  	s19 =	spop (v2sf);
	(v2sf) =	vpush v2, $0xA  }
0x61: {  	s15 =	sand.u32 $0x1FFFFF80, s21;
	s21 =	spop (v2sf);
	(v2sf) =	vpush v1, $0xA;
	_ =	sdelay $0x2  }
0x62: {  	s22 =	simm.s32 $0xA400;
	s15 =	sadd.s32 s4, s15  }
0x63: {  	[tilespmem:s22], [sflag:$0x2] =	stream.linear.gather [hbm4b:s15+s2], $0x400, $0x38;
	[tilespmem:$0x10A00] =	vst v63  }
0x64: {  	s15 =	sand.u32 $0x1FFFFF80, s19  }
0x65: {  	s20 =	simm.s32 $0x2800;
	s15 =	sadd.s32 s3, s15;
	s19 =	spop (v2sf);
	(v2sf) =	vpush v2, $0xB  }
0x66: {  	[tilespmem:s20], [sflag:$0x1] =	stream.linear.gather [hbm4b:s15+s2], $0x400, $0x38;
	[tilespmem:$0x10A00] =	vst v63  }
0x67: {  	s15 =	sand.u32 $0x1FFFFF80, s21;
	s21 =	spop (v2sf);
	(v2sf) =	vpush v1, $0xB  }
0x68: {  	s22 =	simm.s32 $0xA800;
	s15 =	sadd.s32 s4, s15  }
0x69: {  	[tilespmem:s22], [sflag:$0x2] =	stream.linear.gather [hbm4b:s15+s2], $0x400, $0x38;
	[tilespmem:$0x10A00] =	vst v63  }
0x6a: {  	s15 =	sand.u32 $0x1FFFFF80, s19  }
0x6b: {  	s20 =	simm.s32 $0x2C00;
	s15 =	sadd.s32 s3, s15  }
0x6c: {  	[tilespmem:s20], [sflag:$0x1] =	stream.linear.gather [hbm4b:s15+s2], $0x400, $0x38;
	[tilespmem:$0x10A00] =	vst v63  }
0x6d: {  	s15 =	sand.u32 $0x1FFFFF80, s21;
	s19 =	spop (v2sf);
	(v2sf) =	vpush v2, $0xC  }
0x6e: {  	s22 =	simm.s32 $0xAC00;
	s15 =	sadd.s32 s4, s15;
	s21 =	spop (v2sf);
	(v2sf) =	vpush v1, $0xC  }
0x6f: {  	[tilespmem:s22], [sflag:$0x2] =	stream.linear.gather [hbm4b:s15+s2], $0x400, $0x38;
	[tilespmem:$0x10A00] =	vst v63  }
0x70: {  	s15 =	sand.u32 $0x1FFFFF80, s19  }
0x71: {  	s20 =	simm.s32 $0x3000;
	s15 =	sadd.s32 s3, s15  }
0x72: {  	[tilespmem:s20], [sflag:$0x1] =	stream.linear.gather [hbm4b:s15+s2], $0x400, $0x38;
	[tilespmem:$0x10A00] =	vst v63  }
0x73: {  	(v2sf) =	vpush v2, $0xD;
	s15 =	sand.u32 $0x1FFFFF80, s21  }
0x74: {  	s22 =	simm.s32 $0xB000;
	s19 =	spop (v2sf);
	s15 =	sadd.s32 s4, s15  }
0x75: {  	(v2sf) =	vpush v1, $0xD;
	[tilespmem:s22], [sflag:$0x2] =	stream.linear.gather [hbm4b:s15+s2], $0x400, $0x38;
	[tilespmem:$0x10A00] =	vst v63  }
0x76: {  	s21 =	spop (v2sf);
	(v2sf) =	vpush v2, $0xE;
	s15 =	sand.u32 $0x1FFFFF80, s19  }
0x77: {  	s20 =	simm.s32 $0x3400;
	s15 =	sadd.s32 s3, s15  }
0x78: {  	[tilespmem:s20], [sflag:$0x1] =	stream.linear.gather [hbm4b:s15+s2], $0x400, $0x38;
	[tilespmem:$0x10A00] =	vst v63  }
0x79: {  	s15 =	sand.u32 $0x1FFFFF80, s21  }
0x7a: {  	s22 =	simm.s32 $0xB400;
	s15 =	sadd.s32 s4, s15  }
0x7b: {  	[tilespmem:s22], [sflag:$0x2] =	stream.linear.gather [hbm4b:s15+s2], $0x400, $0x38;
	[tilespmem:$0x10A00] =	vst v63  }
0x7c: {  	s19 =	spop (v2sf);
	(v2sf) =	vpush v1, $0xE  }
0x7d: {  	s20 =	spop (v2sf);
	(v2sf) =	vpush v2, $0xF  }
0x7e: {  	s15 =	sand.u32 $0x1FFFFF80, s19  }
0x7f: {  	s15 =	sadd.s32 s3, s15  }
0x80: {  	[tilespmem:s23], [sflag:$0x1] =	stream.linear.gather [hbm4b:s15+s2], $0x400, $0x38;
	[tilespmem:$0x10A00] =	vst v63  }
0x81: {  	s15 =	sand.u32 $0x1FFFFF80, s20  }
0x82: {  	s21 =	spop (v2sf);
	(v2sf) =	vpush v1, $0xF;
	s15 =	sadd.s32 s4, s15  }
0x83: {  	[tilespmem:s24], [sflag:$0x2] =	stream.linear.gather [hbm4b:s15+s2], $0x400, $0x38;
	[tilespmem:$0x10A00] =	vst v63  }
0x84: {  	s22 =	spop (v2sf);
	s15 =	sand.u32 $0x1FFFFF80, s21  }
0x85: {  	s19 =	sand.u32 $0x1FFFFF80, s22;
	s20 =	spop (v2sf);
	s15 =	sadd.s32 s3, s15  }
0x86: {  	[tilespmem:s25], [sflag:$0x1] =	stream.linear.gather [hbm4b:s15+s2], $0x400, $0x38;
	[tilespmem:$0x10A00] =	vst v63  }
0x87: {  	s21 =	sand.u32 $0x1FFFFF80, s20;
	s15 =	sadd.s32 s4, s19  }
0x88: {  	[tilespmem:s26], [sflag:$0x2] =	stream.linear.gather [hbm4b:s15+s2], $0x400, $0x38;
	[tilespmem:$0x10A00] =	vst v63  }
0x89: {  	s19 =	sadd.s32 s3, s21;
	s15 =	simm.s32 $0x4000  }
0x8a: {  	[tilespmem:s15], [sflag:$0x1] =	stream.linear.gather [hbm4b:s19+s2], $0x400, $0x38;
	[tilespmem:$0x10A00] =	vst v63  }
0x8b: {  	s22 =	spop (v2sf)  }
0x8c: {  	s18 =	sand.u32 $0x1FFFFF80, s22;
	s20 =	spop (v2sf)  }
0x8d: {  	s18 =	sadd.s32 s4, s18;
	s21 =	sand.u32 $0x1FFFFF80, s20  }
0x8e: {  	[tilespmem:s28], [sflag:$0x2] =	stream.linear.gather [hbm4b:s18+s2], $0x400, $0x38;
	[tilespmem:$0x10A00] =	vst v63  }
0x8f: {  	s18 =	sadd.s32 s3, s21  }
0x90: {  	[tilespmem:s29], [sflag:$0x1] =	stream.linear.gather [hbm4b:s18+s2], $0x400, $0x38;
	[tilespmem:$0x10A00] =	vst v63  }
.Ltmp2:
0x91: {  	s22 =	spop (v2sf);
	(pc) =	sbr.rel .LBB2_2-.Ltmp2, $4  }
0x92: {  	s18 =	sand.u32 $0x1FFFFF80, s22  }
0x93: {  	s18 =	sadd.s32 s4, s18  }
0x94: {  	[tilespmem:s30], [sflag:$0x2] =	stream.linear.gather [hbm4b:s18+s2], $0x400, $0x38;
	[tilespmem:$0x10A00] =	vst v63  }
0x95: {  	s19 =	simm.s32 $0x0;
	s18 =	simm.s32 $0x0  }
.LBB2_4:
0x96: {  	_ =	swait.ge [sflag:s31], $0x4000  }
0x97: {  	[sflag:s31] =	ssyncset.done $0x0  }
0x98: {  	[sflag:s31] =	ssyncadd.s32 $0xFFFFC000  }
0x99: {  	_ =	swait.ge [sflag:s1], $0x4000  }
0x9a: {  	[sflag:s1] =	ssyncset.done $0x0  }
0x9b: {  	s20 =	sshra.s32 s18, $0x2;
	[sflag:s1] =	ssyncadd.s32 $0xFFFFC000  }
0x9c: {  	v1 =	vld [tilespmem:s20+$0x400]  }
0x9d: {  	v3 =	vld [tilespmem:s20+$0x600];
	_ =	sdelay $0x1  }
0x9e: {  	s21 =	sand.u32 $0x1, s19  }
0x9f: {  	s21 =	sshll.u32 s21, $0xE  }
0xa0: {  	v4 =	vor.u32 s21, v0;
	v1 =	vshll.u32 v1, $0x7  }
0xa1: {  	v2 =	vadd.s32 v4, v1;
	v1 =	vshll.u32 v3, $0x7  }
0xa2: {  	v1 =	vadd.s32 v4, v1  }
0xa3: {  	v3 =	vor.u32 $0x1, v2  }
0xa4: {  	v4 =	vor.u32 $0x1, v1  }
0xa5: {  	v5 =	vor.u32 $0x2, v2  }
0xa6: {  	v7 =	vor.u32 $0x2, v1;
	v6 =	vld.idx.msk [tilespmem:v2+s16+$0x0], $0xffff  }
0xa7: {  	v9 =	vor.u32 $0x3, v2;
	v8 =	vld.idx.msk [tilespmem:v1+s17+$0x0], $0xffff  }
0xa8: {  	v10 =	vor.u32 $0x3, v1;
	v3 =	vld.idx.msk [tilespmem:v3+s16+$0x0], $0xffff  }
0xa9: {  	v11 =	vor.u32 $0x4, v2;
	v4 =	vld.idx.msk [tilespmem:v4+s17+$0x0], $0xffff  }
0xaa: {  	v12 =	vor.u32 $0x4, v1;
	v5 =	vld.idx.msk [tilespmem:v5+s16+$0x0], $0xffff  }
0xab: {  	v13 =	vor.u32 $0x5, v2;
	v7 =	vld.idx.msk [tilespmem:v7+s17+$0x0], $0xffff  }
0xac: {  	v14 =	vor.u32 $0x5, v1;
	v9 =	vld.idx.msk [tilespmem:v9+s16+$0x0], $0xffff  }
0xad: {  	v15 =	vor.u32 $0x6, v2;
	v10 =	vld.idx.msk [tilespmem:v10+s17+$0x0], $0xffff  }
0xae: {  	v61 =	vor.u32 $0x6, v1;
	v60 =	vld.idx.msk [tilespmem:v11+s16+$0x0], $0xffff;
	v6 =	vmul.f32 v8, v6;
	v3 =	vmul.f32 v4, v3  }
0xaf: {  	v63 =	vor.u32 $0x7, v2;
	v62 =	vld.idx.msk [tilespmem:v12+s17+$0x0], $0xffff  }
0xb0: {  	v19 =	vor.u32 $0x7, v1;
	v18 =	vld.idx.msk [tilespmem:v13+s16+$0x0], $0xffff;
	v5 =	vmul.f32 v7, v5;
	v3 =	vadd.f32 v3, v6  }
0xb1: {  	v21 =	vor.u32 $0x8, v2;
	v20 =	vld.idx.msk [tilespmem:v14+s17+$0x0], $0xffff  }
0xb2: {  	v24 =	vor.u32 $0x8, v1;
	v23 =	vld.idx.msk [tilespmem:v15+s16+$0x0], $0xffff;
	v22 =	vmul.f32 v10, v9;
	v3 =	vadd.f32 v5, v3  }
0xb3: {  	v25 =	vor.u32 $0x9, v2;
	v8 =	vld.idx.msk [tilespmem:v61+s17+$0x0], $0xffff  }
0xb4: {  	v27 =	vor.u32 $0x9, v1;
	v26 =	vld.idx.msk [tilespmem:v63+s16+$0x0], $0xffff;
	v4 =	vmul.f32 v62, v60;
	v3 =	vadd.f32 v22, v3  }
0xb5: {  	v28 =	vor.u32 $0xA, v2;
	v7 =	vld.idx.msk [tilespmem:v19+s17+$0x0], $0xffff  }
0xb6: {  	v31 =	vor.u32 $0xA, v1;
	v30 =	vld.idx.msk [tilespmem:v21+s16+$0x0], $0xffff;
	v29 =	vmul.f32 v20, v18;
	v3 =	vadd.f32 v4, v3  }
0xb7: {  	v32 =	vor.u32 $0xB, v2;
	v10 =	vld.idx.msk [tilespmem:v24+s17+$0x0], $0xffff  }
0xb8: {  	v35 =	vor.u32 $0xB, v1;
	v34 =	vld.idx.msk [tilespmem:v25+s16+$0x0], $0xffff;
	v33 =	vmul.f32 v8, v23;
	v3 =	vadd.f32 v29, v3  }
0xb9: {  	v36 =	vor.u32 $0xC, v2;
	v11 =	vld.idx.msk [tilespmem:v27+s17+$0x0], $0xffff  }
0xba: {  	v39 =	vor.u32 $0xC, v1;
	v38 =	vld.idx.msk [tilespmem:v28+s16+$0x0], $0xffff;
	v37 =	vmul.f32 v7, v26;
	v3 =	vadd.f32 v33, v3  }
0xbb: {  	v41 =	vor.u32 $0xD, v2;
	v40 =	vld.idx.msk [tilespmem:v31+s17+$0x0], $0xffff  }
0xbc: {  	v44 =	vor.u32 $0xD, v1;
	v43 =	vld.idx.msk [tilespmem:v32+s16+$0x0], $0xffff;
	v42 =	vmul.f32 v10, v30;
	v3 =	vadd.f32 v37, v3  }
0xbd: {  	v45 =	vor.u32 $0xE, v2;
	v9 =	vld.idx.msk [tilespmem:v35+s17+$0x0], $0xffff  }
0xbe: {  	v48 =	vor.u32 $0xE, v1;
	v47 =	vld.idx.msk [tilespmem:v36+s16+$0x0], $0xffff;
	v46 =	vmul.f32 v11, v34;
	v3 =	vadd.f32 v42, v3  }
0xbf: {  	v49 =	vor.u32 $0xF, v2;
	v7 =	vld.idx.msk [tilespmem:v39+s17+$0x0], $0xffff  }
0xc0: {  	v52 =	vor.u32 $0xF, v1;
	v51 =	vld.idx.msk [tilespmem:v41+s16+$0x0], $0xffff;
	v50 =	vmul.f32 v40, v38;
	v3 =	vadd.f32 v46, v3  }
0xc1: {  	v53 =	vor.u32 $0x10, v2;
	v10 =	vld.idx.msk [tilespmem:v44+s17+$0x0], $0xffff  }
0xc2: {  	v56 =	vor.u32 $0x10, v1;
	v55 =	vld.idx.msk [tilespmem:v45+s16+$0x0], $0xffff;
	v54 =	vmul.f32 v9, v43;
	v3 =	vadd.f32 v50, v3  }
0xc3: {  	v57 =	vor.u32 $0x11, v2;
	v11 =	vld.idx.msk [tilespmem:v48+s17+$0x0], $0xffff  }
0xc4: {  	v59 =	vld.idx.msk [tilespmem:v49+s16+$0x0], $0xffff;
	v60 =	vor.u32 $0x11, v1;
	v58 =	vmul.f32 v7, v47;
	v3 =	vadd.f32 v54, v3  }
0xc5: {  	v12 =	vld.idx.msk [tilespmem:v52+s17+$0x0], $0xffff;
	v61 =	vor.u32 $0x12, v2  }
0xc6: {  	v63 =	vld.idx.msk [tilespmem:v53+s16+$0x0], $0xffff;
	v18 =	vor.u32 $0x12, v1;
	v62 =	vmul.f32 v10, v51;
	v3 =	vadd.f32 v58, v3  }
0xc7: {  	v19 =	vor.u32 $0x13, v2;
	v9 =	vld.idx.msk [tilespmem:v56+s17+$0x0], $0xffff  }
0xc8: {  	v21 =	vld.idx.msk [tilespmem:v57+s16+$0x0], $0xffff;
	v20 =	vmul.f32 v11, v55;
	v22 =	vor.u32 $0x13, v1;
	v3 =	vadd.f32 v62, v3  }
0xc9: {  	v8 =	vld.idx.msk [tilespmem:v60+s17+$0x0], $0xffff;
	v26 =	vor.u32 $0x14, v1  }
0xca: {  	v24 =	vmul.f32 v12, v59;
	v23 =	vor.u32 $0x14, v2;
	v25 =	vld.idx.msk [tilespmem:v61+s16+$0x0], $0xffff;
	v3 =	vadd.f32 v20, v3  }
0xcb: {  	v30 =	vor.u32 $0x15, v1;
	v10 =	vld.idx.msk [tilespmem:v18+s17+$0x0], $0xffff  }
0xcc: {  	v27 =	vor.u32 $0x15, v2;
	v28 =	vmul.f32 v9, v63;
	v29 =	vld.idx.msk [tilespmem:v19+s16+$0x0], $0xffff;
	v3 =	vadd.f32 v24, v3  }
0xcd: {  	v31 =	vor.u32 $0x16, v2;
	v11 =	vld.idx.msk [tilespmem:v22+s17+$0x0], $0xffff  }
0xce: {  	v34 =	vor.u32 $0x16, v1;
	v32 =	vmul.f32 v8, v21;
	v12 =	vld.idx.msk [tilespmem:v26+s17+$0x0], $0xffff;
	v3 =	vadd.f32 v28, v3  }
0xcf: {  	v35 =	vor.u32 $0x17, v2;
	v33 =	vld.idx.msk [tilespmem:v23+s16+$0x0], $0xffff  }
0xd0: {  	v38 =	vor.u32 $0x17, v1;
	v9 =	vld.idx.msk [tilespmem:v30+s17+$0x0], $0xffff;
	v36 =	vmul.f32 v10, v25;
	v3 =	vadd.f32 v32, v3  }
0xd1: {  	v39 =	vor.u32 $0x18, v2;
	v37 =	vld.idx.msk [tilespmem:v27+s16+$0x0], $0xffff  }
0xd2: {  	v41 =	vld.idx.msk [tilespmem:v31+s16+$0x0], $0xffff;
	v40 =	vmul.f32 v11, v29;
	v42 =	vor.u32 $0x18, v1;
	v3 =	vadd.f32 v36, v3  }
0xd3: {  	v43 =	vor.u32 $0x19, v2;
	v8 =	vld.idx.msk [tilespmem:v34+s17+$0x0], $0xffff  }
0xd4: {  	v45 =	vld.idx.msk [tilespmem:v35+s16+$0x0], $0xffff;
	v44 =	vmul.f32 v12, v33;
	v46 =	vor.u32 $0x19, v1;
	v3 =	vadd.f32 v40, v3  }
0xd5: {  	v47 =	vor.u32 $0x1A, v2;
	v10 =	vld.idx.msk [tilespmem:v38+s17+$0x0], $0xffff  }
0xd6: {  	v49 =	vld.idx.msk [tilespmem:v39+s16+$0x0], $0xffff;
	v48 =	vmul.f32 v9, v37;
	v50 =	vor.u32 $0x1A, v1;
	v3 =	vadd.f32 v44, v3  }
0xd7: {  	v51 =	vor.u32 $0x1B, v2;
	v11 =	vld.idx.msk [tilespmem:v42+s17+$0x0], $0xffff  }
0xd8: {  	v53 =	vld.idx.msk [tilespmem:v43+s16+$0x0], $0xffff;
	v52 =	vmul.f32 v8, v41;
	v54 =	vor.u32 $0x1B, v1;
	v3 =	vadd.f32 v48, v3  }
0xd9: {  	v55 =	vor.u32 $0x1C, v2;
	v12 =	vld.idx.msk [tilespmem:v46+s17+$0x0], $0xffff  }
0xda: {  	v57 =	vld.idx.msk [tilespmem:v47+s16+$0x0], $0xffff;
	v56 =	vmul.f32 v10, v45;
	v58 =	vor.u32 $0x1C, v1;
	v3 =	vadd.f32 v52, v3  }
0xdb: {  	v59 =	vor.u32 $0x1D, v2;
	v9 =	vld.idx.msk [tilespmem:v50+s17+$0x0], $0xffff  }
0xdc: {  	v61 =	vld.idx.msk [tilespmem:v51+s16+$0x0], $0xffff;
	v60 =	vmul.f32 v11, v49;
	v62 =	vor.u32 $0x1D, v1;
	v3 =	vadd.f32 v56, v3  }
0xdd: {  	v63 =	vor.u32 $0x1E, v2;
	v8 =	vld.idx.msk [tilespmem:v54+s17+$0x0], $0xffff  }
0xde: {  	v19 =	vld.idx.msk [tilespmem:v55+s16+$0x0], $0xffff;
	v18 =	vmul.f32 v12, v53;
	v20 =	vor.u32 $0x1E, v1;
	v3 =	vadd.f32 v60, v3  }
0xdf: {  	v21 =	vor.u32 $0x1F, v2;
	v10 =	vld.idx.msk [tilespmem:v58+s17+$0x0], $0xffff  }
0xe0: {  	v23 =	vld.idx.msk [tilespmem:v59+s16+$0x0], $0xffff;
	v22 =	vmul.f32 v9, v57;
	v24 =	vor.u32 $0x1F, v1;
	v3 =	vadd.f32 v18, v3  }
0xe1: {  	v25 =	vor.u32 $0x20, v2;
	v11 =	vld.idx.msk [tilespmem:v62+s17+$0x0], $0xffff  }
0xe2: {  	v27 =	vld.idx.msk [tilespmem:v63+s16+$0x0], $0xffff;
	v26 =	vmul.f32 v8, v61;
	v28 =	vor.u32 $0x20, v1;
	v3 =	vadd.f32 v22, v3  }
0xe3: {  	v29 =	vor.u32 $0x21, v2;
	v12 =	vld.idx.msk [tilespmem:v20+s17+$0x0], $0xffff  }
0xe4: {  	v31 =	vld.idx.msk [tilespmem:v21+s16+$0x0], $0xffff;
	v30 =	vmul.f32 v10, v19;
	v32 =	vor.u32 $0x21, v1;
	v3 =	vadd.f32 v26, v3  }
0xe5: {  	v33 =	vor.u32 $0x22, v2;
	v9 =	vld.idx.msk [tilespmem:v24+s17+$0x0], $0xffff  }
0xe6: {  	v35 =	vld.idx.msk [tilespmem:v25+s16+$0x0], $0xffff;
	v34 =	vmul.f32 v11, v23;
	v36 =	vor.u32 $0x22, v1;
	v3 =	vadd.f32 v30, v3  }
0xe7: {  	v37 =	vor.u32 $0x23, v2;
	v8 =	vld.idx.msk [tilespmem:v28+s17+$0x0], $0xffff  }
0xe8: {  	v39 =	vld.idx.msk [tilespmem:v29+s16+$0x0], $0xffff;
	v38 =	vmul.f32 v12, v27;
	v40 =	vor.u32 $0x23, v1;
	v3 =	vadd.f32 v34, v3  }
0xe9: {  	v41 =	vor.u32 $0x24, v2;
	v10 =	vld.idx.msk [tilespmem:v32+s17+$0x0], $0xffff  }
0xea: {  	v43 =	vld.idx.msk [tilespmem:v33+s16+$0x0], $0xffff;
	v42 =	vmul.f32 v9, v31;
	v44 =	vor.u32 $0x24, v1;
	v3 =	vadd.f32 v38, v3  }
0xeb: {  	v45 =	vor.u32 $0x25, v2;
	v11 =	vld.idx.msk [tilespmem:v36+s17+$0x0], $0xffff  }
0xec: {  	v47 =	vld.idx.msk [tilespmem:v37+s16+$0x0], $0xffff;
	v46 =	vmul.f32 v8, v35;
	v48 =	vor.u32 $0x25, v1;
	v3 =	vadd.f32 v42, v3  }
0xed: {  	v49 =	vor.u32 $0x26, v2;
	v12 =	vld.idx.msk [tilespmem:v40+s17+$0x0], $0xffff  }
0xee: {  	v51 =	vld.idx.msk [tilespmem:v41+s16+$0x0], $0xffff;
	v50 =	vmul.f32 v10, v39;
	v52 =	vor.u32 $0x26, v1;
	v3 =	vadd.f32 v46, v3  }
0xef: {  	v53 =	vor.u32 $0x27, v2;
	v9 =	vld.idx.msk [tilespmem:v44+s17+$0x0], $0xffff  }
0xf0: {  	v55 =	vld.idx.msk [tilespmem:v45+s16+$0x0], $0xffff;
	v54 =	vmul.f32 v11, v43;
	v56 =	vor.u32 $0x27, v1;
	v3 =	vadd.f32 v50, v3  }
0xf1: {  	v57 =	vor.u32 $0x28, v2;
	v8 =	vld.idx.msk [tilespmem:v48+s17+$0x0], $0xffff  }
0xf2: {  	v59 =	vld.idx.msk [tilespmem:v49+s16+$0x0], $0xffff;
	v58 =	vmul.f32 v12, v47;
	v60 =	vor.u32 $0x28, v1;
	v3 =	vadd.f32 v54, v3  }
0xf3: {  	v61 =	vor.u32 $0x29, v2;
	v10 =	vld.idx.msk [tilespmem:v52+s17+$0x0], $0xffff  }
0xf4: {  	v63 =	vld.idx.msk [tilespmem:v53+s16+$0x0], $0xffff;
	v62 =	vmul.f32 v9, v51;
	v18 =	vor.u32 $0x29, v1;
	v3 =	vadd.f32 v58, v3  }
0xf5: {  	v19 =	vor.u32 $0x2A, v2;
	v11 =	vld.idx.msk [tilespmem:v56+s17+$0x0], $0xffff  }
0xf6: {  	v21 =	vld.idx.msk [tilespmem:v57+s16+$0x0], $0xffff;
	v20 =	vmul.f32 v8, v55;
	v22 =	vor.u32 $0x2A, v1;
	v3 =	vadd.f32 v62, v3  }
0xf7: {  	v23 =	vor.u32 $0x2B, v2;
	v12 =	vld.idx.msk [tilespmem:v60+s17+$0x0], $0xffff  }
0xf8: {  	v25 =	vld.idx.msk [tilespmem:v61+s16+$0x0], $0xffff;
	v24 =	vmul.f32 v10, v59;
	v26 =	vor.u32 $0x2B, v1;
	v3 =	vadd.f32 v20, v3  }
0xf9: {  	v27 =	vor.u32 $0x2C, v2;
	v9 =	vld.idx.msk [tilespmem:v18+s17+$0x0], $0xffff  }
0xfa: {  	v29 =	vld.idx.msk [tilespmem:v19+s16+$0x0], $0xffff;
	v28 =	vmul.f32 v11, v63;
	v30 =	vor.u32 $0x2C, v1;
	v3 =	vadd.f32 v24, v3  }
0xfb: {  	v31 =	vor.u32 $0x2D, v2;
	v8 =	vld.idx.msk [tilespmem:v22+s17+$0x0], $0xffff  }
0xfc: {  	v33 =	vld.idx.msk [tilespmem:v23+s16+$0x0], $0xffff;
	v32 =	vmul.f32 v12, v21;
	v34 =	vor.u32 $0x2D, v1;
	v3 =	vadd.f32 v28, v3  }
0xfd: {  	v35 =	vor.u32 $0x2E, v2;
	v10 =	vld.idx.msk [tilespmem:v26+s17+$0x0], $0xffff  }
0xfe: {  	v37 =	vld.idx.msk [tilespmem:v27+s16+$0x0], $0xffff;
	v36 =	vmul.f32 v9, v25;
	v38 =	vor.u32 $0x2E, v1;
	v3 =	vadd.f32 v32, v3  }
0xff: {  	v39 =	vor.u32 $0x2F, v2;
	v11 =	vld.idx.msk [tilespmem:v30+s17+$0x0], $0xffff  }
0x100: {  	v41 =	vld.idx.msk [tilespmem:v31+s16+$0x0], $0xffff;
	v40 =	vmul.f32 v8, v29;
	v42 =	vor.u32 $0x2F, v1;
	v3 =	vadd.f32 v36, v3  }
0x101: {  	v43 =	vor.u32 $0x30, v2;
	v12 =	vld.idx.msk [tilespmem:v34+s17+$0x0], $0xffff  }
0x102: {  	v45 =	vld.idx.msk [tilespmem:v35+s16+$0x0], $0xffff;
	v44 =	vmul.f32 v10, v33;
	v46 =	vor.u32 $0x30, v1;
	v3 =	vadd.f32 v40, v3  }
0x103: {  	v47 =	vor.u32 $0x31, v2;
	v9 =	vld.idx.msk [tilespmem:v38+s17+$0x0], $0xffff  }
0x104: {  	v49 =	vld.idx.msk [tilespmem:v39+s16+$0x0], $0xffff;
	v48 =	vmul.f32 v11, v37;
	v50 =	vor.u32 $0x31, v1;
	v3 =	vadd.f32 v44, v3  }
0x105: {  	v51 =	vor.u32 $0x32, v2;
	v8 =	vld.idx.msk [tilespmem:v42+s17+$0x0], $0xffff  }
0x106: {  	v53 =	vld.idx.msk [tilespmem:v43+s16+$0x0], $0xffff;
	v52 =	vmul.f32 v12, v41;
	v54 =	vor.u32 $0x32, v1;
	v3 =	vadd.f32 v48, v3  }
0x107: {  	v55 =	vor.u32 $0x33, v2;
	v10 =	vld.idx.msk [tilespmem:v46+s17+$0x0], $0xffff  }
0x108: {  	v57 =	vld.idx.msk [tilespmem:v47+s16+$0x0], $0xffff;
	v56 =	vmul.f32 v9, v45;
	v58 =	vor.u32 $0x33, v1;
	v3 =	vadd.f32 v52, v3  }
0x109: {  	v59 =	vor.u32 $0x34, v2;
	v11 =	vld.idx.msk [tilespmem:v50+s17+$0x0], $0xffff  }
0x10a: {  	v61 =	vld.idx.msk [tilespmem:v51+s16+$0x0], $0xffff;
	v60 =	vmul.f32 v8, v49;
	v62 =	vor.u32 $0x34, v1;
	v3 =	vadd.f32 v56, v3  }
0x10b: {  	v63 =	vor.u32 $0x35, v2;
	v12 =	vld.idx.msk [tilespmem:v54+s17+$0x0], $0xffff  }
0x10c: {  	v19 =	vld.idx.msk [tilespmem:v55+s16+$0x0], $0xffff;
	v18 =	vmul.f32 v10, v53;
	v20 =	vor.u32 $0x35, v1;
	v3 =	vadd.f32 v60, v3  }
0x10d: {  	v21 =	vor.u32 $0x36, v2;
	v9 =	vld.idx.msk [tilespmem:v58+s17+$0x0], $0xffff  }
0x10e: {  	v23 =	vld.idx.msk [tilespmem:v59+s16+$0x0], $0xffff;
	v22 =	vmul.f32 v11, v57;
	v24 =	vor.u32 $0x36, v1;
	v3 =	vadd.f32 v18, v3  }
0x10f: {  	v25 =	vor.u32 $0x37, v2;
	v8 =	vld.idx.msk [tilespmem:v62+s17+$0x0], $0xffff  }
0x110: {  	v27 =	vld.idx.msk [tilespmem:v63+s16+$0x0], $0xffff;
	v26 =	vmul.f32 v12, v61;
	v28 =	vor.u32 $0x37, v1;
	v3 =	vadd.f32 v22, v3  }
0x111: {  	v29 =	vor.u32 $0x38, v2;
	v10 =	vld.idx.msk [tilespmem:v20+s17+$0x0], $0xffff  }
0x112: {  	v31 =	vld.idx.msk [tilespmem:v21+s16+$0x0], $0xffff;
	v30 =	vmul.f32 v9, v19;
	v32 =	vor.u32 $0x38, v1;
	v3 =	vadd.f32 v26, v3  }
0x113: {  	v33 =	vor.u32 $0x39, v2;
	v11 =	vld.idx.msk [tilespmem:v24+s17+$0x0], $0xffff  }
0x114: {  	v35 =	vld.idx.msk [tilespmem:v25+s16+$0x0], $0xffff;
	v34 =	vmul.f32 v8, v23;
	v36 =	vor.u32 $0x39, v1;
	v3 =	vadd.f32 v30, v3  }
0x115: {  	v37 =	vor.u32 $0x3A, v2;
	v12 =	vld.idx.msk [tilespmem:v28+s17+$0x0], $0xffff  }
0x116: {  	v39 =	vld.idx.msk [tilespmem:v29+s16+$0x0], $0xffff;
	v38 =	vmul.f32 v10, v27;
	v40 =	vor.u32 $0x3A, v1;
	v3 =	vadd.f32 v34, v3  }
0x117: {  	v41 =	vor.u32 $0x3B, v2;
	v9 =	vld.idx.msk [tilespmem:v32+s17+$0x0], $0xffff  }
0x118: {  	v43 =	vld.idx.msk [tilespmem:v33+s16+$0x0], $0xffff;
	v42 =	vmul.f32 v11, v31;
	v44 =	vor.u32 $0x3B, v1;
	v3 =	vadd.f32 v38, v3  }
0x119: {  	v45 =	vor.u32 $0x3C, v2;
	v8 =	vld.idx.msk [tilespmem:v36+s17+$0x0], $0xffff  }
0x11a: {  	v47 =	vld.idx.msk [tilespmem:v37+s16+$0x0], $0xffff;
	v46 =	vmul.f32 v12, v35;
	v48 =	vor.u32 $0x3C, v1;
	v3 =	vadd.f32 v42, v3  }
0x11b: {  	v49 =	vor.u32 $0x3D, v2;
	v10 =	vld.idx.msk [tilespmem:v40+s17+$0x0], $0xffff  }
0x11c: {  	v51 =	vld.idx.msk [tilespmem:v41+s16+$0x0], $0xffff;
	v50 =	vmul.f32 v9, v39;
	v52 =	vor.u32 $0x3D, v1;
	v3 =	vadd.f32 v46, v3  }
0x11d: {  	v53 =	vor.u32 $0x3E, v2;
	v11 =	vld.idx.msk [tilespmem:v44+s17+$0x0], $0xffff  }
0x11e: {  	v55 =	vld.idx.msk [tilespmem:v45+s16+$0x0], $0xffff;
	v54 =	vmul.f32 v8, v43;
	v56 =	vor.u32 $0x3E, v1;
	v3 =	vadd.f32 v50, v3  }
0x11f: {  	v2 =	vor.u32 $0x3F, v2;
	v12 =	vld.idx.msk [tilespmem:v48+s17+$0x0], $0xffff  }
0x120: {  	v58 =	vld.idx.msk [tilespmem:v49+s16+$0x0], $0xffff;
	v1 =	vor.u32 $0x3F, v1;
	v57 =	vmul.f32 v10, v47;
	v3 =	vadd.f32 v54, v3  }
0x121: {  	v9 =	vld.idx.msk [tilespmem:v52+s17+$0x0], $0xffff  }
0x122: {  	v60 =	vld.idx.msk [tilespmem:v53+s16+$0x0], $0xffff;
	v59 =	vmul.f32 v11, v51;
	v3 =	vadd.f32 v57, v3  }
0x123: {  	v8 =	vld.idx.msk [tilespmem:v56+s17+$0x0], $0xffff  }
0x124: {  	v2 =	vld.idx.msk [tilespmem:v2+s16+$0x0], $0xffff;
	v61 =	vmul.f32 v12, v55;
	v3 =	vadd.f32 v59, v3  }
0x125: {  	v1 =	vld.idx.msk [tilespmem:v1+s17+$0x0], $0xffff  }
0x126: {  	v62 =	vmul.f32 v9, v58;
	v3 =	vadd.f32 v61, v3;
	_ =	sdelay $0x1  }
0x127: {  	s18 =	sadd.s32 $0x40, s18;
	v63 =	vmul.f32 v8, v60;
	v3 =	vadd.f32 v62, v3  }
0x128: {  	p0 =	sne.s32 s18, $0x800  }
.Ltmp3:
0x129: {  	v1 =	vmul.f32 v1, v2;
	v3 =	vadd.f32 v63, v3;
	(pc) =	sbr.rel @!p0 .LBB2_5-.Ltmp3, $3  }
0x12a: {  	_ = 	snop  }
0x12b: {  	v1 =	vadd.f32 v1, v3;
	_ =	sdelay $0x1  }
0x12c: {  	s15 =	sadd.s32 $0x4000, s15;
	s19 =	sadd.s32 $0x1, s19;
	[tilespmem:s20+$0x10800] =	vst v1  }
.LBB2_2:
0x12d: {  	p0 =	seq.s32 s18, $0x7C0  }
.Ltmp4:
0x12e: {  	_ = 	snop;
	(pc) =	sbr.rel @p0 .LBB2_4-.Ltmp4, $1  }
0x12f: {  	_ =	sdelay $0x3  }
0x130: {  	s20 =	sshra.s32 s18, $0x2  }
0x131: {  	v1 =	vld [tilespmem:s20+$0x10];
	_ =	sdelay $0x3  }
0x132: {  	v3 =	vld [tilespmem:s20+$0x210]  }
0x133: {  	v2 =	vshll.u32 v1, $0x7  }
0x134: {  	(v2sf) =	vpush v2, $0x0;
	_ =	sdelay $0x2  }
0x135: {  	v1 =	vshll.u32 v3, $0x7  }
0x136: {  	(v2sf) =	vpush v1, $0x0;
	_ =	sdelay $0x3  }
0x137: {  	(v2sf) =	vpush v2, $0x1;
	_ =	sdelay $0x3  }
0x138: {  	(v2sf) =	vpush v1, $0x1;
	_ =	sdelay $0x2  }
0x139: {  	s21 =	spop (v2sf)  }
0x13a: {  	s20 =	sand.u32 $0x4000, s15;
	(v2sf) =	vpush v2, $0x2;
	s21 =	sand.u32 $0x1FFFFF80, s21  }
0x13b: {  	s22 =	sor.u32 $0x800, s20;
	s21 =	sadd.s32 s3, s21  }
0x13c: {  	[tilespmem:s22], [sflag:$0x1] =	stream.linear.gather [hbm4b:s21+s2], $0x400, $0x38;
	[tilespmem:$0x10A00] =	vst v63  }
0x13d: {  	s22 =	spop (v2sf)  }
0x13e: {  	(v2sf) =	vpush v1, $0x2;
	s21 =	sand.u32 $0x1FFFFF80, s22  }
0x13f: {  	s22 =	sor.u32 $0x8800, s20;
	s21 =	sadd.s32 s4, s21  }
0x140: {  	[tilespmem:s22], [sflag:$0x2] =	stream.linear.gather [hbm4b:s21+s2], $0x400, $0x38;
	[tilespmem:$0x10A00] =	vst v63  }
0x141: {  	s22 =	spop (v2sf)  }
0x142: {  	(v2sf) =	vpush v2, $0x3;
	s21 =	sand.u32 $0x1FFFFF80, s22  }
0x143: {  	s22 =	sor.u32 $0xC00, s20;
	s21 =	sadd.s32 s3, s21  }
0x144: {  	[tilespmem:s22], [sflag:$0x1] =	stream.linear.gather [hbm4b:s21+s2], $0x400, $0x38;
	[tilespmem:$0x10A00] =	vst v63  }
0x145: {  	s22 =	spop (v2sf)  }
0x146: {  	(v2sf) =	vpush v1, $0x3;
	s21 =	sand.u32 $0x1FFFFF80, s22  }
0x147: {  	s22 =	sor.u32 $0x8C00, s20;
	s21 =	sadd.s32 s4, s21  }
0x148: {  	[tilespmem:s22], [sflag:$0x2] =	stream.linear.gather [hbm4b:s21+s2], $0x400, $0x38;
	[tilespmem:$0x10A00] =	vst v63  }
0x149: {  	s22 =	spop (v2sf)  }
0x14a: {  	(v2sf) =	vpush v2, $0x4;
	s21 =	sand.u32 $0x1FFFFF80, s22  }
0x14b: {  	s22 =	sor.u32 $0x1000, s20;
	s21 =	sadd.s32 s3, s21  }
0x14c: {  	[tilespmem:s22], [sflag:$0x1] =	stream.linear.gather [hbm4b:s21+s2], $0x400, $0x38;
	[tilespmem:$0x10A00] =	vst v63  }
0x14d: {  	s22 =	spop (v2sf)  }
0x14e: {  	(v2sf) =	vpush v1, $0x4;
	s21 =	sand.u32 $0x1FFFFF80, s22  }
0x14f: {  	s22 =	sor.u32 $0x9000, s20;
	s21 =	sadd.s32 s4, s21  }
0x150: {  	[tilespmem:s22], [sflag:$0x2] =	stream.linear.gather [hbm4b:s21+s2], $0x400, $0x38;
	[tilespmem:$0x10A00] =	vst v63  }
0x151: {  	s22 =	spop (v2sf)  }
0x152: {  	(v2sf) =	vpush v2, $0x5;
	s21 =	sand.u32 $0x1FFFFF80, s22  }
0x153: {  	s22 =	sor.u32 $0x1400, s20;
	s21 =	sadd.s32 s3, s21  }
0x154: {  	[tilespmem:s22], [sflag:$0x1] =	stream.linear.gather [hbm4b:s21+s2], $0x400, $0x38;
	[tilespmem:$0x10A00] =	vst v63  }
0x155: {  	s22 =	spop (v2sf)  }
0x156: {  	(v2sf) =	vpush v1, $0x5;
	s21 =	sand.u32 $0x1FFFFF80, s22  }
0x157: {  	s22 =	sor.u32 $0x9400, s20;
	s21 =	sadd.s32 s4, s21  }
0x158: {  	[tilespmem:s22], [sflag:$0x2] =	stream.linear.gather [hbm4b:s21+s2], $0x400, $0x38;
	[tilespmem:$0x10A00] =	vst v63  }
0x159: {  	s22 =	spop (v2sf)  }
0x15a: {  	(v2sf) =	vpush v2, $0x6;
	s21 =	sand.u32 $0x1FFFFF80, s22  }
0x15b: {  	s22 =	sor.u32 $0x1800, s20;
	s21 =	sadd.s32 s3, s21  }
0x15c: {  	[tilespmem:s22], [sflag:$0x1] =	stream.linear.gather [hbm4b:s21+s2], $0x400, $0x38;
	[tilespmem:$0x10A00] =	vst v63  }
0x15d: {  	s22 =	spop (v2sf)  }
0x15e: {  	(v2sf) =	vpush v1, $0x6;
	s21 =	sand.u32 $0x1FFFFF80, s22  }
0x15f: {  	s22 =	sor.u32 $0x9800, s20;
	s21 =	sadd.s32 s4, s21  }
0x160: {  	[tilespmem:s22], [sflag:$0x2] =	stream.linear.gather [hbm4b:s21+s2], $0x400, $0x38;
	[tilespmem:$0x10A00] =	vst v63  }
0x161: {  	s22 =	spop (v2sf)  }
0x162: {  	(v2sf) =	vpush v2, $0x7;
	s21 =	sand.u32 $0x1FFFFF80, s22  }
0x163: {  	s22 =	sor.u32 $0x1C00, s20;
	s21 =	sadd.s32 s3, s21  }
0x164: {  	[tilespmem:s22], [sflag:$0x1] =	stream.linear.gather [hbm4b:s21+s2], $0x400, $0x38;
	[tilespmem:$0x10A00] =	vst v63  }
0x165: {  	s22 =	spop (v2sf)  }
0x166: {  	(v2sf) =	vpush v1, $0x7;
	s21 =	sand.u32 $0x1FFFFF80, s22  }
0x167: {  	s22 =	sor.u32 $0x9C00, s20;
	s21 =	sadd.s32 s4, s21  }
0x168: {  	[tilespmem:s22], [sflag:$0x2] =	stream.linear.gather [hbm4b:s21+s2], $0x400, $0x38;
	[tilespmem:$0x10A00] =	vst v63  }
0x169: {  	s22 =	spop (v2sf)  }
0x16a: {  	(v2sf) =	vpush v2, $0x8;
	s21 =	sand.u32 $0x1FFFFF80, s22  }
0x16b: {  	s22 =	sor.u32 $0x2000, s20;
	s21 =	sadd.s32 s3, s21  }
0x16c: {  	[tilespmem:s22], [sflag:$0x1] =	stream.linear.gather [hbm4b:s21+s2], $0x400, $0x38;
	[tilespmem:$0x10A00] =	vst v63  }
0x16d: {  	s22 =	spop (v2sf)  }
0x16e: {  	(v2sf) =	vpush v1, $0x8;
	s21 =	sand.u32 $0x1FFFFF80, s22  }
0x16f: {  	s22 =	sor.u32 $0xA000, s20;
	s21 =	sadd.s32 s4, s21  }
0x170: {  	[tilespmem:s22], [sflag:$0x2] =	stream.linear.gather [hbm4b:s21+s2], $0x400, $0x38;
	[tilespmem:$0x10A00] =	vst v63  }
0x171: {  	s22 =	spop (v2sf)  }
0x172: {  	(v2sf) =	vpush v2, $0x9;
	s21 =	sand.u32 $0x1FFFFF80, s22  }
0x173: {  	s22 =	sor.u32 $0x2400, s20;
	s21 =	sadd.s32 s3, s21  }
0x174: {  	[tilespmem:s22], [sflag:$0x1] =	stream.linear.gather [hbm4b:s21+s2], $0x400, $0x38;
	[tilespmem:$0x10A00] =	vst v63  }
0x175: {  	s22 =	spop (v2sf)  }
0x176: {  	(v2sf) =	vpush v1, $0x9;
	s21 =	sand.u32 $0x1FFFFF80, s22  }
0x177: {  	s22 =	sor.u32 $0xA400, s20;
	s21 =	sadd.s32 s4, s21  }
0x178: {  	[tilespmem:s22], [sflag:$0x2] =	stream.linear.gather [hbm4b:s21+s2], $0x400, $0x38;
	[tilespmem:$0x10A00] =	vst v63  }
0x179: {  	s22 =	spop (v2sf)  }
0x17a: {  	(v2sf) =	vpush v2, $0xA;
	s21 =	sand.u32 $0x1FFFFF80, s22  }
0x17b: {  	s22 =	sor.u32 $0x2800, s20;
	s21 =	sadd.s32 s3, s21  }
0x17c: {  	[tilespmem:s22], [sflag:$0x1] =	stream.linear.gather [hbm4b:s21+s2], $0x400, $0x38;
	[tilespmem:$0x10A00] =	vst v63  }
0x17d: {  	s22 =	spop (v2sf)  }
0x17e: {  	(v2sf) =	vpush v1, $0xA;
	s21 =	sand.u32 $0x1FFFFF80, s22  }
0x17f: {  	s22 =	sor.u32 $0xA800, s20;
	s21 =	sadd.s32 s4, s21  }
0x180: {  	[tilespmem:s22], [sflag:$0x2] =	stream.linear.gather [hbm4b:s21+s2], $0x400, $0x38;
	[tilespmem:$0x10A00] =	vst v63  }
0x181: {  	s22 =	spop (v2sf)  }
0x182: {  	(v2sf) =	vpush v2, $0xB;
	s21 =	sand.u32 $0x1FFFFF80, s22  }
0x183: {  	s22 =	sor.u32 $0x2C00, s20;
	s21 =	sadd.s32 s3, s21  }
0x184: {  	[tilespmem:s22], [sflag:$0x1] =	stream.linear.gather [hbm4b:s21+s2], $0x400, $0x38;
	[tilespmem:$0x10A00] =	vst v63  }
0x185: {  	s22 =	spop (v2sf)  }
0x186: {  	(v2sf) =	vpush v1, $0xB;
	s21 =	sand.u32 $0x1FFFFF80, s22  }
0x187: {  	s22 =	sor.u32 $0xAC00, s20;
	s21 =	sadd.s32 s4, s21  }
0x188: {  	[tilespmem:s22], [sflag:$0x2] =	stream.linear.gather [hbm4b:s21+s2], $0x400, $0x38;
	[tilespmem:$0x10A00] =	vst v63  }
0x189: {  	s22 =	spop (v2sf)  }
0x18a: {  	(v2sf) =	vpush v2, $0xC;
	s21 =	sand.u32 $0x1FFFFF80, s22  }
0x18b: {  	s22 =	sor.u32 $0x3000, s20;
	s21 =	sadd.s32 s3, s21  }
0x18c: {  	[tilespmem:s22], [sflag:$0x1] =	stream.linear.gather [hbm4b:s21+s2], $0x400, $0x38;
	[tilespmem:$0x10A00] =	vst v63  }
0x18d: {  	s22 =	spop (v2sf)  }
0x18e: {  	(v2sf) =	vpush v1, $0xC;
	s21 =	sand.u32 $0x1FFFFF80, s22  }
0x18f: {  	s22 =	sor.u32 $0xB000, s20;
	s21 =	sadd.s32 s4, s21  }
0x190: {  	[tilespmem:s22], [sflag:$0x2] =	stream.linear.gather [hbm4b:s21+s2], $0x400, $0x38;
	[tilespmem:$0x10A00] =	vst v63  }
0x191: {  	s22 =	spop (v2sf)  }
0x192: {  	(v2sf) =	vpush v2, $0xD;
	s21 =	sand.u32 $0x1FFFFF80, s22  }
0x193: {  	s22 =	sor.u32 $0x3400, s20;
	s21 =	sadd.s32 s3, s21  }
0x194: {  	[tilespmem:s22], [sflag:$0x1] =	stream.linear.gather [hbm4b:s21+s2], $0x400, $0x38;
	[tilespmem:$0x10A00] =	vst v63  }
0x195: {  	s22 =	spop (v2sf)  }
0x196: {  	(v2sf) =	vpush v1, $0xD;
	s21 =	sand.u32 $0x1FFFFF80, s22  }
0x197: {  	s22 =	sor.u32 $0xB400, s20;
	s21 =	sadd.s32 s4, s21  }
0x198: {  	[tilespmem:s22], [sflag:$0x2] =	stream.linear.gather [hbm4b:s21+s2], $0x400, $0x38;
	[tilespmem:$0x10A00] =	vst v63  }
0x199: {  	s22 =	spop (v2sf)  }
0x19a: {  	(v2sf) =	vpush v2, $0xE;
	s21 =	sand.u32 $0x1FFFFF80, s22  }
0x19b: {  	s22 =	sor.u32 $0x3800, s20;
	s21 =	sadd.s32 s3, s21  }
0x19c: {  	[tilespmem:s22], [sflag:$0x1] =	stream.linear.gather [hbm4b:s21+s2], $0x400, $0x38;
	[tilespmem:$0x10A00] =	vst v63  }
0x19d: {  	s22 =	spop (v2sf)  }
0x19e: {  	(v2sf) =	vpush v1, $0xE;
	s21 =	sand.u32 $0x1FFFFF80, s22  }
0x19f: {  	s22 =	sor.u32 $0xB800, s20;
	s21 =	sadd.s32 s4, s21  }
0x1a0: {  	[tilespmem:s22], [sflag:$0x2] =	stream.linear.gather [hbm4b:s21+s2], $0x400, $0x38;
	[tilespmem:$0x10A00] =	vst v63  }
0x1a1: {  	s22 =	spop (v2sf)  }
0x1a2: {  	(v2sf) =	vpush v2, $0xF;
	s21 =	sand.u32 $0x1FFFFF80, s22  }
0x1a3: {  	s22 =	sor.u32 $0x3C00, s20;
	s21 =	sadd.s32 s3, s21  }
0x1a4: {  	[tilespmem:s22], [sflag:$0x1] =	stream.linear.gather [hbm4b:s21+s2], $0x400, $0x38;
	[tilespmem:$0x10A00] =	vst v63  }
0x1a5: {  	s22 =	spop (v2sf)  }
0x1a6: {  	s21 =	sand.u32 $0x1FFFFF80, s22  }
0x1a7: {  	(v2sf) =	vpush v1, $0xF;
	s22 =	sor.u32 $0xBC00, s20;
	s21 =	sadd.s32 s4, s21  }
0x1a8: {  	[tilespmem:s22], [sflag:$0x2] =	stream.linear.gather [hbm4b:s21+s2], $0x400, $0x38;
	[tilespmem:$0x10A00] =	vst v63  }
0x1a9: {  	s22 =	spop (v2sf)  }
0x1aa: {  	s21 =	sand.u32 $0x1FFFFF80, s22  }
0x1ab: {  	s22 =	sadd.s32 $0x4000, s20;
	s21 =	sadd.s32 s3, s21  }
0x1ac: {  	[tilespmem:s22], [sflag:$0x1] =	stream.linear.gather [hbm4b:s21+s2], $0x400, $0x38;
	[tilespmem:$0x10A00] =	vst v63  }
0x1ad: {  	s22 =	spop (v2sf)  }
0x1ae: {  	s21 =	sand.u32 $0x1FFFFF80, s22  }
0x1af: {  	s22 =	sadd.s32 $0xC000, s20;
	s21 =	sadd.s32 s4, s21  }
0x1b0: {  	[tilespmem:s22], [sflag:$0x2] =	stream.linear.gather [hbm4b:s21+s2], $0x400, $0x38;
	[tilespmem:$0x10A00] =	vst v63  }
0x1b1: {  	s22 =	spop (v2sf)  }
0x1b2: {  	s21 =	sand.u32 $0x1FFFFF80, s22  }
0x1b3: {  	s22 =	sadd.s32 $0x4400, s20;
	s21 =	sadd.s32 s3, s21  }
0x1b4: {  	[tilespmem:s22], [sflag:$0x1] =	stream.linear.gather [hbm4b:s21+s2], $0x400, $0x38;
	[tilespmem:$0x10A00] =	vst v63  }
.Ltmp5:
0x1b5: {  	_ = 	snop;
	(pc) =	sbr.rel .LBB2_4-.Ltmp5, $4  }
0x1b6: {  	s22 =	spop (v2sf)  }
0x1b7: {  	s21 =	sand.u32 $0x1FFFFF80, s22  }
0x1b8: {  	s20 =	sadd.s32 $0xC400, s20;
	s21 =	sadd.s32 s4, s21  }
0x1b9: {  	[tilespmem:s20], [sflag:$0x2] =	stream.linear.gather [hbm4b:s21+s2], $0x400, $0x38;
	[tilespmem:$0x10A00] =	vst v63  }
.LBB2_6:
0x1ba: {  	_ =	sfence.sel $0x180000  }
0x1bb: {  	[bflag:$0x0] =	sbarrier.arrive $0xFFFF  }
0x1bc: {  	_ =	strace $0x90000047  }
0x1bd: {  	s0 =	stileid.u32;
	[bflag:$0x2] =	sbarrier.arrive $0xFFFF  }
0x1be: {  	p0 =	sne.s32 s0, $0x0;
	s0 =	rddreg [dreg:$0x2]  }
0x1bf: {  	s0 =	sadd.s32 @!p0 $0x100000, s0  }
0x1c0: {  	[sflag:s0] =	ssyncadd.tile.s32 @!p0 $0x1;
	_ =	shalt  }
.Lfunc_end2:
_tile_overlayer_lowered:
.L_overlay_start_2:
0x1c1: {  	(tag) =	ssettag $0x2  }
0x1c2: {  	s0 =	rddreg [dreg:$0x0];
	s2 =	stileid.u32  }
0x1c3: {  	s1 =	rddreg [dreg:$0x1];
	p0 =	sne.s32 s2, $0x0  }
0x1c4: {  	s3 =	rddreg [dreg:$0x2];
	[bflag:$0x3] =	sbarrier.arrive $0xFFFF;
	s2 =	simm.s32 @!p0 $0x1C03  }
0x1c5: {  	[timem:s3], [sflag:s2] =	dma.local @!p0 [hbm:s0], s1  }
0x1c6: {  	s0 =	simm.s32 @!p0 $0x3  }
0x1c7: {  	_ =	swait.ge @!p0 [sflag:s0], s1  }
0x1c8: {  	s1 =	ssub.s32 @!p0 $0x0, s1;
	[sflag:s0] =	ssyncset.done @!p0 $0x0  }
0x1c9: {  	[sflag:s0] =	ssyncadd.s32 @!p0 s1  }
0x1ca: {  	[bflag:$0x3] =	sbarrier.arrive $0xFFFF  }
0x1cb: {  	_ =	shalt  }

</sc_bundles>
